<compile_context>
chip_gen: v7x
topology: tpu7x:2x2x1
jax: 0.10.2.dev20260603
libtpu: 0.0.44.dev20260713+nightly
codegen_flags: <defaults>
</compile_context>

<pallas_src>
import functools

import jax
import jax.numpy as jnp
from jax import lax
from jax.experimental import pallas as pl
from jax.experimental.pallas import tpu as pltpu
from jax.experimental.pallas import tpu_sc as plsc

_B = 16384
_DIM = 32
_NC = 2
_NS = 16
_NW = _NC * _NS
_BPW = _B // _NW
_NB = 8
_L = 16


def _sc_body(src_hbm, tgt_hbm, ns_hbm, ctx_hbm, out_hbm,
             sidx, tidx, sbufs, tbufs, outv, sems, semt):
    wid = lax.axis_index("s") * _NC + lax.axis_index("c")
    base = wid * _BPW

    pltpu.sync_copy(src_hbm.at[pl.ds(base, _BPW)], sidx)
    pltpu.sync_copy(tgt_hbm.at[pl.ds(base, _BPW)], tidx)

    lane = lax.iota(jnp.int32, _L)

    def fire(rs, rt, b):
        cs = pl.multiple_of(lax.shift_right_logical(rs, 7) * 128, 128)
        ct = pl.multiple_of(lax.shift_right_logical(rt, 7) * 128, 128)
        pltpu.async_copy(ns_hbm.at[:, pl.ds(cs, 128)], sbufs[b], sems.at[b])
        pltpu.async_copy(ctx_hbm.at[:, pl.ds(ct, 128)], tbufs[b], semt.at[b])

    def drain(b):
        pltpu.make_async_copy(ns_hbm.at[:, pl.ds(0, 128)], sbufs[b], sems.at[b]).wait()
        pltpu.make_async_copy(ctx_hbm.at[:, pl.ds(0, 128)], tbufs[b], semt.at[b]).wait()

    def idx_vecs(g):
        off = pl.multiple_of(g * _L, _L)
        return sidx[pl.ds(off, _L)], tidx[pl.ds(off, _L)]

    siv0, tiv0 = idx_vecs(0)
    for b in range(_NB):
        fire(siv0[b], tiv0[b], b)

    def group(g, carry):
        siv, tiv = idx_vecs(g)
        snx, tnx = idx_vecs(jnp.minimum(g + 1, _BPW // _L - 1))
        acc = jnp.zeros((_L,), jnp.float32)
        for b in range(_L):
            slot = b % _NB
            drain(slot)
            sl = jnp.full((_L,), siv[b] & 127, jnp.int32)
            tl = jnp.full((_L,), tiv[b] & 127, jnp.int32)
            sv1 = plsc.load_gather(sbufs[slot], [lane, sl])
            sv2 = plsc.load_gather(sbufs[slot], [lane + _L, sl])
            tv1 = plsc.load_gather(tbufs[slot], [lane, tl])
            tv2 = plsc.load_gather(tbufs[slot], [lane + _L, tl])
            dot = jnp.sum(sv1 * tv1 + sv2 * tv2)
            acc = jnp.where(lane == b, dot, acc)

            if b < _NB:
                fire(siv[b + _NB], tiv[b + _NB], slot)
            else:
                rs, rt = snx[b - _NB], tnx[b - _NB]

                @pl.when(g < _BPW // _L - 1)
                def _():
                    fire(rs, rt, slot)

        outv[pl.ds(pl.multiple_of(g * _L, _L), _L)] = acc
        return carry

    lax.fori_loop(0, _BPW // _L, group, 0)

    pltpu.sync_copy(outv, out_hbm.at[pl.ds(base, _BPW)])


@functools.partial(
    pl.kernel,
    out_type=jax.ShapeDtypeStruct((_B,), jnp.float32),
    mesh=plsc.VectorSubcoreMesh(core_axis_name="c", subcore_axis_name="s"),
    scratch_types=[
        pltpu.VMEM((_BPW,), jnp.int32),
        pltpu.VMEM((_BPW,), jnp.int32),
        [pltpu.VMEM((_DIM, 128), jnp.float32)] * _NB,
        [pltpu.VMEM((_DIM, 128), jnp.float32)] * _NB,
        pltpu.VMEM((_BPW,), jnp.float32),
        pltpu.SemaphoreType.DMA((_NB,)),
        pltpu.SemaphoreType.DMA((_NB,)),
    ],
    compiler_params=pltpu.CompilerParams(needs_layout_passes=False),
)
def _sc_dot(src_hbm, tgt_hbm, ns_hbm, ctx_hbm, out_hbm,
            sidx, tidx, sbufs, tbufs, outv, sems, semt):
    _sc_body(src_hbm, tgt_hbm, ns_hbm, ctx_hbm, out_hbm,
             sidx, tidx, sbufs, tbufs, outv, sems, semt)


def _loss_body(ip_ref, lab_ref, o_ref):
    x = lab_ref[...] * ip_ref[...]
    o_ref[0, 0] = -jnp.sum(jax.nn.log_sigmoid(x)) * (1.0 / _B)


_loss = pl.pallas_call(
    _loss_body,
    out_shape=jax.ShapeDtypeStruct((1, 1), jnp.float32),
    out_specs=pl.BlockSpec(memory_space=pltpu.MemorySpace.SMEM),
)


def kernel(source_node, target_node, label, nodes_embed, context_nodes_embed):
    ip = _sc_dot(source_node, target_node,
                 nodes_embed.T, context_nodes_embed.T)
    loss = _loss(ip.reshape(128, 128), label.reshape(128, 128))
    return loss.reshape(())

# --- scband reference (transcript-rebuilt; emitter-appended) ---
"""Pipeline reference for scband-line-87840671138079 (READ-ONLY COPY).

The authoritative reference and input builder live on the scoring server;
editing this copy changes nothing except your own understanding.
"""

import jax, jax.numpy as jnp
import numpy as np

N1 = 1000000
DIM = 32
B = 16384


def setup_inputs(seed: int = 0) -> dict:
    key = jax.random.key(seed)
    k1, k2, k3, k4, k5 = jax.random.split(key, 5)
    source_node = jax.random.randint(k1, (B,), 0, N1, dtype=jnp.int32)
    target_node = jax.random.randint(k2, (B,), 0, N1, dtype=jnp.int32)
    label = jax.random.uniform(k3, (B,), dtype=jnp.float32)
    nodes_embed = jax.random.uniform(k4, (N1, DIM), minval=-100.0, maxval=100.0, dtype=jnp.float32)
    context_nodes_embed = jax.random.uniform(k5, (N1, DIM), minval=-100.0, maxval=100.0, dtype=jnp.float32)
    return {
        "source_node": source_node,
        "target_node": target_node,
        "label": label,
        "nodes_embed": nodes_embed,
        "context_nodes_embed": context_nodes_embed,
    }


def reference(source_node, target_node, label, nodes_embed, context_nodes_embed):
    # order == 2: source from nodes_embed, target from context_nodes_embed
    source_embed = jnp.take(nodes_embed, source_node, axis=0)
    target_embed = jnp.take(context_nodes_embed, target_node, axis=0)
    inner_product = jnp.sum(source_embed * target_embed, axis=1)
    pos_neg = label * inner_product
    logsig_loss = jax.nn.log_sigmoid(pos_neg)
    mean_loss = -jnp.mean(logsig_loss)
    return mean_loss

if __name__ == "__main__":
    import jax
    _d = setup_inputs()
    print(jax.jit(kernel)(*tuple(_d.values())))

</pallas_src>

<mosaic_0001>
#map = affine_map<(d0, d1) -> (0)>
#map1 = affine_map<(d0, d1) -> (0, 0)>
module attributes {stable_mosaic.version = 14 : i64} {
  func.func @_sc_dot(%arg0: i32, %arg1: i32, %arg2: memref<16384xi32, #tpu.memory_space<hbm>>, %arg3: memref<16384xi32, #tpu.memory_space<hbm>>, %arg4: memref<32x1000000xf32, #tpu.memory_space<hbm>>, %arg5: memref<32x1000000xf32, #tpu.memory_space<hbm>>, %arg6: memref<16384xf32, #tpu.memory_space<hbm>>, %arg7: memref<512xi32, #tpu.memory_space<vmem>>, %arg8: memref<512xi32, #tpu.memory_space<vmem>>, %arg9: memref<32x128xf32, #tpu.memory_space<vmem>>, %arg10: memref<32x128xf32, #tpu.memory_space<vmem>>, %arg11: memref<32x128xf32, #tpu.memory_space<vmem>>, %arg12: memref<32x128xf32, #tpu.memory_space<vmem>>, %arg13: memref<32x128xf32, #tpu.memory_space<vmem>>, %arg14: memref<32x128xf32, #tpu.memory_space<vmem>>, %arg15: memref<32x128xf32, #tpu.memory_space<vmem>>, %arg16: memref<32x128xf32, #tpu.memory_space<vmem>>, %arg17: memref<32x128xf32, #tpu.memory_space<vmem>>, %arg18: memref<32x128xf32, #tpu.memory_space<vmem>>, %arg19: memref<32x128xf32, #tpu.memory_space<vmem>>, %arg20: memref<32x128xf32, #tpu.memory_space<vmem>>, %arg21: memref<32x128xf32, #tpu.memory_space<vmem>>, %arg22: memref<32x128xf32, #tpu.memory_space<vmem>>, %arg23: memref<32x128xf32, #tpu.memory_space<vmem>>, %arg24: memref<32x128xf32, #tpu.memory_space<vmem>>, %arg25: memref<512xf32, #tpu.memory_space<vmem>>, %arg26: memref<8x!tpu.dma_semaphore, #tpu.memory_space<semaphore_mem>>, %arg27: memref<8x!tpu.dma_semaphore, #tpu.memory_space<semaphore_mem>>) attributes {dimension_semantics = [#tpu.dimension_semantics<core_parallel>, #tpu.dimension_semantics<subcore_parallel>], iteration_bounds = array<i64: 2, 16>, scalar_prefetch = 0 : i64, scratch_operands = 21 : i64, tpu.core_type = #tpu.core_type<sc_vector_subcore>, window_params = [{transform_indices = #map}, {transform_indices = #map}, {transform_indices = #map1}, {transform_indices = #map1}, {transform_indices = #map}]} {
    %mul3A = arith.constant 2 : i32
    %mul3A_0 = arith.muli %arg1, %mul3A : i32
    %add3A = arith.addi %mul3A_0, %arg0 : i32
    %mul3A_1 = arith.constant 512 : i32
    %mul3A_2 = arith.muli %add3A, %mul3A_1 : i32
    "tpu.region"() ({
      %run_scoped3A = tpu.sem_alloc : memref<!tpu.dma_semaphore, #tpu.memory_space<semaphore_mem>>
      %dma_start3A_232 = tpu.memref_slice %arg2[%mul3A_2] : memref<16384xi32, #tpu.memory_space<hbm>> -> memref<512xi32, #tpu.memory_space<hbm>>
      %dma_start3A_233 = tpu.memref_slice %arg2[%mul3A_2] : memref<16384xi32, #tpu.memory_space<hbm>> -> memref<512xi32, #tpu.memory_space<hbm>>
      tpu.enqueue_dma source(%dma_start3A_233 : memref<512xi32, #tpu.memory_space<hbm>>) target(%arg7 : memref<512xi32, #tpu.memory_space<vmem>>) target_semaphore(%run_scoped3A : memref<!tpu.dma_semaphore, #tpu.memory_space<semaphore_mem>>)
      %dma_wait3A = tpu.memref_slice %arg2[%mul3A_2] : memref<16384xi32, #tpu.memory_space<hbm>> -> memref<512xi32, #tpu.memory_space<hbm>>
      %dma_wait3A_234 = tpu.memref_slice %arg2[%mul3A_2] : memref<16384xi32, #tpu.memory_space<hbm>> -> memref<512xi32, #tpu.memory_space<hbm>>
      tpu.wait_dma2 semaphore(%run_scoped3A : memref<!tpu.dma_semaphore, #tpu.memory_space<semaphore_mem>>) src(%dma_wait3A_234 : memref<512xi32, #tpu.memory_space<hbm>>) dst(%arg7 : memref<512xi32, #tpu.memory_space<vmem>>)
      tpu.yield
    }) : () -> ()
    "tpu.region"() ({
      %run_scoped3A = tpu.sem_alloc : memref<!tpu.dma_semaphore, #tpu.memory_space<semaphore_mem>>
      %dma_start3A_232 = tpu.memref_slice %arg3[%mul3A_2] : memref<16384xi32, #tpu.memory_space<hbm>> -> memref<512xi32, #tpu.memory_space<hbm>>
      %dma_start3A_233 = tpu.memref_slice %arg3[%mul3A_2] : memref<16384xi32, #tpu.memory_space<hbm>> -> memref<512xi32, #tpu.memory_space<hbm>>
      tpu.enqueue_dma source(%dma_start3A_233 : memref<512xi32, #tpu.memory_space<hbm>>) target(%arg8 : memref<512xi32, #tpu.memory_space<vmem>>) target_semaphore(%run_scoped3A : memref<!tpu.dma_semaphore, #tpu.memory_space<semaphore_mem>>)
      %dma_wait3A = tpu.memref_slice %arg3[%mul3A_2] : memref<16384xi32, #tpu.memory_space<hbm>> -> memref<512xi32, #tpu.memory_space<hbm>>
      %dma_wait3A_234 = tpu.memref_slice %arg3[%mul3A_2] : memref<16384xi32, #tpu.memory_space<hbm>> -> memref<512xi32, #tpu.memory_space<hbm>>
      tpu.wait_dma2 semaphore(%run_scoped3A : memref<!tpu.dma_semaphore, #tpu.memory_space<semaphore_mem>>) src(%dma_wait3A_234 : memref<512xi32, #tpu.memory_space<hbm>>) dst(%arg8 : memref<512xi32, #tpu.memory_space<vmem>>)
      tpu.yield
    }) : () -> ()
    %iota3A = tpu.iota {dimensions = array<i32: 0>} : vector<16xi32>
    %multiple_of3A = arith.constant 0 : i32
    %multiple_of3A_3 = tpu.assume_multiple %multiple_of3A, 16 : i32
    %get3A = arith.index_cast %multiple_of3A_3 : i32 to index
    %get3A_4 = tpu.vector_load %arg7[%get3A] {strides = array<i32>} : memref<512xi32, #tpu.memory_space<vmem>>, vector<16xi32>,
    %get3A_5 = arith.index_cast %multiple_of3A_3 : i32 to index
    %get3A_6 = tpu.vector_load %arg8[%get3A_5] {strides = array<i32>} : memref<512xi32, #tpu.memory_space<vmem>>, vector<16xi32>,
    %slice3A = vector.extract_strided_slice %get3A_4 {offsets = [0], sizes = [1], strides = [1]} : vector<16xi32> to vector<1xi32>
    %squeeze3A = vector.extract %slice3A[0] : i32 from vector<1xi32>
    %slice3A_7 = vector.extract_strided_slice %get3A_6 {offsets = [0], sizes = [1], strides = [1]} : vector<16xi32> to vector<1xi32>
    %squeeze3A_8 = vector.extract %slice3A_7[0] : i32 from vector<1xi32>
    %shift_right_logical3A = arith.constant 7 : i32
    %shift_right_logical3A_9 = arith.shrui %squeeze3A, %shift_right_logical3A : i32
    %mul3A_10 = arith.constant 128 : i32
    %mul3A_11 = arith.muli %shift_right_logical3A_9, %mul3A_10 : i32
    %multiple_of3A_12 = tpu.assume_multiple %mul3A_11, 128 : i32
    %shift_right_logical3A_13 = arith.constant 7 : i32
    %shift_right_logical3A_14 = arith.shrui %squeeze3A_8, %shift_right_logical3A_13 : i32
    %mul3A_15 = arith.constant 128 : i32
    %mul3A_16 = arith.muli %shift_right_logical3A_14, %mul3A_15 : i32
    %multiple_of3A_17 = tpu.assume_multiple %mul3A_16, 128 : i32
    %dma_start3A = arith.constant 0 : i32
    %dma_start3A_18 = arith.constant 0 : i32
    %dma_start3A_19 = tpu.memref_slice %arg4[%dma_start3A_18, %multiple_of3A_12] : memref<32x1000000xf32, #tpu.memory_space<hbm>> -> memref<32x128xf32, #tpu.memory_space<hbm>>
    %dma_start3A_20 = tpu.memref_slice %arg26[%dma_start3A] : memref<8x!tpu.dma_semaphore, #tpu.memory_space<semaphore_mem>> -> memref<1x!tpu.dma_semaphore, #tpu.memory_space<semaphore_mem>>
    %dma_start3A_21 = tpu.memref_squeeze %dma_start3A_20 : memref<1x!tpu.dma_semaphore, #tpu.memory_space<semaphore_mem>> -> memref<!tpu.dma_semaphore, #tpu.memory_space<semaphore_mem>>
    %dma_start3A_22 = arith.constant 0 : i32
    %dma_start3A_23 = tpu.memref_slice %arg4[%dma_start3A_22, %multiple_of3A_12] : memref<32x1000000xf32, #tpu.memory_space<hbm>> -> memref<32x128xf32, #tpu.memory_space<hbm>>
    tpu.enqueue_dma source(%dma_start3A_23 : memref<32x128xf32, #tpu.memory_space<hbm>>) target(%arg9 : memref<32x128xf32, #tpu.memory_space<vmem>>) target_semaphore(%dma_start3A_21 : memref<!tpu.dma_semaphore, #tpu.memory_space<semaphore_mem>>)
    %dma_start3A_24 = arith.constant 0 : i32
    %dma_start3A_25 = arith.constant 0 : i32
    %dma_start3A_26 = tpu.memref_slice %arg5[%dma_start3A_25, %multiple_of3A_17] : memref<32x1000000xf32, #tpu.memory_space<hbm>> -> memref<32x128xf32, #tpu.memory_space<hbm>>
    %dma_start3A_27 = tpu.memref_slice %arg27[%dma_start3A_24] : memref<8x!tpu.dma_semaphore, #tpu.memory_space<semaphore_mem>> -> memref<1x!tpu.dma_semaphore, #tpu.memory_space<semaphore_mem>>
    %dma_start3A_28 = tpu.memref_squeeze %dma_start3A_27 : memref<1x!tpu.dma_semaphore, #tpu.memory_space<semaphore_mem>> -> memref<!tpu.dma_semaphore, #tpu.memory_space<semaphore_mem>>
    %dma_start3A_29 = arith.constant 0 : i32
    %dma_start3A_30 = tpu.memref_slice %arg5[%dma_start3A_29, %multiple_of3A_17] : memref<32x1000000xf32, #tpu.memory_space<hbm>> -> memref<32x128xf32, #tpu.memory_space<hbm>>
    tpu.enqueue_dma source(%dma_start3A_30 : memref<32x128xf32, #tpu.memory_space<hbm>>) target(%arg17 : memref<32x128xf32, #tpu.memory_space<vmem>>) target_semaphore(%dma_start3A_28 : memref<!tpu.dma_semaphore, #tpu.memory_space<semaphore_mem>>)
    %slice3A_31 = vector.extract_strided_slice %get3A_4 {offsets = [1], sizes = [1], strides = [1]} : vector<16xi32> to vector<1xi32>
    %squeeze3A_32 = vector.extract %slice3A_31[0] : i32 from vector<1xi32>
    %slice3A_33 = vector.extract_strided_slice %get3A_6 {offsets = [1], sizes = [1], strides = [1]} : vector<16xi32> to vector<1xi32>
    %squeeze3A_34 = vector.extract %slice3A_33[0] : i32 from vector<1xi32>
    %shift_right_logical3A_35 = arith.constant 7 : i32
    %shift_right_logical3A_36 = arith.shrui %squeeze3A_32, %shift_right_logical3A_35 : i32
    %mul3A_37 = arith.constant 128 : i32
    %mul3A_38 = arith.muli %shift_right_logical3A_36, %mul3A_37 : i32
    %multiple_of3A_39 = tpu.assume_multiple %mul3A_38, 128 : i32
    %shift_right_logical3A_40 = arith.constant 7 : i32
    %shift_right_logical3A_41 = arith.shrui %squeeze3A_34, %shift_right_logical3A_40 : i32
    %mul3A_42 = arith.constant 128 : i32
    %mul3A_43 = arith.muli %shift_right_logical3A_41, %mul3A_42 : i32
    %multiple_of3A_44 = tpu.assume_multiple %mul3A_43, 128 : i32
    %dma_start3A_45 = arith.constant 1 : i32
    %dma_start3A_46 = arith.constant 0 : i32
    %dma_start3A_47 = tpu.memref_slice %arg4[%dma_start3A_46, %multiple_of3A_39] : memref<32x1000000xf32, #tpu.memory_space<hbm>> -> memref<32x128xf32, #tpu.memory_space<hbm>>
    %dma_start3A_48 = tpu.memref_slice %arg26[%dma_start3A_45] : memref<8x!tpu.dma_semaphore, #tpu.memory_space<semaphore_mem>> -> memref<1x!tpu.dma_semaphore, #tpu.memory_space<semaphore_mem>>
    %dma_start3A_49 = tpu.memref_squeeze %dma_start3A_48 : memref<1x!tpu.dma_semaphore, #tpu.memory_space<semaphore_mem>> -> memref<!tpu.dma_semaphore, #tpu.memory_space<semaphore_mem>>
    %dma_start3A_50 = arith.constant 0 : i32
    %dma_start3A_51 = tpu.memref_slice %arg4[%dma_start3A_50, %multiple_of3A_39] : memref<32x1000000xf32, #tpu.memory_space<hbm>> -> memref<32x128xf32, #tpu.memory_space<hbm>>
    tpu.enqueue_dma source(%dma_start3A_51 : memref<32x128xf32, #tpu.memory_space<hbm>>) target(%arg10 : memref<32x128xf32, #tpu.memory_space<vmem>>) target_semaphore(%dma_start3A_49 : memref<!tpu.dma_semaphore, #tpu.memory_space<semaphore_mem>>)
    %dma_start3A_52 = arith.constant 1 : i32
    %dma_start3A_53 = arith.constant 0 : i32
    %dma_start3A_54 = tpu.memref_slice %arg5[%dma_start3A_53, %multiple_of3A_44] : memref<32x1000000xf32, #tpu.memory_space<hbm>> -> memref<32x128xf32, #tpu.memory_space<hbm>>
    %dma_start3A_55 = tpu.memref_slice %arg27[%dma_start3A_52] : memref<8x!tpu.dma_semaphore, #tpu.memory_space<semaphore_mem>> -> memref<1x!tpu.dma_semaphore, #tpu.memory_space<semaphore_mem>>
    %dma_start3A_56 = tpu.memref_squeeze %dma_start3A_55 : memref<1x!tpu.dma_semaphore, #tpu.memory_space<semaphore_mem>> -> memref<!tpu.dma_semaphore, #tpu.memory_space<semaphore_mem>>
    %dma_start3A_57 = arith.constant 0 : i32
    %dma_start3A_58 = tpu.memref_slice %arg5[%dma_start3A_57, %multiple_of3A_44] : memref<32x1000000xf32, #tpu.memory_space<hbm>> -> memref<32x128xf32, #tpu.memory_space<hbm>>
    tpu.enqueue_dma source(%dma_start3A_58 : memref<32x128xf32, #tpu.memory_space<hbm>>) target(%arg18 : memref<32x128xf32, #tpu.memory_space<vmem>>) target_semaphore(%dma_start3A_56 : memref<!tpu.dma_semaphore, #tpu.memory_space<semaphore_mem>>)
    %slice3A_59 = vector.extract_strided_slice %get3A_4 {offsets = [2], sizes = [1], strides = [1]} : vector<16xi32> to vector<1xi32>
    %squeeze3A_60 = vector.extract %slice3A_59[0] : i32 from vector<1xi32>
    %slice3A_61 = vector.extract_strided_slice %get3A_6 {offsets = [2], sizes = [1], strides = [1]} : vector<16xi32> to vector<1xi32>
    %squeeze3A_62 = vector.extract %slice3A_61[0] : i32 from vector<1xi32>
    %shift_right_logical3A_63 = arith.constant 7 : i32
    %shift_right_logical3A_64 = arith.shrui %squeeze3A_60, %shift_right_logical3A_63 : i32
    %mul3A_65 = arith.constant 128 : i32
    %mul3A_66 = arith.muli %shift_right_logical3A_64, %mul3A_65 : i32
    %multiple_of3A_67 = tpu.assume_multiple %mul3A_66, 128 : i32
    %shift_right_logical3A_68 = arith.constant 7 : i32
    %shift_right_logical3A_69 = arith.shrui %squeeze3A_62, %shift_right_logical3A_68 : i32
    %mul3A_70 = arith.constant 128 : i32
    %mul3A_71 = arith.muli %shift_right_logical3A_69, %mul3A_70 : i32
    %multiple_of3A_72 = tpu.assume_multiple %mul3A_71, 128 : i32
    %dma_start3A_73 = arith.constant 2 : i32
    %dma_start3A_74 = arith.constant 0 : i32
    %dma_start3A_75 = tpu.memref_slice %arg4[%dma_start3A_74, %multiple_of3A_67] : memref<32x1000000xf32, #tpu.memory_space<hbm>> -> memref<32x128xf32, #tpu.memory_space<hbm>>
    %dma_start3A_76 = tpu.memref_slice %arg26[%dma_start3A_73] : memref<8x!tpu.dma_semaphore, #tpu.memory_space<semaphore_mem>> -> memref<1x!tpu.dma_semaphore, #tpu.memory_space<semaphore_mem>>
    %dma_start3A_77 = tpu.memref_squeeze %dma_start3A_76 : memref<1x!tpu.dma_semaphore, #tpu.memory_space<semaphore_mem>> -> memref<!tpu.dma_semaphore, #tpu.memory_space<semaphore_mem>>
    %dma_start3A_78 = arith.constant 0 : i32
    %dma_start3A_79 = tpu.memref_slice %arg4[%dma_start3A_78, %multiple_of3A_67] : memref<32x1000000xf32, #tpu.memory_space<hbm>> -> memref<32x128xf32, #tpu.memory_space<hbm>>
    tpu.enqueue_dma source(%dma_start3A_79 : memref<32x128xf32, #tpu.memory_space<hbm>>) target(%arg11 : memref<32x128xf32, #tpu.memory_space<vmem>>) target_semaphore(%dma_start3A_77 : memref<!tpu.dma_semaphore, #tpu.memory_space<semaphore_mem>>)
    %dma_start3A_80 = arith.constant 2 : i32
    %dma_start3A_81 = arith.constant 0 : i32
    %dma_start3A_82 = tpu.memref_slice %arg5[%dma_start3A_81, %multiple_of3A_72] : memref<32x1000000xf32, #tpu.memory_space<hbm>> -> memref<32x128xf32, #tpu.memory_space<hbm>>
    %dma_start3A_83 = tpu.memref_slice %arg27[%dma_start3A_80] : memref<8x!tpu.dma_semaphore, #tpu.memory_space<semaphore_mem>> -> memref<1x!tpu.dma_semaphore, #tpu.memory_space<semaphore_mem>>
    %dma_start3A_84 = tpu.memref_squeeze %dma_start3A_83 : memref<1x!tpu.dma_semaphore, #tpu.memory_space<semaphore_mem>> -> memref<!tpu.dma_semaphore, #tpu.memory_space<semaphore_mem>>
    %dma_start3A_85 = arith.constant 0 : i32
    %dma_start3A_86 = tpu.memref_slice %arg5[%dma_start3A_85, %multiple_of3A_72] : memref<32x1000000xf32, #tpu.memory_space<hbm>> -> memref<32x128xf32, #tpu.memory_space<hbm>>
    tpu.enqueue_dma source(%dma_start3A_86 : memref<32x128xf32, #tpu.memory_space<hbm>>) target(%arg19 : memref<32x128xf32, #tpu.memory_space<vmem>>) target_semaphore(%dma_start3A_84 : memref<!tpu.dma_semaphore, #tpu.memory_space<semaphore_mem>>)
    %slice3A_87 = vector.extract_strided_slice %get3A_4 {offsets = [3], sizes = [1], strides = [1]} : vector<16xi32> to vector<1xi32>
    %squeeze3A_88 = vector.extract %slice3A_87[0] : i32 from vector<1xi32>
    %slice3A_89 = vector.extract_strided_slice %get3A_6 {offsets = [3], sizes = [1], strides = [1]} : vector<16xi32> to vector<1xi32>
    %squeeze3A_90 = vector.extract %slice3A_89[0] : i32 from vector<1xi32>
    %shift_right_logical3A_91 = arith.constant 7 : i32
    %shift_right_logical3A_92 = arith.shrui %squeeze3A_88, %shift_right_logical3A_91 : i32
    %mul3A_93 = arith.constant 128 : i32
    %mul3A_94 = arith.muli %shift_right_logical3A_92, %mul3A_93 : i32
    %multiple_of3A_95 = tpu.assume_multiple %mul3A_94, 128 : i32
    %shift_right_logical3A_96 = arith.constant 7 : i32
    %shift_right_logical3A_97 = arith.shrui %squeeze3A_90, %shift_right_logical3A_96 : i32
    %mul3A_98 = arith.constant 128 : i32
    %mul3A_99 = arith.muli %shift_right_logical3A_97, %mul3A_98 : i32
    %multiple_of3A_100 = tpu.assume_multiple %mul3A_99, 128 : i32
    %dma_start3A_101 = arith.constant 3 : i32
    %dma_start3A_102 = arith.constant 0 : i32
    %dma_start3A_103 = tpu.memref_slice %arg4[%dma_start3A_102, %multiple_of3A_95] : memref<32x1000000xf32, #tpu.memory_space<hbm>> -> memref<32x128xf32, #tpu.memory_space<hbm>>
    %dma_start3A_104 = tpu.memref_slice %arg26[%dma_start3A_101] : memref<8x!tpu.dma_semaphore, #tpu.memory_space<semaphore_mem>> -> memref<1x!tpu.dma_semaphore, #tpu.memory_space<semaphore_mem>>
    %dma_start3A_105 = tpu.memref_squeeze %dma_start3A_104 : memref<1x!tpu.dma_semaphore, #tpu.memory_space<semaphore_mem>> -> memref<!tpu.dma_semaphore, #tpu.memory_space<semaphore_mem>>
    %dma_start3A_106 = arith.constant 0 : i32
    %dma_start3A_107 = tpu.memref_slice %arg4[%dma_start3A_106, %multiple_of3A_95] : memref<32x1000000xf32, #tpu.memory_space<hbm>> -> memref<32x128xf32, #tpu.memory_space<hbm>>
    tpu.enqueue_dma source(%dma_start3A_107 : memref<32x128xf32, #tpu.memory_space<hbm>>) target(%arg12 : memref<32x128xf32, #tpu.memory_space<vmem>>) target_semaphore(%dma_start3A_105 : memref<!tpu.dma_semaphore, #tpu.memory_space<semaphore_mem>>)
    %dma_start3A_108 = arith.constant 3 : i32
    %dma_start3A_109 = arith.constant 0 : i32
    %dma_start3A_110 = tpu.memref_slice %arg5[%dma_start3A_109, %multiple_of3A_100] : memref<32x1000000xf32, #tpu.memory_space<hbm>> -> memref<32x128xf32, #tpu.memory_space<hbm>>
    %dma_start3A_111 = tpu.memref_slice %arg27[%dma_start3A_108] : memref<8x!tpu.dma_semaphore, #tpu.memory_space<semaphore_mem>> -> memref<1x!tpu.dma_semaphore, #tpu.memory_space<semaphore_mem>>
    %dma_start3A_112 = tpu.memref_squeeze %dma_start3A_111 : memref<1x!tpu.dma_semaphore, #tpu.memory_space<semaphore_mem>> -> memref<!tpu.dma_semaphore, #tpu.memory_space<semaphore_mem>>
    %dma_start3A_113 = arith.constant 0 : i32
    %dma_start3A_114 = tpu.memref_slice %arg5[%dma_start3A_113, %multiple_of3A_100] : memref<32x1000000xf32, #tpu.memory_space<hbm>> -> memref<32x128xf32, #tpu.memory_space<hbm>>
    tpu.enqueue_dma source(%dma_start3A_114 : memref<32x128xf32, #tpu.memory_space<hbm>>) target(%arg20 : memref<32x128xf32, #tpu.memory_space<vmem>>) target_semaphore(%dma_start3A_112 : memref<!tpu.dma_semaphore, #tpu.memory_space<semaphore_mem>>)
    %slice3A_115 = vector.extract_strided_slice %get3A_4 {offsets = [4], sizes = [1], strides = [1]} : vector<16xi32> to vector<1xi32>
    %squeeze3A_116 = vector.extract %slice3A_115[0] : i32 from vector<1xi32>
    %slice3A_117 = vector.extract_strided_slice %get3A_6 {offsets = [4], sizes = [1], strides = [1]} : vector<16xi32> to vector<1xi32>
    %squeeze3A_118 = vector.extract %slice3A_117[0] : i32 from vector<1xi32>
    %shift_right_logical3A_119 = arith.constant 7 : i32
    %shift_right_logical3A_120 = arith.shrui %squeeze3A_116, %shift_right_logical3A_119 : i32
    %mul3A_121 = arith.constant 128 : i32
    %mul3A_122 = arith.muli %shift_right_logical3A_120, %mul3A_121 : i32
    %multiple_of3A_123 = tpu.assume_multiple %mul3A_122, 128 : i32
    %shift_right_logical3A_124 = arith.constant 7 : i32
    %shift_right_logical3A_125 = arith.shrui %squeeze3A_118, %shift_right_logical3A_124 : i32
    %mul3A_126 = arith.constant 128 : i32
    %mul3A_127 = arith.muli %shift_right_logical3A_125, %mul3A_126 : i32
    %multiple_of3A_128 = tpu.assume_multiple %mul3A_127, 128 : i32
    %dma_start3A_129 = arith.constant 4 : i32
    %dma_start3A_130 = arith.constant 0 : i32
    %dma_start3A_131 = tpu.memref_slice %arg4[%dma_start3A_130, %multiple_of3A_123] : memref<32x1000000xf32, #tpu.memory_space<hbm>> -> memref<32x128xf32, #tpu.memory_space<hbm>>
    %dma_start3A_132 = tpu.memref_slice %arg26[%dma_start3A_129] : memref<8x!tpu.dma_semaphore, #tpu.memory_space<semaphore_mem>> -> memref<1x!tpu.dma_semaphore, #tpu.memory_space<semaphore_mem>>
    %dma_start3A_133 = tpu.memref_squeeze %dma_start3A_132 : memref<1x!tpu.dma_semaphore, #tpu.memory_space<semaphore_mem>> -> memref<!tpu.dma_semaphore, #tpu.memory_space<semaphore_mem>>
    %dma_start3A_134 = arith.constant 0 : i32
    %dma_start3A_135 = tpu.memref_slice %arg4[%dma_start3A_134, %multiple_of3A_123] : memref<32x1000000xf32, #tpu.memory_space<hbm>> -> memref<32x128xf32, #tpu.memory_space<hbm>>
    tpu.enqueue_dma source(%dma_start3A_135 : memref<32x128xf32, #tpu.memory_space<hbm>>) target(%arg13 : memref<32x128xf32, #tpu.memory_space<vmem>>) target_semaphore(%dma_start3A_133 : memref<!tpu.dma_semaphore, #tpu.memory_space<semaphore_mem>>)
    %dma_start3A_136 = arith.constant 4 : i32
    %dma_start3A_137 = arith.constant 0 : i32
    %dma_start3A_138 = tpu.memref_slice %arg5[%dma_start3A_137, %multiple_of3A_128] : memref<32x1000000xf32, #tpu.memory_space<hbm>> -> memref<32x128xf32, #tpu.memory_space<hbm>>
    %dma_start3A_139 = tpu.memref_slice %arg27[%dma_start3A_136] : memref<8x!tpu.dma_semaphore, #tpu.memory_space<semaphore_mem>> -> memref<1x!tpu.dma_semaphore, #tpu.memory_space<semaphore_mem>>
    %dma_start3A_140 = tpu.memref_squeeze %dma_start3A_139 : memref<1x!tpu.dma_semaphore, #tpu.memory_space<semaphore_mem>> -> memref<!tpu.dma_semaphore, #tpu.memory_space<semaphore_mem>>
    %dma_start3A_141 = arith.constant 0 : i32
    %dma_start3A_142 = tpu.memref_slice %arg5[%dma_start3A_141, %multiple_of3A_128] : memref<32x1000000xf32, #tpu.memory_space<hbm>> -> memref<32x128xf32, #tpu.memory_space<hbm>>
    tpu.enqueue_dma source(%dma_start3A_142 : memref<32x128xf32, #tpu.memory_space<hbm>>) target(%arg21 : memref<32x128xf32, #tpu.memory_space<vmem>>) target_semaphore(%dma_start3A_140 : memref<!tpu.dma_semaphore, #tpu.memory_space<semaphore_mem>>)
    %slice3A_143 = vector.extract_strided_slice %get3A_4 {offsets = [5], sizes = [1], strides = [1]} : vector<16xi32> to vector<1xi32>
    %squeeze3A_144 = vector.extract %slice3A_143[0] : i32 from vector<1xi32>
    %slice3A_145 = vector.extract_strided_slice %get3A_6 {offsets = [5], sizes = [1], strides = [1]} : vector<16xi32> to vector<1xi32>
    %squeeze3A_146 = vector.extract %slice3A_145[0] : i32 from vector<1xi32>
    %shift_right_logical3A_147 = arith.constant 7 : i32
    %shift_right_logical3A_148 = arith.shrui %squeeze3A_144, %shift_right_logical3A_147 : i32
    %mul3A_149 = arith.constant 128 : i32
    %mul3A_150 = arith.muli %shift_right_logical3A_148, %mul3A_149 : i32
    %multiple_of3A_151 = tpu.assume_multiple %mul3A_150, 128 : i32
    %shift_right_logical3A_152 = arith.constant 7 : i32
    %shift_right_logical3A_153 = arith.shrui %squeeze3A_146, %shift_right_logical3A_152 : i32
    %mul3A_154 = arith.constant 128 : i32
    %mul3A_155 = arith.muli %shift_right_logical3A_153, %mul3A_154 : i32
    %multiple_of3A_156 = tpu.assume_multiple %mul3A_155, 128 : i32
    %dma_start3A_157 = arith.constant 5 : i32
    %dma_start3A_158 = arith.constant 0 : i32
    %dma_start3A_159 = tpu.memref_slice %arg4[%dma_start3A_158, %multiple_of3A_151] : memref<32x1000000xf32, #tpu.memory_space<hbm>> -> memref<32x128xf32, #tpu.memory_space<hbm>>
    %dma_start3A_160 = tpu.memref_slice %arg26[%dma_start3A_157] : memref<8x!tpu.dma_semaphore, #tpu.memory_space<semaphore_mem>> -> memref<1x!tpu.dma_semaphore, #tpu.memory_space<semaphore_mem>>
    %dma_start3A_161 = tpu.memref_squeeze %dma_start3A_160 : memref<1x!tpu.dma_semaphore, #tpu.memory_space<semaphore_mem>> -> memref<!tpu.dma_semaphore, #tpu.memory_space<semaphore_mem>>
    %dma_start3A_162 = arith.constant 0 : i32
    %dma_start3A_163 = tpu.memref_slice %arg4[%dma_start3A_162, %multiple_of3A_151] : memref<32x1000000xf32, #tpu.memory_space<hbm>> -> memref<32x128xf32, #tpu.memory_space<hbm>>
    tpu.enqueue_dma source(%dma_start3A_163 : memref<32x128xf32, #tpu.memory_space<hbm>>) target(%arg14 : memref<32x128xf32, #tpu.memory_space<vmem>>) target_semaphore(%dma_start3A_161 : memref<!tpu.dma_semaphore, #tpu.memory_space<semaphore_mem>>)
    %dma_start3A_164 = arith.constant 5 : i32
    %dma_start3A_165 = arith.constant 0 : i32
    %dma_start3A_166 = tpu.memref_slice %arg5[%dma_start3A_165, %multiple_of3A_156] : memref<32x1000000xf32, #tpu.memory_space<hbm>> -> memref<32x128xf32, #tpu.memory_space<hbm>>
    %dma_start3A_167 = tpu.memref_slice %arg27[%dma_start3A_164] : memref<8x!tpu.dma_semaphore, #tpu.memory_space<semaphore_mem>> -> memref<1x!tpu.dma_semaphore, #tpu.memory_space<semaphore_mem>>
    %dma_start3A_168 = tpu.memref_squeeze %dma_start3A_167 : memref<1x!tpu.dma_semaphore, #tpu.memory_space<semaphore_mem>> -> memref<!tpu.dma_semaphore, #tpu.memory_space<semaphore_mem>>
    %dma_start3A_169 = arith.constant 0 : i32
    %dma_start3A_170 = tpu.memref_slice %arg5[%dma_start3A_169, %multiple_of3A_156] : memref<32x1000000xf32, #tpu.memory_space<hbm>> -> memref<32x128xf32, #tpu.memory_space<hbm>>
    tpu.enqueue_dma source(%dma_start3A_170 : memref<32x128xf32, #tpu.memory_space<hbm>>) target(%arg22 : memref<32x128xf32, #tpu.memory_space<vmem>>) target_semaphore(%dma_start3A_168 : memref<!tpu.dma_semaphore, #tpu.memory_space<semaphore_mem>>)
    %slice3A_171 = vector.extract_strided_slice %get3A_4 {offsets = [6], sizes = [1], strides = [1]} : vector<16xi32> to vector<1xi32>
    %squeeze3A_172 = vector.extract %slice3A_171[0] : i32 from vector<1xi32>
    %slice3A_173 = vector.extract_strided_slice %get3A_6 {offsets = [6], sizes = [1], strides = [1]} : vector<16xi32> to vector<1xi32>
    %squeeze3A_174 = vector.extract %slice3A_173[0] : i32 from vector<1xi32>
    %shift_right_logical3A_175 = arith.constant 7 : i32
    %shift_right_logical3A_176 = arith.shrui %squeeze3A_172, %shift_right_logical3A_175 : i32
    %mul3A_177 = arith.constant 128 : i32
    %mul3A_178 = arith.muli %shift_right_logical3A_176, %mul3A_177 : i32
    %multiple_of3A_179 = tpu.assume_multiple %mul3A_178, 128 : i32
    %shift_right_logical3A_180 = arith.constant 7 : i32
    %shift_right_logical3A_181 = arith.shrui %squeeze3A_174, %shift_right_logical3A_180 : i32
    %mul3A_182 = arith.constant 128 : i32
    %mul3A_183 = arith.muli %shift_right_logical3A_181, %mul3A_182 : i32
    %multiple_of3A_184 = tpu.assume_multiple %mul3A_183, 128 : i32
    %dma_start3A_185 = arith.constant 6 : i32
    %dma_start3A_186 = arith.constant 0 : i32
    %dma_start3A_187 = tpu.memref_slice %arg4[%dma_start3A_186, %multiple_of3A_179] : memref<32x1000000xf32, #tpu.memory_space<hbm>> -> memref<32x128xf32, #tpu.memory_space<hbm>>
    %dma_start3A_188 = tpu.memref_slice %arg26[%dma_start3A_185] : memref<8x!tpu.dma_semaphore, #tpu.memory_space<semaphore_mem>> -> memref<1x!tpu.dma_semaphore, #tpu.memory_space<semaphore_mem>>
    %dma_start3A_189 = tpu.memref_squeeze %dma_start3A_188 : memref<1x!tpu.dma_semaphore, #tpu.memory_space<semaphore_mem>> -> memref<!tpu.dma_semaphore, #tpu.memory_space<semaphore_mem>>
    %dma_start3A_190 = arith.constant 0 : i32
    %dma_start3A_191 = tpu.memref_slice %arg4[%dma_start3A_190, %multiple_of3A_179] : memref<32x1000000xf32, #tpu.memory_space<hbm>> -> memref<32x128xf32, #tpu.memory_space<hbm>>
    tpu.enqueue_dma source(%dma_start3A_191 : memref<32x128xf32, #tpu.memory_space<hbm>>) target(%arg15 : memref<32x128xf32, #tpu.memory_space<vmem>>) target_semaphore(%dma_start3A_189 : memref<!tpu.dma_semaphore, #tpu.memory_space<semaphore_mem>>)
    %dma_start3A_192 = arith.constant 6 : i32
    %dma_start3A_193 = arith.constant 0 : i32
    %dma_start3A_194 = tpu.memref_slice %arg5[%dma_start3A_193, %multiple_of3A_184] : memref<32x1000000xf32, #tpu.memory_space<hbm>> -> memref<32x128xf32, #tpu.memory_space<hbm>>
    %dma_start3A_195 = tpu.memref_slice %arg27[%dma_start3A_192] : memref<8x!tpu.dma_semaphore, #tpu.memory_space<semaphore_mem>> -> memref<1x!tpu.dma_semaphore, #tpu.memory_space<semaphore_mem>>
    %dma_start3A_196 = tpu.memref_squeeze %dma_start3A_195 : memref<1x!tpu.dma_semaphore, #tpu.memory_space<semaphore_mem>> -> memref<!tpu.dma_semaphore, #tpu.memory_space<semaphore_mem>>
    %dma_start3A_197 = arith.constant 0 : i32
    %dma_start3A_198 = tpu.memref_slice %arg5[%dma_start3A_197, %multiple_of3A_184] : memref<32x1000000xf32, #tpu.memory_space<hbm>> -> memref<32x128xf32, #tpu.memory_space<hbm>>
    tpu.enqueue_dma source(%dma_start3A_198 : memref<32x128xf32, #tpu.memory_space<hbm>>) target(%arg23 : memref<32x128xf32, #tpu.memory_space<vmem>>) target_semaphore(%dma_start3A_196 : memref<!tpu.dma_semaphore, #tpu.memory_space<semaphore_mem>>)
    %slice3A_199 = vector.extract_strided_slice %get3A_4 {offsets = [7], sizes = [1], strides = [1]} : vector<16xi32> to vector<1xi32>
    %squeeze3A_200 = vector.extract %slice3A_199[0] : i32 from vector<1xi32>
    %slice3A_201 = vector.extract_strided_slice %get3A_6 {offsets = [7], sizes = [1], strides = [1]} : vector<16xi32> to vector<1xi32>
    %squeeze3A_202 = vector.extract %slice3A_201[0] : i32 from vector<1xi32>
    %shift_right_logical3A_203 = arith.constant 7 : i32
    %shift_right_logical3A_204 = arith.shrui %squeeze3A_200, %shift_right_logical3A_203 : i32
    %mul3A_205 = arith.constant 128 : i32
    %mul3A_206 = arith.muli %shift_right_logical3A_204, %mul3A_205 : i32
    %multiple_of3A_207 = tpu.assume_multiple %mul3A_206, 128 : i32
    %shift_right_logical3A_208 = arith.constant 7 : i32
    %shift_right_logical3A_209 = arith.shrui %squeeze3A_202, %shift_right_logical3A_208 : i32
    %mul3A_210 = arith.constant 128 : i32
    %mul3A_211 = arith.muli %shift_right_logical3A_209, %mul3A_210 : i32
    %multiple_of3A_212 = tpu.assume_multiple %mul3A_211, 128 : i32
    %dma_start3A_213 = arith.constant 7 : i32
    %dma_start3A_214 = arith.constant 0 : i32
    %dma_start3A_215 = tpu.memref_slice %arg4[%dma_start3A_214, %multiple_of3A_207] : memref<32x1000000xf32, #tpu.memory_space<hbm>> -> memref<32x128xf32, #tpu.memory_space<hbm>>
    %dma_start3A_216 = tpu.memref_slice %arg26[%dma_start3A_213] : memref<8x!tpu.dma_semaphore, #tpu.memory_space<semaphore_mem>> -> memref<1x!tpu.dma_semaphore, #tpu.memory_space<semaphore_mem>>
    %dma_start3A_217 = tpu.memref_squeeze %dma_start3A_216 : memref<1x!tpu.dma_semaphore, #tpu.memory_space<semaphore_mem>> -> memref<!tpu.dma_semaphore, #tpu.memory_space<semaphore_mem>>
    %dma_start3A_218 = arith.constant 0 : i32
    %dma_start3A_219 = tpu.memref_slice %arg4[%dma_start3A_218, %multiple_of3A_207] : memref<32x1000000xf32, #tpu.memory_space<hbm>> -> memref<32x128xf32, #tpu.memory_space<hbm>>
    tpu.enqueue_dma source(%dma_start3A_219 : memref<32x128xf32, #tpu.memory_space<hbm>>) target(%arg16 : memref<32x128xf32, #tpu.memory_space<vmem>>) target_semaphore(%dma_start3A_217 : memref<!tpu.dma_semaphore, #tpu.memory_space<semaphore_mem>>)
    %dma_start3A_220 = arith.constant 7 : i32
    %dma_start3A_221 = arith.constant 0 : i32
    %dma_start3A_222 = tpu.memref_slice %arg5[%dma_start3A_221, %multiple_of3A_212] : memref<32x1000000xf32, #tpu.memory_space<hbm>> -> memref<32x128xf32, #tpu.memory_space<hbm>>
    %dma_start3A_223 = tpu.memref_slice %arg27[%dma_start3A_220] : memref<8x!tpu.dma_semaphore, #tpu.memory_space<semaphore_mem>> -> memref<1x!tpu.dma_semaphore, #tpu.memory_space<semaphore_mem>>
    %dma_start3A_224 = tpu.memref_squeeze %dma_start3A_223 : memref<1x!tpu.dma_semaphore, #tpu.memory_space<semaphore_mem>> -> memref<!tpu.dma_semaphore, #tpu.memory_space<semaphore_mem>>
    %dma_start3A_225 = arith.constant 0 : i32
    %dma_start3A_226 = tpu.memref_slice %arg5[%dma_start3A_225, %multiple_of3A_212] : memref<32x1000000xf32, #tpu.memory_space<hbm>> -> memref<32x128xf32, #tpu.memory_space<hbm>>
    tpu.enqueue_dma source(%dma_start3A_226 : memref<32x128xf32, #tpu.memory_space<hbm>>) target(%arg24 : memref<32x128xf32, #tpu.memory_space<vmem>>) target_semaphore(%dma_start3A_224 : memref<!tpu.dma_semaphore, #tpu.memory_space<semaphore_mem>>)
    %scan3A = arith.constant 0 : i32
    %scan3A_227 = arith.constant 0 : i32
    %scan3A_228 = arith.constant 32 : i32
    %scan3A_229 = arith.addi %scan3A_227, %scan3A_228 : i32
    %scan3A_230 = arith.constant 1 : i32
    scf.for %scan3A_232 = %scan3A_227 to %scan3A_229 step %scan3A_230  : i32 {
      %mul3A_233 = arith.constant 16 : i32
      %mul3A_234 = arith.muli %scan3A_232, %mul3A_233 : i32
      %multiple_of3A_235 = tpu.assume_multiple %mul3A_234, 16 : i32
      %get3A_236 = arith.index_cast %multiple_of3A_235 : i32 to index
      %get3A_237 = tpu.vector_load %arg7[%get3A_236] {strides = array<i32>} : memref<512xi32, #tpu.memory_space<vmem>>, vector<16xi32>,
      %get3A_238 = arith.index_cast %multiple_of3A_235 : i32 to index
      %get3A_239 = tpu.vector_load %arg8[%get3A_238] {strides = array<i32>} : memref<512xi32, #tpu.memory_space<vmem>>, vector<16xi32>,
      %add3A_240 = arith.constant 1 : i32
      %add3A_241 = arith.addi %scan3A_232, %add3A_240 : i32
      %min3A = arith.constant 31 : i32
      %min3A_242 = arith.minsi %add3A_241, %min3A : i32
      %mul3A_243 = arith.constant 16 : i32
      %mul3A_244 = arith.muli %min3A_242, %mul3A_243 : i32
      %multiple_of3A_245 = tpu.assume_multiple %mul3A_244, 16 : i32
      %get3A_246 = arith.index_cast %multiple_of3A_245 : i32 to index
      %get3A_247 = tpu.vector_load %arg7[%get3A_246] {strides = array<i32>} : memref<512xi32, #tpu.memory_space<vmem>>, vector<16xi32>,
      %get3A_248 = arith.index_cast %multiple_of3A_245 : i32 to index
      %get3A_249 = tpu.vector_load %arg8[%get3A_248] {strides = array<i32>} : memref<512xi32, #tpu.memory_space<vmem>>, vector<16xi32>,
      %broadcast_in_dim3A = arith.constant 0.000000e+00 : f32
      %broadcast_in_dim3A_250 = vector.broadcast %broadcast_in_dim3A : f32 to vector<16xf32>
      %dma_wait3A = arith.constant 0 : i32
      %dma_wait3A_251 = arith.constant 0 : i32
      %dma_wait3A_252 = arith.constant 0 : i32
      %dma_wait3A_253 = tpu.memref_slice %arg4[%dma_wait3A_251, %dma_wait3A_252] : memref<32x1000000xf32, #tpu.memory_space<hbm>> -> memref<32x128xf32, #tpu.memory_space<hbm>>
      %dma_wait3A_254 = tpu.memref_slice %arg26[%dma_wait3A] : memref<8x!tpu.dma_semaphore, #tpu.memory_space<semaphore_mem>> -> memref<1x!tpu.dma_semaphore, #tpu.memory_space<semaphore_mem>>
      %dma_wait3A_255 = tpu.memref_squeeze %dma_wait3A_254 : memref<1x!tpu.dma_semaphore, #tpu.memory_space<semaphore_mem>> -> memref<!tpu.dma_semaphore, #tpu.memory_space<semaphore_mem>>
      %dma_wait3A_256 = arith.constant 0 : i32
      %dma_wait3A_257 = arith.constant 0 : i32
      %dma_wait3A_258 = tpu.memref_slice %arg4[%dma_wait3A_256, %dma_wait3A_257] : memref<32x1000000xf32, #tpu.memory_space<hbm>> -> memref<32x128xf32, #tpu.memory_space<hbm>>
      tpu.wait_dma2 semaphore(%dma_wait3A_255 : memref<!tpu.dma_semaphore, #tpu.memory_space<semaphore_mem>>) src(%dma_wait3A_258 : memref<32x128xf32, #tpu.memory_space<hbm>>) dst(%arg9 : memref<32x128xf32, #tpu.memory_space<vmem>>)
      %dma_wait3A_259 = arith.constant 0 : i32
      %dma_wait3A_260 = arith.constant 0 : i32
      %dma_wait3A_261 = arith.constant 0 : i32
      %dma_wait3A_262 = tpu.memref_slice %arg5[%dma_wait3A_260, %dma_wait3A_261] : memref<32x1000000xf32, #tpu.memory_space<hbm>> -> memref<32x128xf32, #tpu.memory_space<hbm>>
      %dma_wait3A_263 = tpu.memref_slice %arg27[%dma_wait3A_259] : memref<8x!tpu.dma_semaphore, #tpu.memory_space<semaphore_mem>> -> memref<1x!tpu.dma_semaphore, #tpu.memory_space<semaphore_mem>>
      %dma_wait3A_264 = tpu.memref_squeeze %dma_wait3A_263 : memref<1x!tpu.dma_semaphore, #tpu.memory_space<semaphore_mem>> -> memref<!tpu.dma_semaphore, #tpu.memory_space<semaphore_mem>>
      %dma_wait3A_265 = arith.constant 0 : i32
      %dma_wait3A_266 = arith.constant 0 : i32
      %dma_wait3A_267 = tpu.memref_slice %arg5[%dma_wait3A_265, %dma_wait3A_266] : memref<32x1000000xf32, #tpu.memory_space<hbm>> -> memref<32x128xf32, #tpu.memory_space<hbm>>
      tpu.wait_dma2 semaphore(%dma_wait3A_264 : memref<!tpu.dma_semaphore, #tpu.memory_space<semaphore_mem>>) src(%dma_wait3A_267 : memref<32x128xf32, #tpu.memory_space<hbm>>) dst(%arg17 : memref<32x128xf32, #tpu.memory_space<vmem>>)
      %slice3A_268 = vector.extract_strided_slice %get3A_237 {offsets = [0], sizes = [1], strides = [1]} : vector<16xi32> to vector<1xi32>
      %squeeze3A_269 = vector.extract %slice3A_268[0] : i32 from vector<1xi32>
      %and3A = arith.constant 127 : i32
      %and3A_270 = arith.andi %squeeze3A_269, %and3A : i32
      %broadcast_in_dim3A_271 = vector.broadcast %and3A_270 : i32 to vector<16xi32>
      %slice3A_272 = vector.extract_strided_slice %get3A_239 {offsets = [0], sizes = [1], strides = [1]} : vector<16xi32> to vector<1xi32>
      %squeeze3A_273 = vector.extract %slice3A_272[0] : i32 from vector<1xi32>
      %and3A_274 = arith.constant 127 : i32
      %and3A_275 = arith.andi %squeeze3A_273, %and3A_274 : i32
      %broadcast_in_dim3A_276 = vector.broadcast %and3A_275 : i32 to vector<16xi32>
      %gather3A = tpu.vector_load_idx %arg9[%iota3A, %broadcast_in_dim3A_271] : memref<32x128xf32, #tpu.memory_space<vmem>>[vector<16xi32>, vector<16xi32>], vector<16xf32>,
      %add3A_277 = arith.constant 16 : i32
      %add3A_278 = vector.broadcast %add3A_277 : i32 to vector<16xi32>
      %add3A_279 = arith.addi %iota3A, %add3A_278 : vector<16xi32>
      %gather3A_280 = tpu.vector_load_idx %arg9[%add3A_279, %broadcast_in_dim3A_271] : memref<32x128xf32, #tpu.memory_space<vmem>>[vector<16xi32>, vector<16xi32>], vector<16xf32>,
      %gather3A_281 = tpu.vector_load_idx %arg17[%iota3A, %broadcast_in_dim3A_276] : memref<32x128xf32, #tpu.memory_space<vmem>>[vector<16xi32>, vector<16xi32>], vector<16xf32>,
      %add3A_282 = arith.constant 16 : i32
      %add3A_283 = vector.broadcast %add3A_282 : i32 to vector<16xi32>
      %add3A_284 = arith.addi %iota3A, %add3A_283 : vector<16xi32>
      %gather3A_285 = tpu.vector_load_idx %arg17[%add3A_284, %broadcast_in_dim3A_276] : memref<32x128xf32, #tpu.memory_space<vmem>>[vector<16xi32>, vector<16xi32>], vector<16xf32>,
      %mul3A_286 = arith.mulf %gather3A, %gather3A_281 : vector<16xf32>
      %mul3A_287 = arith.mulf %gather3A_280, %gather3A_285 : vector<16xf32>
      %add3A_288 = arith.addf %mul3A_286, %mul3A_287 : vector<16xf32>
      %reduce_sum3A = arith.constant true
      %reduce_sum3A_289 = vector.broadcast %reduce_sum3A : i1 to vector<16xi1>
      %reduce_sum3A_290 = tpu.scan <sum>, %add3A_288 masked %reduce_sum3A_289 : vector<16xf32>, vector<16xi1> -> vector<16xf32>
      %reduce_sum3A_291 = vector.extract %reduce_sum3A_290[15] : f32 from vector<16xf32>
      %eq3A = arith.constant 0 : i32
      %eq3A_292 = vector.broadcast %eq3A : i32 to vector<16xi32>
      %eq3A_293 = arith.cmpi eq, %iota3A, %eq3A_292 : vector<16xi32>
      %broadcast_in_dim3A_294 = vector.broadcast %reduce_sum3A_291 : f32 to vector<16xf32>
      %select_n3A = arith.select %eq3A_293, %broadcast_in_dim3A_294, %broadcast_in_dim3A_250 : vector<16xi1>, vector<16xf32>
      %slice3A_295 = vector.extract_strided_slice %get3A_237 {offsets = [8], sizes = [1], strides = [1]} : vector<16xi32> to vector<1xi32>
      %squeeze3A_296 = vector.extract %slice3A_295[0] : i32 from vector<1xi32>
      %slice3A_297 = vector.extract_strided_slice %get3A_239 {offsets = [8], sizes = [1], strides = [1]} : vector<16xi32> to vector<1xi32>
      %squeeze3A_298 = vector.extract %slice3A_297[0] : i32 from vector<1xi32>
      %shift_right_logical3A_299 = arith.constant 7 : i32
      %shift_right_logical3A_300 = arith.shrui %squeeze3A_296, %shift_right_logical3A_299 : i32
      %mul3A_301 = arith.constant 128 : i32
      %mul3A_302 = arith.muli %shift_right_logical3A_300, %mul3A_301 : i32
      %multiple_of3A_303 = tpu.assume_multiple %mul3A_302, 128 : i32
      %shift_right_logical3A_304 = arith.constant 7 : i32
      %shift_right_logical3A_305 = arith.shrui %squeeze3A_298, %shift_right_logical3A_304 : i32
      %mul3A_306 = arith.constant 128 : i32
      %mul3A_307 = arith.muli %shift_right_logical3A_305, %mul3A_306 : i32
      %multiple_of3A_308 = tpu.assume_multiple %mul3A_307, 128 : i32
      %dma_start3A_309 = arith.constant 0 : i32
      %dma_start3A_310 = arith.constant 0 : i32
      %dma_start3A_311 = tpu.memref_slice %arg4[%dma_start3A_310, %multiple_of3A_303] : memref<32x1000000xf32, #tpu.memory_space<hbm>> -> memref<32x128xf32, #tpu.memory_space<hbm>>
      %dma_start3A_312 = tpu.memref_slice %arg26[%dma_start3A_309] : memref<8x!tpu.dma_semaphore, #tpu.memory_space<semaphore_mem>> -> memref<1x!tpu.dma_semaphore, #tpu.memory_space<semaphore_mem>>
      %dma_start3A_313 = tpu.memref_squeeze %dma_start3A_312 : memref<1x!tpu.dma_semaphore, #tpu.memory_space<semaphore_mem>> -> memref<!tpu.dma_semaphore, #tpu.memory_space<semaphore_mem>>
      %dma_start3A_314 = arith.constant 0 : i32
      %dma_start3A_315 = tpu.memref_slice %arg4[%dma_start3A_314, %multiple_of3A_303] : memref<32x1000000xf32, #tpu.memory_space<hbm>> -> memref<32x128xf32, #tpu.memory_space<hbm>>
      tpu.enqueue_dma source(%dma_start3A_315 : memref<32x128xf32, #tpu.memory_space<hbm>>) target(%arg9 : memref<32x128xf32, #tpu.memory_space<vmem>>) target_semaphore(%dma_start3A_313 : memref<!tpu.dma_semaphore, #tpu.memory_space<semaphore_mem>>)
      %dma_start3A_316 = arith.constant 0 : i32
      %dma_start3A_317 = arith.constant 0 : i32
      %dma_start3A_318 = tpu.memref_slice %arg5[%dma_start3A_317, %multiple_of3A_308] : memref<32x1000000xf32, #tpu.memory_space<hbm>> -> memref<32x128xf32, #tpu.memory_space<hbm>>
      %dma_start3A_319 = tpu.memref_slice %arg27[%dma_start3A_316] : memref<8x!tpu.dma_semaphore, #tpu.memory_space<semaphore_mem>> -> memref<1x!tpu.dma_semaphore, #tpu.memory_space<semaphore_mem>>
      %dma_start3A_320 = tpu.memref_squeeze %dma_start3A_319 : memref<1x!tpu.dma_semaphore, #tpu.memory_space<semaphore_mem>> -> memref<!tpu.dma_semaphore, #tpu.memory_space<semaphore_mem>>
      %dma_start3A_321 = arith.constant 0 : i32
      %dma_start3A_322 = tpu.memref_slice %arg5[%dma_start3A_321, %multiple_of3A_308] : memref<32x1000000xf32, #tpu.memory_space<hbm>> -> memref<32x128xf32, #tpu.memory_space<hbm>>
      tpu.enqueue_dma source(%dma_start3A_322 : memref<32x128xf32, #tpu.memory_space<hbm>>) target(%arg17 : memref<32x128xf32, #tpu.memory_space<vmem>>) target_semaphore(%dma_start3A_320 : memref<!tpu.dma_semaphore, #tpu.memory_space<semaphore_mem>>)
      %dma_wait3A_323 = arith.constant 1 : i32
      %dma_wait3A_324 = arith.constant 0 : i32
      %dma_wait3A_325 = arith.constant 0 : i32
      %dma_wait3A_326 = tpu.memref_slice %arg4[%dma_wait3A_324, %dma_wait3A_325] : memref<32x1000000xf32, #tpu.memory_space<hbm>> -> memref<32x128xf32, #tpu.memory_space<hbm>>
      %dma_wait3A_327 = tpu.memref_slice %arg26[%dma_wait3A_323] : memref<8x!tpu.dma_semaphore, #tpu.memory_space<semaphore_mem>> -> memref<1x!tpu.dma_semaphore, #tpu.memory_space<semaphore_mem>>
      %dma_wait3A_328 = tpu.memref_squeeze %dma_wait3A_327 : memref<1x!tpu.dma_semaphore, #tpu.memory_space<semaphore_mem>> -> memref<!tpu.dma_semaphore, #tpu.memory_space<semaphore_mem>>
      %dma_wait3A_329 = arith.constant 0 : i32
      %dma_wait3A_330 = arith.constant 0 : i32
      %dma_wait3A_331 = tpu.memref_slice %arg4[%dma_wait3A_329, %dma_wait3A_330] : memref<32x1000000xf32, #tpu.memory_space<hbm>> -> memref<32x128xf32, #tpu.memory_space<hbm>>
      tpu.wait_dma2 semaphore(%dma_wait3A_328 : memref<!tpu.dma_semaphore, #tpu.memory_space<semaphore_mem>>) src(%dma_wait3A_331 : memref<32x128xf32, #tpu.memory_space<hbm>>) dst(%arg10 : memref<32x128xf32, #tpu.memory_space<vmem>>)
      %dma_wait3A_332 = arith.constant 1 : i32
      %dma_wait3A_333 = arith.constant 0 : i32
      %dma_wait3A_334 = arith.constant 0 : i32
      %dma_wait3A_335 = tpu.memref_slice %arg5[%dma_wait3A_333, %dma_wait3A_334] : memref<32x1000000xf32, #tpu.memory_space<hbm>> -> memref<32x128xf32, #tpu.memory_space<hbm>>
      %dma_wait3A_336 = tpu.memref_slice %arg27[%dma_wait3A_332] : memref<8x!tpu.dma_semaphore, #tpu.memory_space<semaphore_mem>> -> memref<1x!tpu.dma_semaphore, #tpu.memory_space<semaphore_mem>>
      %dma_wait3A_337 = tpu.memref_squeeze %dma_wait3A_336 : memref<1x!tpu.dma_semaphore, #tpu.memory_space<semaphore_mem>> -> memref<!tpu.dma_semaphore, #tpu.memory_space<semaphore_mem>>
      %dma_wait3A_338 = arith.constant 0 : i32
      %dma_wait3A_339 = arith.constant 0 : i32
      %dma_wait3A_340 = tpu.memref_slice %arg5[%dma_wait3A_338, %dma_wait3A_339] : memref<32x1000000xf32, #tpu.memory_space<hbm>> -> memref<32x128xf32, #tpu.memory_space<hbm>>
      tpu.wait_dma2 semaphore(%dma_wait3A_337 : memref<!tpu.dma_semaphore, #tpu.memory_space<semaphore_mem>>) src(%dma_wait3A_340 : memref<32x128xf32, #tpu.memory_space<hbm>>) dst(%arg18 : memref<32x128xf32, #tpu.memory_space<vmem>>)
      %slice3A_341 = vector.extract_strided_slice %get3A_237 {offsets = [1], sizes = [1], strides = [1]} : vector<16xi32> to vector<1xi32>
      %squeeze3A_342 = vector.extract %slice3A_341[0] : i32 from vector<1xi32>
      %and3A_343 = arith.constant 127 : i32
      %and3A_344 = arith.andi %squeeze3A_342, %and3A_343 : i32
      %broadcast_in_dim3A_345 = vector.broadcast %and3A_344 : i32 to vector<16xi32>
      %slice3A_346 = vector.extract_strided_slice %get3A_239 {offsets = [1], sizes = [1], strides = [1]} : vector<16xi32> to vector<1xi32>
      %squeeze3A_347 = vector.extract %slice3A_346[0] : i32 from vector<1xi32>
      %and3A_348 = arith.constant 127 : i32
      %and3A_349 = arith.andi %squeeze3A_347, %and3A_348 : i32
      %broadcast_in_dim3A_350 = vector.broadcast %and3A_349 : i32 to vector<16xi32>
      %gather3A_351 = tpu.vector_load_idx %arg10[%iota3A, %broadcast_in_dim3A_345] : memref<32x128xf32, #tpu.memory_space<vmem>>[vector<16xi32>, vector<16xi32>], vector<16xf32>,
      %add3A_352 = arith.constant 16 : i32
      %add3A_353 = vector.broadcast %add3A_352 : i32 to vector<16xi32>
      %add3A_354 = arith.addi %iota3A, %add3A_353 : vector<16xi32>
      %gather3A_355 = tpu.vector_load_idx %arg10[%add3A_354, %broadcast_in_dim3A_345] : memref<32x128xf32, #tpu.memory_space<vmem>>[vector<16xi32>, vector<16xi32>], vector<16xf32>,
      %gather3A_356 = tpu.vector_load_idx %arg18[%iota3A, %broadcast_in_dim3A_350] : memref<32x128xf32, #tpu.memory_space<vmem>>[vector<16xi32>, vector<16xi32>], vector<16xf32>,
      %add3A_357 = arith.constant 16 : i32
      %add3A_358 = vector.broadcast %add3A_357 : i32 to vector<16xi32>
      %add3A_359 = arith.addi %iota3A, %add3A_358 : vector<16xi32>
      %gather3A_360 = tpu.vector_load_idx %arg18[%add3A_359, %broadcast_in_dim3A_350] : memref<32x128xf32, #tpu.memory_space<vmem>>[vector<16xi32>, vector<16xi32>], vector<16xf32>,
      %mul3A_361 = arith.mulf %gather3A_351, %gather3A_356 : vector<16xf32>
      %mul3A_362 = arith.mulf %gather3A_355, %gather3A_360 : vector<16xf32>
      %add3A_363 = arith.addf %mul3A_361, %mul3A_362 : vector<16xf32>
      %reduce_sum3A_364 = arith.constant true
      %reduce_sum3A_365 = vector.broadcast %reduce_sum3A_364 : i1 to vector<16xi1>
      %reduce_sum3A_366 = tpu.scan <sum>, %add3A_363 masked %reduce_sum3A_365 : vector<16xf32>, vector<16xi1> -> vector<16xf32>
      %reduce_sum3A_367 = vector.extract %reduce_sum3A_366[15] : f32 from vector<16xf32>
      %eq3A_368 = arith.constant 1 : i32
      %eq3A_369 = vector.broadcast %eq3A_368 : i32 to vector<16xi32>
      %eq3A_370 = arith.cmpi eq, %iota3A, %eq3A_369 : vector<16xi32>
      %broadcast_in_dim3A_371 = vector.broadcast %reduce_sum3A_367 : f32 to vector<16xf32>
      %select_n3A_372 = arith.select %eq3A_370, %broadcast_in_dim3A_371, %select_n3A : vector<16xi1>, vector<16xf32>
      %slice3A_373 = vector.extract_strided_slice %get3A_237 {offsets = [9], sizes = [1], strides = [1]} : vector<16xi32> to vector<1xi32>
      %squeeze3A_374 = vector.extract %slice3A_373[0] : i32 from vector<1xi32>
      %slice3A_375 = vector.extract_strided_slice %get3A_239 {offsets = [9], sizes = [1], strides = [1]} : vector<16xi32> to vector<1xi32>
      %squeeze3A_376 = vector.extract %slice3A_375[0] : i32 from vector<1xi32>
      %shift_right_logical3A_377 = arith.constant 7 : i32
      %shift_right_logical3A_378 = arith.shrui %squeeze3A_374, %shift_right_logical3A_377 : i32
      %mul3A_379 = arith.constant 128 : i32
      %mul3A_380 = arith.muli %shift_right_logical3A_378, %mul3A_379 : i32
      %multiple_of3A_381 = tpu.assume_multiple %mul3A_380, 128 : i32
      %shift_right_logical3A_382 = arith.constant 7 : i32
      %shift_right_logical3A_383 = arith.shrui %squeeze3A_376, %shift_right_logical3A_382 : i32
      %mul3A_384 = arith.constant 128 : i32
      %mul3A_385 = arith.muli %shift_right_logical3A_383, %mul3A_384 : i32
      %multiple_of3A_386 = tpu.assume_multiple %mul3A_385, 128 : i32
      %dma_start3A_387 = arith.constant 1 : i32
      %dma_start3A_388 = arith.constant 0 : i32
      %dma_start3A_389 = tpu.memref_slice %arg4[%dma_start3A_388, %multiple_of3A_381] : memref<32x1000000xf32, #tpu.memory_space<hbm>> -> memref<32x128xf32, #tpu.memory_space<hbm>>
      %dma_start3A_390 = tpu.memref_slice %arg26[%dma_start3A_387] : memref<8x!tpu.dma_semaphore, #tpu.memory_space<semaphore_mem>> -> memref<1x!tpu.dma_semaphore, #tpu.memory_space<semaphore_mem>>
      %dma_start3A_391 = tpu.memref_squeeze %dma_start3A_390 : memref<1x!tpu.dma_semaphore, #tpu.memory_space<semaphore_mem>> -> memref<!tpu.dma_semaphore, #tpu.memory_space<semaphore_mem>>
      %dma_start3A_392 = arith.constant 0 : i32
      %dma_start3A_393 = tpu.memref_slice %arg4[%dma_start3A_392, %multiple_of3A_381] : memref<32x1000000xf32, #tpu.memory_space<hbm>> -> memref<32x128xf32, #tpu.memory_space<hbm>>
      tpu.enqueue_dma source(%dma_start3A_393 : memref<32x128xf32, #tpu.memory_space<hbm>>) target(%arg10 : memref<32x128xf32, #tpu.memory_space<vmem>>) target_semaphore(%dma_start3A_391 : memref<!tpu.dma_semaphore, #tpu.memory_space<semaphore_mem>>)
      %dma_start3A_394 = arith.constant 1 : i32
      %dma_start3A_395 = arith.constant 0 : i32
      %dma_start3A_396 = tpu.memref_slice %arg5[%dma_start3A_395, %multiple_of3A_386] : memref<32x1000000xf32, #tpu.memory_space<hbm>> -> memref<32x128xf32, #tpu.memory_space<hbm>>
      %dma_start3A_397 = tpu.memref_slice %arg27[%dma_start3A_394] : memref<8x!tpu.dma_semaphore, #tpu.memory_space<semaphore_mem>> -> memref<1x!tpu.dma_semaphore, #tpu.memory_space<semaphore_mem>>
      %dma_start3A_398 = tpu.memref_squeeze %dma_start3A_397 : memref<1x!tpu.dma_semaphore, #tpu.memory_space<semaphore_mem>> -> memref<!tpu.dma_semaphore, #tpu.memory_space<semaphore_mem>>
      %dma_start3A_399 = arith.constant 0 : i32
      %dma_start3A_400 = tpu.memref_slice %arg5[%dma_start3A_399, %multiple_of3A_386] : memref<32x1000000xf32, #tpu.memory_space<hbm>> -> memref<32x128xf32, #tpu.memory_space<hbm>>
      tpu.enqueue_dma source(%dma_start3A_400 : memref<32x128xf32, #tpu.memory_space<hbm>>) target(%arg18 : memref<32x128xf32, #tpu.memory_space<vmem>>) target_semaphore(%dma_start3A_398 : memref<!tpu.dma_semaphore, #tpu.memory_space<semaphore_mem>>)
      %dma_wait3A_401 = arith.constant 2 : i32
      %dma_wait3A_402 = arith.constant 0 : i32
      %dma_wait3A_403 = arith.constant 0 : i32
      %dma_wait3A_404 = tpu.memref_slice %arg4[%dma_wait3A_402, %dma_wait3A_403] : memref<32x1000000xf32, #tpu.memory_space<hbm>> -> memref<32x128xf32, #tpu.memory_space<hbm>>
      %dma_wait3A_405 = tpu.memref_slice %arg26[%dma_wait3A_401] : memref<8x!tpu.dma_semaphore, #tpu.memory_space<semaphore_mem>> -> memref<1x!tpu.dma_semaphore, #tpu.memory_space<semaphore_mem>>
      %dma_wait3A_406 = tpu.memref_squeeze %dma_wait3A_405 : memref<1x!tpu.dma_semaphore, #tpu.memory_space<semaphore_mem>> -> memref<!tpu.dma_semaphore, #tpu.memory_space<semaphore_mem>>
      %dma_wait3A_407 = arith.constant 0 : i32
      %dma_wait3A_408 = arith.constant 0 : i32
      %dma_wait3A_409 = tpu.memref_slice %arg4[%dma_wait3A_407, %dma_wait3A_408] : memref<32x1000000xf32, #tpu.memory_space<hbm>> -> memref<32x128xf32, #tpu.memory_space<hbm>>
      tpu.wait_dma2 semaphore(%dma_wait3A_406 : memref<!tpu.dma_semaphore, #tpu.memory_space<semaphore_mem>>) src(%dma_wait3A_409 : memref<32x128xf32, #tpu.memory_space<hbm>>) dst(%arg11 : memref<32x128xf32, #tpu.memory_space<vmem>>)
      %dma_wait3A_410 = arith.constant 2 : i32
      %dma_wait3A_411 = arith.constant 0 : i32
      %dma_wait3A_412 = arith.constant 0 : i32
      %dma_wait3A_413 = tpu.memref_slice %arg5[%dma_wait3A_411, %dma_wait3A_412] : memref<32x1000000xf32, #tpu.memory_space<hbm>> -> memref<32x128xf32, #tpu.memory_space<hbm>>
      %dma_wait3A_414 = tpu.memref_slice %arg27[%dma_wait3A_410] : memref<8x!tpu.dma_semaphore, #tpu.memory_space<semaphore_mem>> -> memref<1x!tpu.dma_semaphore, #tpu.memory_space<semaphore_mem>>
      %dma_wait3A_415 = tpu.memref_squeeze %dma_wait3A_414 : memref<1x!tpu.dma_semaphore, #tpu.memory_space<semaphore_mem>> -> memref<!tpu.dma_semaphore, #tpu.memory_space<semaphore_mem>>
      %dma_wait3A_416 = arith.constant 0 : i32
      %dma_wait3A_417 = arith.constant 0 : i32
      %dma_wait3A_418 = tpu.memref_slice %arg5[%dma_wait3A_416, %dma_wait3A_417] : memref<32x1000000xf32, #tpu.memory_space<hbm>> -> memref<32x128xf32, #tpu.memory_space<hbm>>
      tpu.wait_dma2 semaphore(%dma_wait3A_415 : memref<!tpu.dma_semaphore, #tpu.memory_space<semaphore_mem>>) src(%dma_wait3A_418 : memref<32x128xf32, #tpu.memory_space<hbm>>) dst(%arg19 : memref<32x128xf32, #tpu.memory_space<vmem>>)
      %slice3A_419 = vector.extract_strided_slice %get3A_237 {offsets = [2], sizes = [1], strides = [1]} : vector<16xi32> to vector<1xi32>
      %squeeze3A_420 = vector.extract %slice3A_419[0] : i32 from vector<1xi32>
      %and3A_421 = arith.constant 127 : i32
      %and3A_422 = arith.andi %squeeze3A_420, %and3A_421 : i32
      %broadcast_in_dim3A_423 = vector.broadcast %and3A_422 : i32 to vector<16xi32>
      %slice3A_424 = vector.extract_strided_slice %get3A_239 {offsets = [2], sizes = [1], strides = [1]} : vector<16xi32> to vector<1xi32>
      %squeeze3A_425 = vector.extract %slice3A_424[0] : i32 from vector<1xi32>
      %and3A_426 = arith.constant 127 : i32
      %and3A_427 = arith.andi %squeeze3A_425, %and3A_426 : i32
      %broadcast_in_dim3A_428 = vector.broadcast %and3A_427 : i32 to vector<16xi32>
      %gather3A_429 = tpu.vector_load_idx %arg11[%iota3A, %broadcast_in_dim3A_423] : memref<32x128xf32, #tpu.memory_space<vmem>>[vector<16xi32>, vector<16xi32>], vector<16xf32>,
      %add3A_430 = arith.constant 16 : i32
      %add3A_431 = vector.broadcast %add3A_430 : i32 to vector<16xi32>
      %add3A_432 = arith.addi %iota3A, %add3A_431 : vector<16xi32>
      %gather3A_433 = tpu.vector_load_idx %arg11[%add3A_432, %broadcast_in_dim3A_423] : memref<32x128xf32, #tpu.memory_space<vmem>>[vector<16xi32>, vector<16xi32>], vector<16xf32>,
      %gather3A_434 = tpu.vector_load_idx %arg19[%iota3A, %broadcast_in_dim3A_428] : memref<32x128xf32, #tpu.memory_space<vmem>>[vector<16xi32>, vector<16xi32>], vector<16xf32>,
      %add3A_435 = arith.constant 16 : i32
      %add3A_436 = vector.broadcast %add3A_435 : i32 to vector<16xi32>
      %add3A_437 = arith.addi %iota3A, %add3A_436 : vector<16xi32>
      %gather3A_438 = tpu.vector_load_idx %arg19[%add3A_437, %broadcast_in_dim3A_428] : memref<32x128xf32, #tpu.memory_space<vmem>>[vector<16xi32>, vector<16xi32>], vector<16xf32>,
      %mul3A_439 = arith.mulf %gather3A_429, %gather3A_434 : vector<16xf32>
      %mul3A_440 = arith.mulf %gather3A_433, %gather3A_438 : vector<16xf32>
      %add3A_441 = arith.addf %mul3A_439, %mul3A_440 : vector<16xf32>
      %reduce_sum3A_442 = arith.constant true
      %reduce_sum3A_443 = vector.broadcast %reduce_sum3A_442 : i1 to vector<16xi1>
      %reduce_sum3A_444 = tpu.scan <sum>, %add3A_441 masked %reduce_sum3A_443 : vector<16xf32>, vector<16xi1> -> vector<16xf32>
      %reduce_sum3A_445 = vector.extract %reduce_sum3A_444[15] : f32 from vector<16xf32>
      %eq3A_446 = arith.constant 2 : i32
      %eq3A_447 = vector.broadcast %eq3A_446 : i32 to vector<16xi32>
      %eq3A_448 = arith.cmpi eq, %iota3A, %eq3A_447 : vector<16xi32>
      %broadcast_in_dim3A_449 = vector.broadcast %reduce_sum3A_445 : f32 to vector<16xf32>
      %select_n3A_450 = arith.select %eq3A_448, %broadcast_in_dim3A_449, %select_n3A_372 : vector<16xi1>, vector<16xf32>
      %slice3A_451 = vector.extract_strided_slice %get3A_237 {offsets = [10], sizes = [1], strides = [1]} : vector<16xi32> to vector<1xi32>
      %squeeze3A_452 = vector.extract %slice3A_451[0] : i32 from vector<1xi32>
      %slice3A_453 = vector.extract_strided_slice %get3A_239 {offsets = [10], sizes = [1], strides = [1]} : vector<16xi32> to vector<1xi32>
      %squeeze3A_454 = vector.extract %slice3A_453[0] : i32 from vector<1xi32>
      %shift_right_logical3A_455 = arith.constant 7 : i32
      %shift_right_logical3A_456 = arith.shrui %squeeze3A_452, %shift_right_logical3A_455 : i32
      %mul3A_457 = arith.constant 128 : i32
      %mul3A_458 = arith.muli %shift_right_logical3A_456, %mul3A_457 : i32
      %multiple_of3A_459 = tpu.assume_multiple %mul3A_458, 128 : i32
      %shift_right_logical3A_460 = arith.constant 7 : i32
      %shift_right_logical3A_461 = arith.shrui %squeeze3A_454, %shift_right_logical3A_460 : i32
      %mul3A_462 = arith.constant 128 : i32
      %mul3A_463 = arith.muli %shift_right_logical3A_461, %mul3A_462 : i32
      %multiple_of3A_464 = tpu.assume_multiple %mul3A_463, 128 : i32
      %dma_start3A_465 = arith.constant 2 : i32
      %dma_start3A_466 = arith.constant 0 : i32
      %dma_start3A_467 = tpu.memref_slice %arg4[%dma_start3A_466, %multiple_of3A_459] : memref<32x1000000xf32, #tpu.memory_space<hbm>> -> memref<32x128xf32, #tpu.memory_space<hbm>>
      %dma_start3A_468 = tpu.memref_slice %arg26[%dma_start3A_465] : memref<8x!tpu.dma_semaphore, #tpu.memory_space<semaphore_mem>> -> memref<1x!tpu.dma_semaphore, #tpu.memory_space<semaphore_mem>>
      %dma_start3A_469 = tpu.memref_squeeze %dma_start3A_468 : memref<1x!tpu.dma_semaphore, #tpu.memory_space<semaphore_mem>> -> memref<!tpu.dma_semaphore, #tpu.memory_space<semaphore_mem>>
      %dma_start3A_470 = arith.constant 0 : i32
      %dma_start3A_471 = tpu.memref_slice %arg4[%dma_start3A_470, %multiple_of3A_459] : memref<32x1000000xf32, #tpu.memory_space<hbm>> -> memref<32x128xf32, #tpu.memory_space<hbm>>
      tpu.enqueue_dma source(%dma_start3A_471 : memref<32x128xf32, #tpu.memory_space<hbm>>) target(%arg11 : memref<32x128xf32, #tpu.memory_space<vmem>>) target_semaphore(%dma_start3A_469 : memref<!tpu.dma_semaphore, #tpu.memory_space<semaphore_mem>>)
      %dma_start3A_472 = arith.constant 2 : i32
      %dma_start3A_473 = arith.constant 0 : i32
      %dma_start3A_474 = tpu.memref_slice %arg5[%dma_start3A_473, %multiple_of3A_464] : memref<32x1000000xf32, #tpu.memory_space<hbm>> -> memref<32x128xf32, #tpu.memory_space<hbm>>
      %dma_start3A_475 = tpu.memref_slice %arg27[%dma_start3A_472] : memref<8x!tpu.dma_semaphore, #tpu.memory_space<semaphore_mem>> -> memref<1x!tpu.dma_semaphore, #tpu.memory_space<semaphore_mem>>
      %dma_start3A_476 = tpu.memref_squeeze %dma_start3A_475 : memref<1x!tpu.dma_semaphore, #tpu.memory_space<semaphore_mem>> -> memref<!tpu.dma_semaphore, #tpu.memory_space<semaphore_mem>>
      %dma_start3A_477 = arith.constant 0 : i32
      %dma_start3A_478 = tpu.memref_slice %arg5[%dma_start3A_477, %multiple_of3A_464] : memref<32x1000000xf32, #tpu.memory_space<hbm>> -> memref<32x128xf32, #tpu.memory_space<hbm>>
      tpu.enqueue_dma source(%dma_start3A_478 : memref<32x128xf32, #tpu.memory_space<hbm>>) target(%arg19 : memref<32x128xf32, #tpu.memory_space<vmem>>) target_semaphore(%dma_start3A_476 : memref<!tpu.dma_semaphore, #tpu.memory_space<semaphore_mem>>)
      %dma_wait3A_479 = arith.constant 3 : i32
      %dma_wait3A_480 = arith.constant 0 : i32
      %dma_wait3A_481 = arith.constant 0 : i32
      %dma_wait3A_482 = tpu.memref_slice %arg4[%dma_wait3A_480, %dma_wait3A_481] : memref<32x1000000xf32, #tpu.memory_space<hbm>> -> memref<32x128xf32, #tpu.memory_space<hbm>>
      %dma_wait3A_483 = tpu.memref_slice %arg26[%dma_wait3A_479] : memref<8x!tpu.dma_semaphore, #tpu.memory_space<semaphore_mem>> -> memref<1x!tpu.dma_semaphore, #tpu.memory_space<semaphore_mem>>
      %dma_wait3A_484 = tpu.memref_squeeze %dma_wait3A_483 : memref<1x!tpu.dma_semaphore, #tpu.memory_space<semaphore_mem>> -> memref<!tpu.dma_semaphore, #tpu.memory_space<semaphore_mem>>
      %dma_wait3A_485 = arith.constant 0 : i32
      %dma_wait3A_486 = arith.constant 0 : i32
      %dma_wait3A_487 = tpu.memref_slice %arg4[%dma_wait3A_485, %dma_wait3A_486] : memref<32x1000000xf32, #tpu.memory_space<hbm>> -> memref<32x128xf32, #tpu.memory_space<hbm>>
      tpu.wait_dma2 semaphore(%dma_wait3A_484 : memref<!tpu.dma_semaphore, #tpu.memory_space<semaphore_mem>>) src(%dma_wait3A_487 : memref<32x128xf32, #tpu.memory_space<hbm>>) dst(%arg12 : memref<32x128xf32, #tpu.memory_space<vmem>>)
      %dma_wait3A_488 = arith.constant 3 : i32
      %dma_wait3A_489 = arith.constant 0 : i32
      %dma_wait3A_490 = arith.constant 0 : i32
      %dma_wait3A_491 = tpu.memref_slice %arg5[%dma_wait3A_489, %dma_wait3A_490] : memref<32x1000000xf32, #tpu.memory_space<hbm>> -> memref<32x128xf32, #tpu.memory_space<hbm>>
      %dma_wait3A_492 = tpu.memref_slice %arg27[%dma_wait3A_488] : memref<8x!tpu.dma_semaphore, #tpu.memory_space<semaphore_mem>> -> memref<1x!tpu.dma_semaphore, #tpu.memory_space<semaphore_mem>>
      %dma_wait3A_493 = tpu.memref_squeeze %dma_wait3A_492 : memref<1x!tpu.dma_semaphore, #tpu.memory_space<semaphore_mem>> -> memref<!tpu.dma_semaphore, #tpu.memory_space<semaphore_mem>>
      %dma_wait3A_494 = arith.constant 0 : i32
      %dma_wait3A_495 = arith.constant 0 : i32
      %dma_wait3A_496 = tpu.memref_slice %arg5[%dma_wait3A_494, %dma_wait3A_495] : memref<32x1000000xf32, #tpu.memory_space<hbm>> -> memref<32x128xf32, #tpu.memory_space<hbm>>
      tpu.wait_dma2 semaphore(%dma_wait3A_493 : memref<!tpu.dma_semaphore, #tpu.memory_space<semaphore_mem>>) src(%dma_wait3A_496 : memref<32x128xf32, #tpu.memory_space<hbm>>) dst(%arg20 : memref<32x128xf32, #tpu.memory_space<vmem>>)
      %slice3A_497 = vector.extract_strided_slice %get3A_237 {offsets = [3], sizes = [1], strides = [1]} : vector<16xi32> to vector<1xi32>
      %squeeze3A_498 = vector.extract %slice3A_497[0] : i32 from vector<1xi32>
      %and3A_499 = arith.constant 127 : i32
      %and3A_500 = arith.andi %squeeze3A_498, %and3A_499 : i32
      %broadcast_in_dim3A_501 = vector.broadcast %and3A_500 : i32 to vector<16xi32>
      %slice3A_502 = vector.extract_strided_slice %get3A_239 {offsets = [3], sizes = [1], strides = [1]} : vector<16xi32> to vector<1xi32>
      %squeeze3A_503 = vector.extract %slice3A_502[0] : i32 from vector<1xi32>
      %and3A_504 = arith.constant 127 : i32
      %and3A_505 = arith.andi %squeeze3A_503, %and3A_504 : i32
      %broadcast_in_dim3A_506 = vector.broadcast %and3A_505 : i32 to vector<16xi32>
      %gather3A_507 = tpu.vector_load_idx %arg12[%iota3A, %broadcast_in_dim3A_501] : memref<32x128xf32, #tpu.memory_space<vmem>>[vector<16xi32>, vector<16xi32>], vector<16xf32>,
      %add3A_508 = arith.constant 16 : i32
      %add3A_509 = vector.broadcast %add3A_508 : i32 to vector<16xi32>
      %add3A_510 = arith.addi %iota3A, %add3A_509 : vector<16xi32>
      %gather3A_511 = tpu.vector_load_idx %arg12[%add3A_510, %broadcast_in_dim3A_501] : memref<32x128xf32, #tpu.memory_space<vmem>>[vector<16xi32>, vector<16xi32>], vector<16xf32>,
      %gather3A_512 = tpu.vector_load_idx %arg20[%iota3A, %broadcast_in_dim3A_506] : memref<32x128xf32, #tpu.memory_space<vmem>>[vector<16xi32>, vector<16xi32>], vector<16xf32>,
      %add3A_513 = arith.constant 16 : i32
      %add3A_514 = vector.broadcast %add3A_513 : i32 to vector<16xi32>
      %add3A_515 = arith.addi %iota3A, %add3A_514 : vector<16xi32>
      %gather3A_516 = tpu.vector_load_idx %arg20[%add3A_515, %broadcast_in_dim3A_506] : memref<32x128xf32, #tpu.memory_space<vmem>>[vector<16xi32>, vector<16xi32>], vector<16xf32>,
      %mul3A_517 = arith.mulf %gather3A_507, %gather3A_512 : vector<16xf32>
      %mul3A_518 = arith.mulf %gather3A_511, %gather3A_516 : vector<16xf32>
      %add3A_519 = arith.addf %mul3A_517, %mul3A_518 : vector<16xf32>
      %reduce_sum3A_520 = arith.constant true
      %reduce_sum3A_521 = vector.broadcast %reduce_sum3A_520 : i1 to vector<16xi1>
      %reduce_sum3A_522 = tpu.scan <sum>, %add3A_519 masked %reduce_sum3A_521 : vector<16xf32>, vector<16xi1> -> vector<16xf32>
      %reduce_sum3A_523 = vector.extract %reduce_sum3A_522[15] : f32 from vector<16xf32>
      %eq3A_524 = arith.constant 3 : i32
      %eq3A_525 = vector.broadcast %eq3A_524 : i32 to vector<16xi32>
      %eq3A_526 = arith.cmpi eq, %iota3A, %eq3A_525 : vector<16xi32>
      %broadcast_in_dim3A_527 = vector.broadcast %reduce_sum3A_523 : f32 to vector<16xf32>
      %select_n3A_528 = arith.select %eq3A_526, %broadcast_in_dim3A_527, %select_n3A_450 : vector<16xi1>, vector<16xf32>
      %slice3A_529 = vector.extract_strided_slice %get3A_237 {offsets = [11], sizes = [1], strides = [1]} : vector<16xi32> to vector<1xi32>
      %squeeze3A_530 = vector.extract %slice3A_529[0] : i32 from vector<1xi32>
      %slice3A_531 = vector.extract_strided_slice %get3A_239 {offsets = [11], sizes = [1], strides = [1]} : vector<16xi32> to vector<1xi32>
      %squeeze3A_532 = vector.extract %slice3A_531[0] : i32 from vector<1xi32>
      %shift_right_logical3A_533 = arith.constant 7 : i32
      %shift_right_logical3A_534 = arith.shrui %squeeze3A_530, %shift_right_logical3A_533 : i32
      %mul3A_535 = arith.constant 128 : i32
      %mul3A_536 = arith.muli %shift_right_logical3A_534, %mul3A_535 : i32
      %multiple_of3A_537 = tpu.assume_multiple %mul3A_536, 128 : i32
      %shift_right_logical3A_538 = arith.constant 7 : i32
      %shift_right_logical3A_539 = arith.shrui %squeeze3A_532, %shift_right_logical3A_538 : i32
      %mul3A_540 = arith.constant 128 : i32
      %mul3A_541 = arith.muli %shift_right_logical3A_539, %mul3A_540 : i32
      %multiple_of3A_542 = tpu.assume_multiple %mul3A_541, 128 : i32
      %dma_start3A_543 = arith.constant 3 : i32
      %dma_start3A_544 = arith.constant 0 : i32
      %dma_start3A_545 = tpu.memref_slice %arg4[%dma_start3A_544, %multiple_of3A_537] : memref<32x1000000xf32, #tpu.memory_space<hbm>> -> memref<32x128xf32, #tpu.memory_space<hbm>>
      %dma_start3A_546 = tpu.memref_slice %arg26[%dma_start3A_543] : memref<8x!tpu.dma_semaphore, #tpu.memory_space<semaphore_mem>> -> memref<1x!tpu.dma_semaphore, #tpu.memory_space<semaphore_mem>>
      %dma_start3A_547 = tpu.memref_squeeze %dma_start3A_546 : memref<1x!tpu.dma_semaphore, #tpu.memory_space<semaphore_mem>> -> memref<!tpu.dma_semaphore, #tpu.memory_space<semaphore_mem>>
      %dma_start3A_548 = arith.constant 0 : i32
      %dma_start3A_549 = tpu.memref_slice %arg4[%dma_start3A_548, %multiple_of3A_537] : memref<32x1000000xf32, #tpu.memory_space<hbm>> -> memref<32x128xf32, #tpu.memory_space<hbm>>
      tpu.enqueue_dma source(%dma_start3A_549 : memref<32x128xf32, #tpu.memory_space<hbm>>) target(%arg12 : memref<32x128xf32, #tpu.memory_space<vmem>>) target_semaphore(%dma_start3A_547 : memref<!tpu.dma_semaphore, #tpu.memory_space<semaphore_mem>>)
      %dma_start3A_550 = arith.constant 3 : i32
      %dma_start3A_551 = arith.constant 0 : i32
      %dma_start3A_552 = tpu.memref_slice %arg5[%dma_start3A_551, %multiple_of3A_542] : memref<32x1000000xf32, #tpu.memory_space<hbm>> -> memref<32x128xf32, #tpu.memory_space<hbm>>
      %dma_start3A_553 = tpu.memref_slice %arg27[%dma_start3A_550] : memref<8x!tpu.dma_semaphore, #tpu.memory_space<semaphore_mem>> -> memref<1x!tpu.dma_semaphore, #tpu.memory_space<semaphore_mem>>
      %dma_start3A_554 = tpu.memref_squeeze %dma_start3A_553 : memref<1x!tpu.dma_semaphore, #tpu.memory_space<semaphore_mem>> -> memref<!tpu.dma_semaphore, #tpu.memory_space<semaphore_mem>>
      %dma_start3A_555 = arith.constant 0 : i32
      %dma_start3A_556 = tpu.memref_slice %arg5[%dma_start3A_555, %multiple_of3A_542] : memref<32x1000000xf32, #tpu.memory_space<hbm>> -> memref<32x128xf32, #tpu.memory_space<hbm>>
      tpu.enqueue_dma source(%dma_start3A_556 : memref<32x128xf32, #tpu.memory_space<hbm>>) target(%arg20 : memref<32x128xf32, #tpu.memory_space<vmem>>) target_semaphore(%dma_start3A_554 : memref<!tpu.dma_semaphore, #tpu.memory_space<semaphore_mem>>)
      %dma_wait3A_557 = arith.constant 4 : i32
      %dma_wait3A_558 = arith.constant 0 : i32
      %dma_wait3A_559 = arith.constant 0 : i32
      %dma_wait3A_560 = tpu.memref_slice %arg4[%dma_wait3A_558, %dma_wait3A_559] : memref<32x1000000xf32, #tpu.memory_space<hbm>> -> memref<32x128xf32, #tpu.memory_space<hbm>>
      %dma_wait3A_561 = tpu.memref_slice %arg26[%dma_wait3A_557] : memref<8x!tpu.dma_semaphore, #tpu.memory_space<semaphore_mem>> -> memref<1x!tpu.dma_semaphore, #tpu.memory_space<semaphore_mem>>
      %dma_wait3A_562 = tpu.memref_squeeze %dma_wait3A_561 : memref<1x!tpu.dma_semaphore, #tpu.memory_space<semaphore_mem>> -> memref<!tpu.dma_semaphore, #tpu.memory_space<semaphore_mem>>
      %dma_wait3A_563 = arith.constant 0 : i32
      %dma_wait3A_564 = arith.constant 0 : i32
      %dma_wait3A_565 = tpu.memref_slice %arg4[%dma_wait3A_563, %dma_wait3A_564] : memref<32x1000000xf32, #tpu.memory_space<hbm>> -> memref<32x128xf32, #tpu.memory_space<hbm>>
      tpu.wait_dma2 semaphore(%dma_wait3A_562 : memref<!tpu.dma_semaphore, #tpu.memory_space<semaphore_mem>>) src(%dma_wait3A_565 : memref<32x128xf32, #tpu.memory_space<hbm>>) dst(%arg13 : memref<32x128xf32, #tpu.memory_space<vmem>>)
      %dma_wait3A_566 = arith.constant 4 : i32
      %dma_wait3A_567 = arith.constant 0 : i32
      %dma_wait3A_568 = arith.constant 0 : i32
      %dma_wait3A_569 = tpu.memref_slice %arg5[%dma_wait3A_567, %dma_wait3A_568] : memref<32x1000000xf32, #tpu.memory_space<hbm>> -> memref<32x128xf32, #tpu.memory_space<hbm>>
      %dma_wait3A_570 = tpu.memref_slice %arg27[%dma_wait3A_566] : memref<8x!tpu.dma_semaphore, #tpu.memory_space<semaphore_mem>> -> memref<1x!tpu.dma_semaphore, #tpu.memory_space<semaphore_mem>>
      %dma_wait3A_571 = tpu.memref_squeeze %dma_wait3A_570 : memref<1x!tpu.dma_semaphore, #tpu.memory_space<semaphore_mem>> -> memref<!tpu.dma_semaphore, #tpu.memory_space<semaphore_mem>>
      %dma_wait3A_572 = arith.constant 0 : i32
      %dma_wait3A_573 = arith.constant 0 : i32
      %dma_wait3A_574 = tpu.memref_slice %arg5[%dma_wait3A_572, %dma_wait3A_573] : memref<32x1000000xf32, #tpu.memory_space<hbm>> -> memref<32x128xf32, #tpu.memory_space<hbm>>
      tpu.wait_dma2 semaphore(%dma_wait3A_571 : memref<!tpu.dma_semaphore, #tpu.memory_space<semaphore_mem>>) src(%dma_wait3A_574 : memref<32x128xf32, #tpu.memory_space<hbm>>) dst(%arg21 : memref<32x128xf32, #tpu.memory_space<vmem>>)
      %slice3A_575 = vector.extract_strided_slice %get3A_237 {offsets = [4], sizes = [1], strides = [1]} : vector<16xi32> to vector<1xi32>
      %squeeze3A_576 = vector.extract %slice3A_575[0] : i32 from vector<1xi32>
      %and3A_577 = arith.constant 127 : i32
      %and3A_578 = arith.andi %squeeze3A_576, %and3A_577 : i32
      %broadcast_in_dim3A_579 = vector.broadcast %and3A_578 : i32 to vector<16xi32>
      %slice3A_580 = vector.extract_strided_slice %get3A_239 {offsets = [4], sizes = [1], strides = [1]} : vector<16xi32> to vector<1xi32>
      %squeeze3A_581 = vector.extract %slice3A_580[0] : i32 from vector<1xi32>
      %and3A_582 = arith.constant 127 : i32
      %and3A_583 = arith.andi %squeeze3A_581, %and3A_582 : i32
      %broadcast_in_dim3A_584 = vector.broadcast %and3A_583 : i32 to vector<16xi32>
      %gather3A_585 = tpu.vector_load_idx %arg13[%iota3A, %broadcast_in_dim3A_579] : memref<32x128xf32, #tpu.memory_space<vmem>>[vector<16xi32>, vector<16xi32>], vector<16xf32>,
      %add3A_586 = arith.constant 16 : i32
      %add3A_587 = vector.broadcast %add3A_586 : i32 to vector<16xi32>
      %add3A_588 = arith.addi %iota3A, %add3A_587 : vector<16xi32>
      %gather3A_589 = tpu.vector_load_idx %arg13[%add3A_588, %broadcast_in_dim3A_579] : memref<32x128xf32, #tpu.memory_space<vmem>>[vector<16xi32>, vector<16xi32>], vector<16xf32>,
      %gather3A_590 = tpu.vector_load_idx %arg21[%iota3A, %broadcast_in_dim3A_584] : memref<32x128xf32, #tpu.memory_space<vmem>>[vector<16xi32>, vector<16xi32>], vector<16xf32>,
      %add3A_591 = arith.constant 16 : i32
      %add3A_592 = vector.broadcast %add3A_591 : i32 to vector<16xi32>
      %add3A_593 = arith.addi %iota3A, %add3A_592 : vector<16xi32>
      %gather3A_594 = tpu.vector_load_idx %arg21[%add3A_593, %broadcast_in_dim3A_584] : memref<32x128xf32, #tpu.memory_space<vmem>>[vector<16xi32>, vector<16xi32>], vector<16xf32>,
      %mul3A_595 = arith.mulf %gather3A_585, %gather3A_590 : vector<16xf32>
      %mul3A_596 = arith.mulf %gather3A_589, %gather3A_594 : vector<16xf32>
      %add3A_597 = arith.addf %mul3A_595, %mul3A_596 : vector<16xf32>
      %reduce_sum3A_598 = arith.constant true
      %reduce_sum3A_599 = vector.broadcast %reduce_sum3A_598 : i1 to vector<16xi1>
      %reduce_sum3A_600 = tpu.scan <sum>, %add3A_597 masked %reduce_sum3A_599 : vector<16xf32>, vector<16xi1> -> vector<16xf32>
      %reduce_sum3A_601 = vector.extract %reduce_sum3A_600[15] : f32 from vector<16xf32>
      %eq3A_602 = arith.constant 4 : i32
      %eq3A_603 = vector.broadcast %eq3A_602 : i32 to vector<16xi32>
      %eq3A_604 = arith.cmpi eq, %iota3A, %eq3A_603 : vector<16xi32>
      %broadcast_in_dim3A_605 = vector.broadcast %reduce_sum3A_601 : f32 to vector<16xf32>
      %select_n3A_606 = arith.select %eq3A_604, %broadcast_in_dim3A_605, %select_n3A_528 : vector<16xi1>, vector<16xf32>
      %slice3A_607 = vector.extract_strided_slice %get3A_237 {offsets = [12], sizes = [1], strides = [1]} : vector<16xi32> to vector<1xi32>
      %squeeze3A_608 = vector.extract %slice3A_607[0] : i32 from vector<1xi32>
      %slice3A_609 = vector.extract_strided_slice %get3A_239 {offsets = [12], sizes = [1], strides = [1]} : vector<16xi32> to vector<1xi32>
      %squeeze3A_610 = vector.extract %slice3A_609[0] : i32 from vector<1xi32>
      %shift_right_logical3A_611 = arith.constant 7 : i32
      %shift_right_logical3A_612 = arith.shrui %squeeze3A_608, %shift_right_logical3A_611 : i32
      %mul3A_613 = arith.constant 128 : i32
      %mul3A_614 = arith.muli %shift_right_logical3A_612, %mul3A_613 : i32
      %multiple_of3A_615 = tpu.assume_multiple %mul3A_614, 128 : i32
      %shift_right_logical3A_616 = arith.constant 7 : i32
      %shift_right_logical3A_617 = arith.shrui %squeeze3A_610, %shift_right_logical3A_616 : i32
      %mul3A_618 = arith.constant 128 : i32
      %mul3A_619 = arith.muli %shift_right_logical3A_617, %mul3A_618 : i32
      %multiple_of3A_620 = tpu.assume_multiple %mul3A_619, 128 : i32
      %dma_start3A_621 = arith.constant 4 : i32
      %dma_start3A_622 = arith.constant 0 : i32
      %dma_start3A_623 = tpu.memref_slice %arg4[%dma_start3A_622, %multiple_of3A_615] : memref<32x1000000xf32, #tpu.memory_space<hbm>> -> memref<32x128xf32, #tpu.memory_space<hbm>>
      %dma_start3A_624 = tpu.memref_slice %arg26[%dma_start3A_621] : memref<8x!tpu.dma_semaphore, #tpu.memory_space<semaphore_mem>> -> memref<1x!tpu.dma_semaphore, #tpu.memory_space<semaphore_mem>>
      %dma_start3A_625 = tpu.memref_squeeze %dma_start3A_624 : memref<1x!tpu.dma_semaphore, #tpu.memory_space<semaphore_mem>> -> memref<!tpu.dma_semaphore, #tpu.memory_space<semaphore_mem>>
      %dma_start3A_626 = arith.constant 0 : i32
      %dma_start3A_627 = tpu.memref_slice %arg4[%dma_start3A_626, %multiple_of3A_615] : memref<32x1000000xf32, #tpu.memory_space<hbm>> -> memref<32x128xf32, #tpu.memory_space<hbm>>
      tpu.enqueue_dma source(%dma_start3A_627 : memref<32x128xf32, #tpu.memory_space<hbm>>) target(%arg13 : memref<32x128xf32, #tpu.memory_space<vmem>>) target_semaphore(%dma_start3A_625 : memref<!tpu.dma_semaphore, #tpu.memory_space<semaphore_mem>>)
      %dma_start3A_628 = arith.constant 4 : i32
      %dma_start3A_629 = arith.constant 0 : i32
      %dma_start3A_630 = tpu.memref_slice %arg5[%dma_start3A_629, %multiple_of3A_620] : memref<32x1000000xf32, #tpu.memory_space<hbm>> -> memref<32x128xf32, #tpu.memory_space<hbm>>
      %dma_start3A_631 = tpu.memref_slice %arg27[%dma_start3A_628] : memref<8x!tpu.dma_semaphore, #tpu.memory_space<semaphore_mem>> -> memref<1x!tpu.dma_semaphore, #tpu.memory_space<semaphore_mem>>
      %dma_start3A_632 = tpu.memref_squeeze %dma_start3A_631 : memref<1x!tpu.dma_semaphore, #tpu.memory_space<semaphore_mem>> -> memref<!tpu.dma_semaphore, #tpu.memory_space<semaphore_mem>>
      %dma_start3A_633 = arith.constant 0 : i32
      %dma_start3A_634 = tpu.memref_slice %arg5[%dma_start3A_633, %multiple_of3A_620] : memref<32x1000000xf32, #tpu.memory_space<hbm>> -> memref<32x128xf32, #tpu.memory_space<hbm>>
      tpu.enqueue_dma source(%dma_start3A_634 : memref<32x128xf32, #tpu.memory_space<hbm>>) target(%arg21 : memref<32x128xf32, #tpu.memory_space<vmem>>) target_semaphore(%dma_start3A_632 : memref<!tpu.dma_semaphore, #tpu.memory_space<semaphore_mem>>)
      %dma_wait3A_635 = arith.constant 5 : i32
      %dma_wait3A_636 = arith.constant 0 : i32
      %dma_wait3A_637 = arith.constant 0 : i32
      %dma_wait3A_638 = tpu.memref_slice %arg4[%dma_wait3A_636, %dma_wait3A_637] : memref<32x1000000xf32, #tpu.memory_space<hbm>> -> memref<32x128xf32, #tpu.memory_space<hbm>>
      %dma_wait3A_639 = tpu.memref_slice %arg26[%dma_wait3A_635] : memref<8x!tpu.dma_semaphore, #tpu.memory_space<semaphore_mem>> -> memref<1x!tpu.dma_semaphore, #tpu.memory_space<semaphore_mem>>
      %dma_wait3A_640 = tpu.memref_squeeze %dma_wait3A_639 : memref<1x!tpu.dma_semaphore, #tpu.memory_space<semaphore_mem>> -> memref<!tpu.dma_semaphore, #tpu.memory_space<semaphore_mem>>
      %dma_wait3A_641 = arith.constant 0 : i32
      %dma_wait3A_642 = arith.constant 0 : i32
      %dma_wait3A_643 = tpu.memref_slice %arg4[%dma_wait3A_641, %dma_wait3A_642] : memref<32x1000000xf32, #tpu.memory_space<hbm>> -> memref<32x128xf32, #tpu.memory_space<hbm>>
      tpu.wait_dma2 semaphore(%dma_wait3A_640 : memref<!tpu.dma_semaphore, #tpu.memory_space<semaphore_mem>>) src(%dma_wait3A_643 : memref<32x128xf32, #tpu.memory_space<hbm>>) dst(%arg14 : memref<32x128xf32, #tpu.memory_space<vmem>>)
      %dma_wait3A_644 = arith.constant 5 : i32
      %dma_wait3A_645 = arith.constant 0 : i32
      %dma_wait3A_646 = arith.constant 0 : i32
      %dma_wait3A_647 = tpu.memref_slice %arg5[%dma_wait3A_645, %dma_wait3A_646] : memref<32x1000000xf32, #tpu.memory_space<hbm>> -> memref<32x128xf32, #tpu.memory_space<hbm>>
      %dma_wait3A_648 = tpu.memref_slice %arg27[%dma_wait3A_644] : memref<8x!tpu.dma_semaphore, #tpu.memory_space<semaphore_mem>> -> memref<1x!tpu.dma_semaphore, #tpu.memory_space<semaphore_mem>>
      %dma_wait3A_649 = tpu.memref_squeeze %dma_wait3A_648 : memref<1x!tpu.dma_semaphore, #tpu.memory_space<semaphore_mem>> -> memref<!tpu.dma_semaphore, #tpu.memory_space<semaphore_mem>>
      %dma_wait3A_650 = arith.constant 0 : i32
      %dma_wait3A_651 = arith.constant 0 : i32
      %dma_wait3A_652 = tpu.memref_slice %arg5[%dma_wait3A_650, %dma_wait3A_651] : memref<32x1000000xf32, #tpu.memory_space<hbm>> -> memref<32x128xf32, #tpu.memory_space<hbm>>
      tpu.wait_dma2 semaphore(%dma_wait3A_649 : memref<!tpu.dma_semaphore, #tpu.memory_space<semaphore_mem>>) src(%dma_wait3A_652 : memref<32x128xf32, #tpu.memory_space<hbm>>) dst(%arg22 : memref<32x128xf32, #tpu.memory_space<vmem>>)
      %slice3A_653 = vector.extract_strided_slice %get3A_237 {offsets = [5], sizes = [1], strides = [1]} : vector<16xi32> to vector<1xi32>
      %squeeze3A_654 = vector.extract %slice3A_653[0] : i32 from vector<1xi32>
      %and3A_655 = arith.constant 127 : i32
      %and3A_656 = arith.andi %squeeze3A_654, %and3A_655 : i32
      %broadcast_in_dim3A_657 = vector.broadcast %and3A_656 : i32 to vector<16xi32>
      %slice3A_658 = vector.extract_strided_slice %get3A_239 {offsets = [5], sizes = [1], strides = [1]} : vector<16xi32> to vector<1xi32>
      %squeeze3A_659 = vector.extract %slice3A_658[0] : i32 from vector<1xi32>
      %and3A_660 = arith.constant 127 : i32
      %and3A_661 = arith.andi %squeeze3A_659, %and3A_660 : i32
      %broadcast_in_dim3A_662 = vector.broadcast %and3A_661 : i32 to vector<16xi32>
      %gather3A_663 = tpu.vector_load_idx %arg14[%iota3A, %broadcast_in_dim3A_657] : memref<32x128xf32, #tpu.memory_space<vmem>>[vector<16xi32>, vector<16xi32>], vector<16xf32>,
      %add3A_664 = arith.constant 16 : i32
      %add3A_665 = vector.broadcast %add3A_664 : i32 to vector<16xi32>
      %add3A_666 = arith.addi %iota3A, %add3A_665 : vector<16xi32>
      %gather3A_667 = tpu.vector_load_idx %arg14[%add3A_666, %broadcast_in_dim3A_657] : memref<32x128xf32, #tpu.memory_space<vmem>>[vector<16xi32>, vector<16xi32>], vector<16xf32>,
      %gather3A_668 = tpu.vector_load_idx %arg22[%iota3A, %broadcast_in_dim3A_662] : memref<32x128xf32, #tpu.memory_space<vmem>>[vector<16xi32>, vector<16xi32>], vector<16xf32>,
      %add3A_669 = arith.constant 16 : i32
      %add3A_670 = vector.broadcast %add3A_669 : i32 to vector<16xi32>
      %add3A_671 = arith.addi %iota3A, %add3A_670 : vector<16xi32>
      %gather3A_672 = tpu.vector_load_idx %arg22[%add3A_671, %broadcast_in_dim3A_662] : memref<32x128xf32, #tpu.memory_space<vmem>>[vector<16xi32>, vector<16xi32>], vector<16xf32>,
      %mul3A_673 = arith.mulf %gather3A_663, %gather3A_668 : vector<16xf32>
      %mul3A_674 = arith.mulf %gather3A_667, %gather3A_672 : vector<16xf32>
      %add3A_675 = arith.addf %mul3A_673, %mul3A_674 : vector<16xf32>
      %reduce_sum3A_676 = arith.constant true
      %reduce_sum3A_677 = vector.broadcast %reduce_sum3A_676 : i1 to vector<16xi1>
      %reduce_sum3A_678 = tpu.scan <sum>, %add3A_675 masked %reduce_sum3A_677 : vector<16xf32>, vector<16xi1> -> vector<16xf32>
      %reduce_sum3A_679 = vector.extract %reduce_sum3A_678[15] : f32 from vector<16xf32>
      %eq3A_680 = arith.constant 5 : i32
      %eq3A_681 = vector.broadcast %eq3A_680 : i32 to vector<16xi32>
      %eq3A_682 = arith.cmpi eq, %iota3A, %eq3A_681 : vector<16xi32>
      %broadcast_in_dim3A_683 = vector.broadcast %reduce_sum3A_679 : f32 to vector<16xf32>
      %select_n3A_684 = arith.select %eq3A_682, %broadcast_in_dim3A_683, %select_n3A_606 : vector<16xi1>, vector<16xf32>
      %slice3A_685 = vector.extract_strided_slice %get3A_237 {offsets = [13], sizes = [1], strides = [1]} : vector<16xi32> to vector<1xi32>
      %squeeze3A_686 = vector.extract %slice3A_685[0] : i32 from vector<1xi32>
      %slice3A_687 = vector.extract_strided_slice %get3A_239 {offsets = [13], sizes = [1], strides = [1]} : vector<16xi32> to vector<1xi32>
      %squeeze3A_688 = vector.extract %slice3A_687[0] : i32 from vector<1xi32>
      %shift_right_logical3A_689 = arith.constant 7 : i32
      %shift_right_logical3A_690 = arith.shrui %squeeze3A_686, %shift_right_logical3A_689 : i32
      %mul3A_691 = arith.constant 128 : i32
      %mul3A_692 = arith.muli %shift_right_logical3A_690, %mul3A_691 : i32
      %multiple_of3A_693 = tpu.assume_multiple %mul3A_692, 128 : i32
      %shift_right_logical3A_694 = arith.constant 7 : i32
      %shift_right_logical3A_695 = arith.shrui %squeeze3A_688, %shift_right_logical3A_694 : i32
      %mul3A_696 = arith.constant 128 : i32
      %mul3A_697 = arith.muli %shift_right_logical3A_695, %mul3A_696 : i32
      %multiple_of3A_698 = tpu.assume_multiple %mul3A_697, 128 : i32
      %dma_start3A_699 = arith.constant 5 : i32
      %dma_start3A_700 = arith.constant 0 : i32
      %dma_start3A_701 = tpu.memref_slice %arg4[%dma_start3A_700, %multiple_of3A_693] : memref<32x1000000xf32, #tpu.memory_space<hbm>> -> memref<32x128xf32, #tpu.memory_space<hbm>>
      %dma_start3A_702 = tpu.memref_slice %arg26[%dma_start3A_699] : memref<8x!tpu.dma_semaphore, #tpu.memory_space<semaphore_mem>> -> memref<1x!tpu.dma_semaphore, #tpu.memory_space<semaphore_mem>>
      %dma_start3A_703 = tpu.memref_squeeze %dma_start3A_702 : memref<1x!tpu.dma_semaphore, #tpu.memory_space<semaphore_mem>> -> memref<!tpu.dma_semaphore, #tpu.memory_space<semaphore_mem>>
      %dma_start3A_704 = arith.constant 0 : i32
      %dma_start3A_705 = tpu.memref_slice %arg4[%dma_start3A_704, %multiple_of3A_693] : memref<32x1000000xf32, #tpu.memory_space<hbm>> -> memref<32x128xf32, #tpu.memory_space<hbm>>
      tpu.enqueue_dma source(%dma_start3A_705 : memref<32x128xf32, #tpu.memory_space<hbm>>) target(%arg14 : memref<32x128xf32, #tpu.memory_space<vmem>>) target_semaphore(%dma_start3A_703 : memref<!tpu.dma_semaphore, #tpu.memory_space<semaphore_mem>>)
      %dma_start3A_706 = arith.constant 5 : i32
      %dma_start3A_707 = arith.constant 0 : i32
      %dma_start3A_708 = tpu.memref_slice %arg5[%dma_start3A_707, %multiple_of3A_698] : memref<32x1000000xf32, #tpu.memory_space<hbm>> -> memref<32x128xf32, #tpu.memory_space<hbm>>
      %dma_start3A_709 = tpu.memref_slice %arg27[%dma_start3A_706] : memref<8x!tpu.dma_semaphore, #tpu.memory_space<semaphore_mem>> -> memref<1x!tpu.dma_semaphore, #tpu.memory_space<semaphore_mem>>
      %dma_start3A_710 = tpu.memref_squeeze %dma_start3A_709 : memref<1x!tpu.dma_semaphore, #tpu.memory_space<semaphore_mem>> -> memref<!tpu.dma_semaphore, #tpu.memory_space<semaphore_mem>>
      %dma_start3A_711 = arith.constant 0 : i32
      %dma_start3A_712 = tpu.memref_slice %arg5[%dma_start3A_711, %multiple_of3A_698] : memref<32x1000000xf32, #tpu.memory_space<hbm>> -> memref<32x128xf32, #tpu.memory_space<hbm>>
      tpu.enqueue_dma source(%dma_start3A_712 : memref<32x128xf32, #tpu.memory_space<hbm>>) target(%arg22 : memref<32x128xf32, #tpu.memory_space<vmem>>) target_semaphore(%dma_start3A_710 : memref<!tpu.dma_semaphore, #tpu.memory_space<semaphore_mem>>)
      %dma_wait3A_713 = arith.constant 6 : i32
      %dma_wait3A_714 = arith.constant 0 : i32
      %dma_wait3A_715 = arith.constant 0 : i32
      %dma_wait3A_716 = tpu.memref_slice %arg4[%dma_wait3A_714, %dma_wait3A_715] : memref<32x1000000xf32, #tpu.memory_space<hbm>> -> memref<32x128xf32, #tpu.memory_space<hbm>>
      %dma_wait3A_717 = tpu.memref_slice %arg26[%dma_wait3A_713] : memref<8x!tpu.dma_semaphore, #tpu.memory_space<semaphore_mem>> -> memref<1x!tpu.dma_semaphore, #tpu.memory_space<semaphore_mem>>
      %dma_wait3A_718 = tpu.memref_squeeze %dma_wait3A_717 : memref<1x!tpu.dma_semaphore, #tpu.memory_space<semaphore_mem>> -> memref<!tpu.dma_semaphore, #tpu.memory_space<semaphore_mem>>
      %dma_wait3A_719 = arith.constant 0 : i32
      %dma_wait3A_720 = arith.constant 0 : i32
      %dma_wait3A_721 = tpu.memref_slice %arg4[%dma_wait3A_719, %dma_wait3A_720] : memref<32x1000000xf32, #tpu.memory_space<hbm>> -> memref<32x128xf32, #tpu.memory_space<hbm>>
      tpu.wait_dma2 semaphore(%dma_wait3A_718 : memref<!tpu.dma_semaphore, #tpu.memory_space<semaphore_mem>>) src(%dma_wait3A_721 : memref<32x128xf32, #tpu.memory_space<hbm>>) dst(%arg15 : memref<32x128xf32, #tpu.memory_space<vmem>>)
      %dma_wait3A_722 = arith.constant 6 : i32
      %dma_wait3A_723 = arith.constant 0 : i32
      %dma_wait3A_724 = arith.constant 0 : i32
      %dma_wait3A_725 = tpu.memref_slice %arg5[%dma_wait3A_723, %dma_wait3A_724] : memref<32x1000000xf32, #tpu.memory_space<hbm>> -> memref<32x128xf32, #tpu.memory_space<hbm>>
      %dma_wait3A_726 = tpu.memref_slice %arg27[%dma_wait3A_722] : memref<8x!tpu.dma_semaphore, #tpu.memory_space<semaphore_mem>> -> memref<1x!tpu.dma_semaphore, #tpu.memory_space<semaphore_mem>>
      %dma_wait3A_727 = tpu.memref_squeeze %dma_wait3A_726 : memref<1x!tpu.dma_semaphore, #tpu.memory_space<semaphore_mem>> -> memref<!tpu.dma_semaphore, #tpu.memory_space<semaphore_mem>>
      %dma_wait3A_728 = arith.constant 0 : i32
      %dma_wait3A_729 = arith.constant 0 : i32
      %dma_wait3A_730 = tpu.memref_slice %arg5[%dma_wait3A_728, %dma_wait3A_729] : memref<32x1000000xf32, #tpu.memory_space<hbm>> -> memref<32x128xf32, #tpu.memory_space<hbm>>
      tpu.wait_dma2 semaphore(%dma_wait3A_727 : memref<!tpu.dma_semaphore, #tpu.memory_space<semaphore_mem>>) src(%dma_wait3A_730 : memref<32x128xf32, #tpu.memory_space<hbm>>) dst(%arg23 : memref<32x128xf32, #tpu.memory_space<vmem>>)
      %slice3A_731 = vector.extract_strided_slice %get3A_237 {offsets = [6], sizes = [1], strides = [1]} : vector<16xi32> to vector<1xi32>
      %squeeze3A_732 = vector.extract %slice3A_731[0] : i32 from vector<1xi32>
      %and3A_733 = arith.constant 127 : i32
      %and3A_734 = arith.andi %squeeze3A_732, %and3A_733 : i32
      %broadcast_in_dim3A_735 = vector.broadcast %and3A_734 : i32 to vector<16xi32>
      %slice3A_736 = vector.extract_strided_slice %get3A_239 {offsets = [6], sizes = [1], strides = [1]} : vector<16xi32> to vector<1xi32>
      %squeeze3A_737 = vector.extract %slice3A_736[0] : i32 from vector<1xi32>
      %and3A_738 = arith.constant 127 : i32
      %and3A_739 = arith.andi %squeeze3A_737, %and3A_738 : i32
      %broadcast_in_dim3A_740 = vector.broadcast %and3A_739 : i32 to vector<16xi32>
      %gather3A_741 = tpu.vector_load_idx %arg15[%iota3A, %broadcast_in_dim3A_735] : memref<32x128xf32, #tpu.memory_space<vmem>>[vector<16xi32>, vector<16xi32>], vector<16xf32>,
      %add3A_742 = arith.constant 16 : i32
      %add3A_743 = vector.broadcast %add3A_742 : i32 to vector<16xi32>
      %add3A_744 = arith.addi %iota3A, %add3A_743 : vector<16xi32>
      %gather3A_745 = tpu.vector_load_idx %arg15[%add3A_744, %broadcast_in_dim3A_735] : memref<32x128xf32, #tpu.memory_space<vmem>>[vector<16xi32>, vector<16xi32>], vector<16xf32>,
      %gather3A_746 = tpu.vector_load_idx %arg23[%iota3A, %broadcast_in_dim3A_740] : memref<32x128xf32, #tpu.memory_space<vmem>>[vector<16xi32>, vector<16xi32>], vector<16xf32>,
      %add3A_747 = arith.constant 16 : i32
      %add3A_748 = vector.broadcast %add3A_747 : i32 to vector<16xi32>
      %add3A_749 = arith.addi %iota3A, %add3A_748 : vector<16xi32>
      %gather3A_750 = tpu.vector_load_idx %arg23[%add3A_749, %broadcast_in_dim3A_740] : memref<32x128xf32, #tpu.memory_space<vmem>>[vector<16xi32>, vector<16xi32>], vector<16xf32>,
      %mul3A_751 = arith.mulf %gather3A_741, %gather3A_746 : vector<16xf32>
      %mul3A_752 = arith.mulf %gather3A_745, %gather3A_750 : vector<16xf32>
      %add3A_753 = arith.addf %mul3A_751, %mul3A_752 : vector<16xf32>
      %reduce_sum3A_754 = arith.constant true
      %reduce_sum3A_755 = vector.broadcast %reduce_sum3A_754 : i1 to vector<16xi1>
      %reduce_sum3A_756 = tpu.scan <sum>, %add3A_753 masked %reduce_sum3A_755 : vector<16xf32>, vector<16xi1> -> vector<16xf32>
      %reduce_sum3A_757 = vector.extract %reduce_sum3A_756[15] : f32 from vector<16xf32>
      %eq3A_758 = arith.constant 6 : i32
      %eq3A_759 = vector.broadcast %eq3A_758 : i32 to vector<16xi32>
      %eq3A_760 = arith.cmpi eq, %iota3A, %eq3A_759 : vector<16xi32>
      %broadcast_in_dim3A_761 = vector.broadcast %reduce_sum3A_757 : f32 to vector<16xf32>
      %select_n3A_762 = arith.select %eq3A_760, %broadcast_in_dim3A_761, %select_n3A_684 : vector<16xi1>, vector<16xf32>
      %slice3A_763 = vector.extract_strided_slice %get3A_237 {offsets = [14], sizes = [1], strides = [1]} : vector<16xi32> to vector<1xi32>
      %squeeze3A_764 = vector.extract %slice3A_763[0] : i32 from vector<1xi32>
      %slice3A_765 = vector.extract_strided_slice %get3A_239 {offsets = [14], sizes = [1], strides = [1]} : vector<16xi32> to vector<1xi32>
      %squeeze3A_766 = vector.extract %slice3A_765[0] : i32 from vector<1xi32>
      %shift_right_logical3A_767 = arith.constant 7 : i32
      %shift_right_logical3A_768 = arith.shrui %squeeze3A_764, %shift_right_logical3A_767 : i32
      %mul3A_769 = arith.constant 128 : i32
      %mul3A_770 = arith.muli %shift_right_logical3A_768, %mul3A_769 : i32
      %multiple_of3A_771 = tpu.assume_multiple %mul3A_770, 128 : i32
      %shift_right_logical3A_772 = arith.constant 7 : i32
      %shift_right_logical3A_773 = arith.shrui %squeeze3A_766, %shift_right_logical3A_772 : i32
      %mul3A_774 = arith.constant 128 : i32
      %mul3A_775 = arith.muli %shift_right_logical3A_773, %mul3A_774 : i32
      %multiple_of3A_776 = tpu.assume_multiple %mul3A_775, 128 : i32
      %dma_start3A_777 = arith.constant 6 : i32
      %dma_start3A_778 = arith.constant 0 : i32
      %dma_start3A_779 = tpu.memref_slice %arg4[%dma_start3A_778, %multiple_of3A_771] : memref<32x1000000xf32, #tpu.memory_space<hbm>> -> memref<32x128xf32, #tpu.memory_space<hbm>>
      %dma_start3A_780 = tpu.memref_slice %arg26[%dma_start3A_777] : memref<8x!tpu.dma_semaphore, #tpu.memory_space<semaphore_mem>> -> memref<1x!tpu.dma_semaphore, #tpu.memory_space<semaphore_mem>>
      %dma_start3A_781 = tpu.memref_squeeze %dma_start3A_780 : memref<1x!tpu.dma_semaphore, #tpu.memory_space<semaphore_mem>> -> memref<!tpu.dma_semaphore, #tpu.memory_space<semaphore_mem>>
      %dma_start3A_782 = arith.constant 0 : i32
      %dma_start3A_783 = tpu.memref_slice %arg4[%dma_start3A_782, %multiple_of3A_771] : memref<32x1000000xf32, #tpu.memory_space<hbm>> -> memref<32x128xf32, #tpu.memory_space<hbm>>
      tpu.enqueue_dma source(%dma_start3A_783 : memref<32x128xf32, #tpu.memory_space<hbm>>) target(%arg15 : memref<32x128xf32, #tpu.memory_space<vmem>>) target_semaphore(%dma_start3A_781 : memref<!tpu.dma_semaphore, #tpu.memory_space<semaphore_mem>>)
      %dma_start3A_784 = arith.constant 6 : i32
      %dma_start3A_785 = arith.constant 0 : i32
      %dma_start3A_786 = tpu.memref_slice %arg5[%dma_start3A_785, %multiple_of3A_776] : memref<32x1000000xf32, #tpu.memory_space<hbm>> -> memref<32x128xf32, #tpu.memory_space<hbm>>
      %dma_start3A_787 = tpu.memref_slice %arg27[%dma_start3A_784] : memref<8x!tpu.dma_semaphore, #tpu.memory_space<semaphore_mem>> -> memref<1x!tpu.dma_semaphore, #tpu.memory_space<semaphore_mem>>
      %dma_start3A_788 = tpu.memref_squeeze %dma_start3A_787 : memref<1x!tpu.dma_semaphore, #tpu.memory_space<semaphore_mem>> -> memref<!tpu.dma_semaphore, #tpu.memory_space<semaphore_mem>>
      %dma_start3A_789 = arith.constant 0 : i32
      %dma_start3A_790 = tpu.memref_slice %arg5[%dma_start3A_789, %multiple_of3A_776] : memref<32x1000000xf32, #tpu.memory_space<hbm>> -> memref<32x128xf32, #tpu.memory_space<hbm>>
      tpu.enqueue_dma source(%dma_start3A_790 : memref<32x128xf32, #tpu.memory_space<hbm>>) target(%arg23 : memref<32x128xf32, #tpu.memory_space<vmem>>) target_semaphore(%dma_start3A_788 : memref<!tpu.dma_semaphore, #tpu.memory_space<semaphore_mem>>)
      %dma_wait3A_791 = arith.constant 7 : i32
      %dma_wait3A_792 = arith.constant 0 : i32
      %dma_wait3A_793 = arith.constant 0 : i32
      %dma_wait3A_794 = tpu.memref_slice %arg4[%dma_wait3A_792, %dma_wait3A_793] : memref<32x1000000xf32, #tpu.memory_space<hbm>> -> memref<32x128xf32, #tpu.memory_space<hbm>>
      %dma_wait3A_795 = tpu.memref_slice %arg26[%dma_wait3A_791] : memref<8x!tpu.dma_semaphore, #tpu.memory_space<semaphore_mem>> -> memref<1x!tpu.dma_semaphore, #tpu.memory_space<semaphore_mem>>
      %dma_wait3A_796 = tpu.memref_squeeze %dma_wait3A_795 : memref<1x!tpu.dma_semaphore, #tpu.memory_space<semaphore_mem>> -> memref<!tpu.dma_semaphore, #tpu.memory_space<semaphore_mem>>
      %dma_wait3A_797 = arith.constant 0 : i32
      %dma_wait3A_798 = arith.constant 0 : i32
      %dma_wait3A_799 = tpu.memref_slice %arg4[%dma_wait3A_797, %dma_wait3A_798] : memref<32x1000000xf32, #tpu.memory_space<hbm>> -> memref<32x128xf32, #tpu.memory_space<hbm>>
      tpu.wait_dma2 semaphore(%dma_wait3A_796 : memref<!tpu.dma_semaphore, #tpu.memory_space<semaphore_mem>>) src(%dma_wait3A_799 : memref<32x128xf32, #tpu.memory_space<hbm>>) dst(%arg16 : memref<32x128xf32, #tpu.memory_space<vmem>>)
      %dma_wait3A_800 = arith.constant 7 : i32
      %dma_wait3A_801 = arith.constant 0 : i32
      %dma_wait3A_802 = arith.constant 0 : i32
      %dma_wait3A_803 = tpu.memref_slice %arg5[%dma_wait3A_801, %dma_wait3A_802] : memref<32x1000000xf32, #tpu.memory_space<hbm>> -> memref<32x128xf32, #tpu.memory_space<hbm>>
      %dma_wait3A_804 = tpu.memref_slice %arg27[%dma_wait3A_800] : memref<8x!tpu.dma_semaphore, #tpu.memory_space<semaphore_mem>> -> memref<1x!tpu.dma_semaphore, #tpu.memory_space<semaphore_mem>>
      %dma_wait3A_805 = tpu.memref_squeeze %dma_wait3A_804 : memref<1x!tpu.dma_semaphore, #tpu.memory_space<semaphore_mem>> -> memref<!tpu.dma_semaphore, #tpu.memory_space<semaphore_mem>>
      %dma_wait3A_806 = arith.constant 0 : i32
      %dma_wait3A_807 = arith.constant 0 : i32
      %dma_wait3A_808 = tpu.memref_slice %arg5[%dma_wait3A_806, %dma_wait3A_807] : memref<32x1000000xf32, #tpu.memory_space<hbm>> -> memref<32x128xf32, #tpu.memory_space<hbm>>
      tpu.wait_dma2 semaphore(%dma_wait3A_805 : memref<!tpu.dma_semaphore, #tpu.memory_space<semaphore_mem>>) src(%dma_wait3A_808 : memref<32x128xf32, #tpu.memory_space<hbm>>) dst(%arg24 : memref<32x128xf32, #tpu.memory_space<vmem>>)
      %slice3A_809 = vector.extract_strided_slice %get3A_237 {offsets = [7], sizes = [1], strides = [1]} : vector<16xi32> to vector<1xi32>
      %squeeze3A_810 = vector.extract %slice3A_809[0] : i32 from vector<1xi32>
      %and3A_811 = arith.constant 127 : i32
      %and3A_812 = arith.andi %squeeze3A_810, %and3A_811 : i32
      %broadcast_in_dim3A_813 = vector.broadcast %and3A_812 : i32 to vector<16xi32>
      %slice3A_814 = vector.extract_strided_slice %get3A_239 {offsets = [7], sizes = [1], strides = [1]} : vector<16xi32> to vector<1xi32>
      %squeeze3A_815 = vector.extract %slice3A_814[0] : i32 from vector<1xi32>
      %and3A_816 = arith.constant 127 : i32
      %and3A_817 = arith.andi %squeeze3A_815, %and3A_816 : i32
      %broadcast_in_dim3A_818 = vector.broadcast %and3A_817 : i32 to vector<16xi32>
      %gather3A_819 = tpu.vector_load_idx %arg16[%iota3A, %broadcast_in_dim3A_813] : memref<32x128xf32, #tpu.memory_space<vmem>>[vector<16xi32>, vector<16xi32>], vector<16xf32>,
      %add3A_820 = arith.constant 16 : i32
      %add3A_821 = vector.broadcast %add3A_820 : i32 to vector<16xi32>
      %add3A_822 = arith.addi %iota3A, %add3A_821 : vector<16xi32>
      %gather3A_823 = tpu.vector_load_idx %arg16[%add3A_822, %broadcast_in_dim3A_813] : memref<32x128xf32, #tpu.memory_space<vmem>>[vector<16xi32>, vector<16xi32>], vector<16xf32>,
      %gather3A_824 = tpu.vector_load_idx %arg24[%iota3A, %broadcast_in_dim3A_818] : memref<32x128xf32, #tpu.memory_space<vmem>>[vector<16xi32>, vector<16xi32>], vector<16xf32>,
      %add3A_825 = arith.constant 16 : i32
      %add3A_826 = vector.broadcast %add3A_825 : i32 to vector<16xi32>
      %add3A_827 = arith.addi %iota3A, %add3A_826 : vector<16xi32>
      %gather3A_828 = tpu.vector_load_idx %arg24[%add3A_827, %broadcast_in_dim3A_818] : memref<32x128xf32, #tpu.memory_space<vmem>>[vector<16xi32>, vector<16xi32>], vector<16xf32>,
      %mul3A_829 = arith.mulf %gather3A_819, %gather3A_824 : vector<16xf32>
      %mul3A_830 = arith.mulf %gather3A_823, %gather3A_828 : vector<16xf32>
      %add3A_831 = arith.addf %mul3A_829, %mul3A_830 : vector<16xf32>
      %reduce_sum3A_832 = arith.constant true
      %reduce_sum3A_833 = vector.broadcast %reduce_sum3A_832 : i1 to vector<16xi1>
      %reduce_sum3A_834 = tpu.scan <sum>, %add3A_831 masked %reduce_sum3A_833 : vector<16xf32>, vector<16xi1> -> vector<16xf32>
      %reduce_sum3A_835 = vector.extract %reduce_sum3A_834[15] : f32 from vector<16xf32>
      %eq3A_836 = arith.constant 7 : i32
      %eq3A_837 = vector.broadcast %eq3A_836 : i32 to vector<16xi32>
      %eq3A_838 = arith.cmpi eq, %iota3A, %eq3A_837 : vector<16xi32>
      %broadcast_in_dim3A_839 = vector.broadcast %reduce_sum3A_835 : f32 to vector<16xf32>
      %select_n3A_840 = arith.select %eq3A_838, %broadcast_in_dim3A_839, %select_n3A_762 : vector<16xi1>, vector<16xf32>
      %slice3A_841 = vector.extract_strided_slice %get3A_237 {offsets = [15], sizes = [1], strides = [1]} : vector<16xi32> to vector<1xi32>
      %squeeze3A_842 = vector.extract %slice3A_841[0] : i32 from vector<1xi32>
      %slice3A_843 = vector.extract_strided_slice %get3A_239 {offsets = [15], sizes = [1], strides = [1]} : vector<16xi32> to vector<1xi32>
      %squeeze3A_844 = vector.extract %slice3A_843[0] : i32 from vector<1xi32>
      %shift_right_logical3A_845 = arith.constant 7 : i32
      %shift_right_logical3A_846 = arith.shrui %squeeze3A_842, %shift_right_logical3A_845 : i32
      %mul3A_847 = arith.constant 128 : i32
      %mul3A_848 = arith.muli %shift_right_logical3A_846, %mul3A_847 : i32
      %multiple_of3A_849 = tpu.assume_multiple %mul3A_848, 128 : i32
      %shift_right_logical3A_850 = arith.constant 7 : i32
      %shift_right_logical3A_851 = arith.shrui %squeeze3A_844, %shift_right_logical3A_850 : i32
      %mul3A_852 = arith.constant 128 : i32
      %mul3A_853 = arith.muli %shift_right_logical3A_851, %mul3A_852 : i32
      %multiple_of3A_854 = tpu.assume_multiple %mul3A_853, 128 : i32
      %dma_start3A_855 = arith.constant 7 : i32
      %dma_start3A_856 = arith.constant 0 : i32
      %dma_start3A_857 = tpu.memref_slice %arg4[%dma_start3A_856, %multiple_of3A_849] : memref<32x1000000xf32, #tpu.memory_space<hbm>> -> memref<32x128xf32, #tpu.memory_space<hbm>>
      %dma_start3A_858 = tpu.memref_slice %arg26[%dma_start3A_855] : memref<8x!tpu.dma_semaphore, #tpu.memory_space<semaphore_mem>> -> memref<1x!tpu.dma_semaphore, #tpu.memory_space<semaphore_mem>>
      %dma_start3A_859 = tpu.memref_squeeze %dma_start3A_858 : memref<1x!tpu.dma_semaphore, #tpu.memory_space<semaphore_mem>> -> memref<!tpu.dma_semaphore, #tpu.memory_space<semaphore_mem>>
      %dma_start3A_860 = arith.constant 0 : i32
      %dma_start3A_861 = tpu.memref_slice %arg4[%dma_start3A_860, %multiple_of3A_849] : memref<32x1000000xf32, #tpu.memory_space<hbm>> -> memref<32x128xf32, #tpu.memory_space<hbm>>
      tpu.enqueue_dma source(%dma_start3A_861 : memref<32x128xf32, #tpu.memory_space<hbm>>) target(%arg16 : memref<32x128xf32, #tpu.memory_space<vmem>>) target_semaphore(%dma_start3A_859 : memref<!tpu.dma_semaphore, #tpu.memory_space<semaphore_mem>>)
      %dma_start3A_862 = arith.constant 7 : i32
      %dma_start3A_863 = arith.constant 0 : i32
      %dma_start3A_864 = tpu.memref_slice %arg5[%dma_start3A_863, %multiple_of3A_854] : memref<32x1000000xf32, #tpu.memory_space<hbm>> -> memref<32x128xf32, #tpu.memory_space<hbm>>
      %dma_start3A_865 = tpu.memref_slice %arg27[%dma_start3A_862] : memref<8x!tpu.dma_semaphore, #tpu.memory_space<semaphore_mem>> -> memref<1x!tpu.dma_semaphore, #tpu.memory_space<semaphore_mem>>
      %dma_start3A_866 = tpu.memref_squeeze %dma_start3A_865 : memref<1x!tpu.dma_semaphore, #tpu.memory_space<semaphore_mem>> -> memref<!tpu.dma_semaphore, #tpu.memory_space<semaphore_mem>>
      %dma_start3A_867 = arith.constant 0 : i32
      %dma_start3A_868 = tpu.memref_slice %arg5[%dma_start3A_867, %multiple_of3A_854] : memref<32x1000000xf32, #tpu.memory_space<hbm>> -> memref<32x128xf32, #tpu.memory_space<hbm>>
      tpu.enqueue_dma source(%dma_start3A_868 : memref<32x128xf32, #tpu.memory_space<hbm>>) target(%arg24 : memref<32x128xf32, #tpu.memory_space<vmem>>) target_semaphore(%dma_start3A_866 : memref<!tpu.dma_semaphore, #tpu.memory_space<semaphore_mem>>)
      %dma_wait3A_869 = arith.constant 0 : i32
      %dma_wait3A_870 = arith.constant 0 : i32
      %dma_wait3A_871 = arith.constant 0 : i32
      %dma_wait3A_872 = tpu.memref_slice %arg4[%dma_wait3A_870, %dma_wait3A_871] : memref<32x1000000xf32, #tpu.memory_space<hbm>> -> memref<32x128xf32, #tpu.memory_space<hbm>>
      %dma_wait3A_873 = tpu.memref_slice %arg26[%dma_wait3A_869] : memref<8x!tpu.dma_semaphore, #tpu.memory_space<semaphore_mem>> -> memref<1x!tpu.dma_semaphore, #tpu.memory_space<semaphore_mem>>
      %dma_wait3A_874 = tpu.memref_squeeze %dma_wait3A_873 : memref<1x!tpu.dma_semaphore, #tpu.memory_space<semaphore_mem>> -> memref<!tpu.dma_semaphore, #tpu.memory_space<semaphore_mem>>
      %dma_wait3A_875 = arith.constant 0 : i32
      %dma_wait3A_876 = arith.constant 0 : i32
      %dma_wait3A_877 = tpu.memref_slice %arg4[%dma_wait3A_875, %dma_wait3A_876] : memref<32x1000000xf32, #tpu.memory_space<hbm>> -> memref<32x128xf32, #tpu.memory_space<hbm>>
      tpu.wait_dma2 semaphore(%dma_wait3A_874 : memref<!tpu.dma_semaphore, #tpu.memory_space<semaphore_mem>>) src(%dma_wait3A_877 : memref<32x128xf32, #tpu.memory_space<hbm>>) dst(%arg9 : memref<32x128xf32, #tpu.memory_space<vmem>>)
      %dma_wait3A_878 = arith.constant 0 : i32
      %dma_wait3A_879 = arith.constant 0 : i32
      %dma_wait3A_880 = arith.constant 0 : i32
      %dma_wait3A_881 = tpu.memref_slice %arg5[%dma_wait3A_879, %dma_wait3A_880] : memref<32x1000000xf32, #tpu.memory_space<hbm>> -> memref<32x128xf32, #tpu.memory_space<hbm>>
      %dma_wait3A_882 = tpu.memref_slice %arg27[%dma_wait3A_878] : memref<8x!tpu.dma_semaphore, #tpu.memory_space<semaphore_mem>> -> memref<1x!tpu.dma_semaphore, #tpu.memory_space<semaphore_mem>>
      %dma_wait3A_883 = tpu.memref_squeeze %dma_wait3A_882 : memref<1x!tpu.dma_semaphore, #tpu.memory_space<semaphore_mem>> -> memref<!tpu.dma_semaphore, #tpu.memory_space<semaphore_mem>>
      %dma_wait3A_884 = arith.constant 0 : i32
      %dma_wait3A_885 = arith.constant 0 : i32
      %dma_wait3A_886 = tpu.memref_slice %arg5[%dma_wait3A_884, %dma_wait3A_885] : memref<32x1000000xf32, #tpu.memory_space<hbm>> -> memref<32x128xf32, #tpu.memory_space<hbm>>
      tpu.wait_dma2 semaphore(%dma_wait3A_883 : memref<!tpu.dma_semaphore, #tpu.memory_space<semaphore_mem>>) src(%dma_wait3A_886 : memref<32x128xf32, #tpu.memory_space<hbm>>) dst(%arg17 : memref<32x128xf32, #tpu.memory_space<vmem>>)
      %slice3A_887 = vector.extract_strided_slice %get3A_237 {offsets = [8], sizes = [1], strides = [1]} : vector<16xi32> to vector<1xi32>
      %squeeze3A_888 = vector.extract %slice3A_887[0] : i32 from vector<1xi32>
      %and3A_889 = arith.constant 127 : i32
      %and3A_890 = arith.andi %squeeze3A_888, %and3A_889 : i32
      %broadcast_in_dim3A_891 = vector.broadcast %and3A_890 : i32 to vector<16xi32>
      %slice3A_892 = vector.extract_strided_slice %get3A_239 {offsets = [8], sizes = [1], strides = [1]} : vector<16xi32> to vector<1xi32>
      %squeeze3A_893 = vector.extract %slice3A_892[0] : i32 from vector<1xi32>
      %and3A_894 = arith.constant 127 : i32
      %and3A_895 = arith.andi %squeeze3A_893, %and3A_894 : i32
      %broadcast_in_dim3A_896 = vector.broadcast %and3A_895 : i32 to vector<16xi32>
      %gather3A_897 = tpu.vector_load_idx %arg9[%iota3A, %broadcast_in_dim3A_891] : memref<32x128xf32, #tpu.memory_space<vmem>>[vector<16xi32>, vector<16xi32>], vector<16xf32>,
      %add3A_898 = arith.constant 16 : i32
      %add3A_899 = vector.broadcast %add3A_898 : i32 to vector<16xi32>
      %add3A_900 = arith.addi %iota3A, %add3A_899 : vector<16xi32>
      %gather3A_901 = tpu.vector_load_idx %arg9[%add3A_900, %broadcast_in_dim3A_891] : memref<32x128xf32, #tpu.memory_space<vmem>>[vector<16xi32>, vector<16xi32>], vector<16xf32>,
      %gather3A_902 = tpu.vector_load_idx %arg17[%iota3A, %broadcast_in_dim3A_896] : memref<32x128xf32, #tpu.memory_space<vmem>>[vector<16xi32>, vector<16xi32>], vector<16xf32>,
      %add3A_903 = arith.constant 16 : i32
      %add3A_904 = vector.broadcast %add3A_903 : i32 to vector<16xi32>
      %add3A_905 = arith.addi %iota3A, %add3A_904 : vector<16xi32>
      %gather3A_906 = tpu.vector_load_idx %arg17[%add3A_905, %broadcast_in_dim3A_896] : memref<32x128xf32, #tpu.memory_space<vmem>>[vector<16xi32>, vector<16xi32>], vector<16xf32>,
      %mul3A_907 = arith.mulf %gather3A_897, %gather3A_902 : vector<16xf32>
      %mul3A_908 = arith.mulf %gather3A_901, %gather3A_906 : vector<16xf32>
      %add3A_909 = arith.addf %mul3A_907, %mul3A_908 : vector<16xf32>
      %reduce_sum3A_910 = arith.constant true
      %reduce_sum3A_911 = vector.broadcast %reduce_sum3A_910 : i1 to vector<16xi1>
      %reduce_sum3A_912 = tpu.scan <sum>, %add3A_909 masked %reduce_sum3A_911 : vector<16xf32>, vector<16xi1> -> vector<16xf32>
      %reduce_sum3A_913 = vector.extract %reduce_sum3A_912[15] : f32 from vector<16xf32>
      %eq3A_914 = arith.constant 8 : i32
      %eq3A_915 = vector.broadcast %eq3A_914 : i32 to vector<16xi32>
      %eq3A_916 = arith.cmpi eq, %iota3A, %eq3A_915 : vector<16xi32>
      %broadcast_in_dim3A_917 = vector.broadcast %reduce_sum3A_913 : f32 to vector<16xf32>
      %select_n3A_918 = arith.select %eq3A_916, %broadcast_in_dim3A_917, %select_n3A_840 : vector<16xi1>, vector<16xf32>
      %slice3A_919 = vector.extract_strided_slice %get3A_247 {offsets = [0], sizes = [1], strides = [1]} : vector<16xi32> to vector<1xi32>
      %squeeze3A_920 = vector.extract %slice3A_919[0] : i32 from vector<1xi32>
      %slice3A_921 = vector.extract_strided_slice %get3A_249 {offsets = [0], sizes = [1], strides = [1]} : vector<16xi32> to vector<1xi32>
      %squeeze3A_922 = vector.extract %slice3A_921[0] : i32 from vector<1xi32>
      %lt3A = arith.constant 31 : i32
      %lt3A_923 = arith.cmpi slt, %scan3A_232, %lt3A : i32
      %convert_element_type3A = arith.extui %lt3A_923 : i1 to i32
      %cond3A = arith.constant 0 : i32
      %cond3A_924 = arith.cmpi ne, %convert_element_type3A, %cond3A : i32
      scf.if %cond3A_924 {
        %shift_right_logical3A_1342 = arith.constant 7 : i32
        %shift_right_logical3A_1343 = arith.shrui %squeeze3A_920, %shift_right_logical3A_1342 : i32
        %mul3A_1344 = arith.constant 128 : i32
        %mul3A_1345 = arith.muli %shift_right_logical3A_1343, %mul3A_1344 : i32
        %multiple_of3A_1346 = tpu.assume_multiple %mul3A_1345, 128 : i32
        %shift_right_logical3A_1347 = arith.constant 7 : i32
        %shift_right_logical3A_1348 = arith.shrui %squeeze3A_922, %shift_right_logical3A_1347 : i32
        %mul3A_1349 = arith.constant 128 : i32
        %mul3A_1350 = arith.muli %shift_right_logical3A_1348, %mul3A_1349 : i32
        %multiple_of3A_1351 = tpu.assume_multiple %mul3A_1350, 128 : i32
        %dma_start3A_1352 = arith.constant 0 : i32
        %dma_start3A_1353 = arith.constant 0 : i32
        %dma_start3A_1354 = tpu.memref_slice %arg4[%dma_start3A_1353, %multiple_of3A_1346] : memref<32x1000000xf32, #tpu.memory_space<hbm>> -> memref<32x128xf32, #tpu.memory_space<hbm>>
        %dma_start3A_1355 = tpu.memref_slice %arg26[%dma_start3A_1352] : memref<8x!tpu.dma_semaphore, #tpu.memory_space<semaphore_mem>> -> memref<1x!tpu.dma_semaphore, #tpu.memory_space<semaphore_mem>>
        %dma_start3A_1356 = tpu.memref_squeeze %dma_start3A_1355 : memref<1x!tpu.dma_semaphore, #tpu.memory_space<semaphore_mem>> -> memref<!tpu.dma_semaphore, #tpu.memory_space<semaphore_mem>>
        %dma_start3A_1357 = arith.constant 0 : i32
        %dma_start3A_1358 = tpu.memref_slice %arg4[%dma_start3A_1357, %multiple_of3A_1346] : memref<32x1000000xf32, #tpu.memory_space<hbm>> -> memref<32x128xf32, #tpu.memory_space<hbm>>
        tpu.enqueue_dma source(%dma_start3A_1358 : memref<32x128xf32, #tpu.memory_space<hbm>>) target(%arg9 : memref<32x128xf32, #tpu.memory_space<vmem>>) target_semaphore(%dma_start3A_1356 : memref<!tpu.dma_semaphore, #tpu.memory_space<semaphore_mem>>)
        %dma_start3A_1359 = arith.constant 0 : i32
        %dma_start3A_1360 = arith.constant 0 : i32
        %dma_start3A_1361 = tpu.memref_slice %arg5[%dma_start3A_1360, %multiple_of3A_1351] : memref<32x1000000xf32, #tpu.memory_space<hbm>> -> memref<32x128xf32, #tpu.memory_space<hbm>>
        %dma_start3A_1362 = tpu.memref_slice %arg27[%dma_start3A_1359] : memref<8x!tpu.dma_semaphore, #tpu.memory_space<semaphore_mem>> -> memref<1x!tpu.dma_semaphore, #tpu.memory_space<semaphore_mem>>
        %dma_start3A_1363 = tpu.memref_squeeze %dma_start3A_1362 : memref<1x!tpu.dma_semaphore, #tpu.memory_space<semaphore_mem>> -> memref<!tpu.dma_semaphore, #tpu.memory_space<semaphore_mem>>
        %dma_start3A_1364 = arith.constant 0 : i32
        %dma_start3A_1365 = tpu.memref_slice %arg5[%dma_start3A_1364, %multiple_of3A_1351] : memref<32x1000000xf32, #tpu.memory_space<hbm>> -> memref<32x128xf32, #tpu.memory_space<hbm>>
        tpu.enqueue_dma source(%dma_start3A_1365 : memref<32x128xf32, #tpu.memory_space<hbm>>) target(%arg17 : memref<32x128xf32, #tpu.memory_space<vmem>>) target_semaphore(%dma_start3A_1363 : memref<!tpu.dma_semaphore, #tpu.memory_space<semaphore_mem>>)
      } else {
      }
      %dma_wait3A_925 = arith.constant 1 : i32
      %dma_wait3A_926 = arith.constant 0 : i32
      %dma_wait3A_927 = arith.constant 0 : i32
      %dma_wait3A_928 = tpu.memref_slice %arg4[%dma_wait3A_926, %dma_wait3A_927] : memref<32x1000000xf32, #tpu.memory_space<hbm>> -> memref<32x128xf32, #tpu.memory_space<hbm>>
      %dma_wait3A_929 = tpu.memref_slice %arg26[%dma_wait3A_925] : memref<8x!tpu.dma_semaphore, #tpu.memory_space<semaphore_mem>> -> memref<1x!tpu.dma_semaphore, #tpu.memory_space<semaphore_mem>>
      %dma_wait3A_930 = tpu.memref_squeeze %dma_wait3A_929 : memref<1x!tpu.dma_semaphore, #tpu.memory_space<semaphore_mem>> -> memref<!tpu.dma_semaphore, #tpu.memory_space<semaphore_mem>>
      %dma_wait3A_931 = arith.constant 0 : i32
      %dma_wait3A_932 = arith.constant 0 : i32
      %dma_wait3A_933 = tpu.memref_slice %arg4[%dma_wait3A_931, %dma_wait3A_932] : memref<32x1000000xf32, #tpu.memory_space<hbm>> -> memref<32x128xf32, #tpu.memory_space<hbm>>
      tpu.wait_dma2 semaphore(%dma_wait3A_930 : memref<!tpu.dma_semaphore, #tpu.memory_space<semaphore_mem>>) src(%dma_wait3A_933 : memref<32x128xf32, #tpu.memory_space<hbm>>) dst(%arg10 : memref<32x128xf32, #tpu.memory_space<vmem>>)
      %dma_wait3A_934 = arith.constant 1 : i32
      %dma_wait3A_935 = arith.constant 0 : i32
      %dma_wait3A_936 = arith.constant 0 : i32
      %dma_wait3A_937 = tpu.memref_slice %arg5[%dma_wait3A_935, %dma_wait3A_936] : memref<32x1000000xf32, #tpu.memory_space<hbm>> -> memref<32x128xf32, #tpu.memory_space<hbm>>
      %dma_wait3A_938 = tpu.memref_slice %arg27[%dma_wait3A_934] : memref<8x!tpu.dma_semaphore, #tpu.memory_space<semaphore_mem>> -> memref<1x!tpu.dma_semaphore, #tpu.memory_space<semaphore_mem>>
      %dma_wait3A_939 = tpu.memref_squeeze %dma_wait3A_938 : memref<1x!tpu.dma_semaphore, #tpu.memory_space<semaphore_mem>> -> memref<!tpu.dma_semaphore, #tpu.memory_space<semaphore_mem>>
      %dma_wait3A_940 = arith.constant 0 : i32
      %dma_wait3A_941 = arith.constant 0 : i32
      %dma_wait3A_942 = tpu.memref_slice %arg5[%dma_wait3A_940, %dma_wait3A_941] : memref<32x1000000xf32, #tpu.memory_space<hbm>> -> memref<32x128xf32, #tpu.memory_space<hbm>>
      tpu.wait_dma2 semaphore(%dma_wait3A_939 : memref<!tpu.dma_semaphore, #tpu.memory_space<semaphore_mem>>) src(%dma_wait3A_942 : memref<32x128xf32, #tpu.memory_space<hbm>>) dst(%arg18 : memref<32x128xf32, #tpu.memory_space<vmem>>)
      %slice3A_943 = vector.extract_strided_slice %get3A_237 {offsets = [9], sizes = [1], strides = [1]} : vector<16xi32> to vector<1xi32>
      %squeeze3A_944 = vector.extract %slice3A_943[0] : i32 from vector<1xi32>
      %and3A_945 = arith.constant 127 : i32
      %and3A_946 = arith.andi %squeeze3A_944, %and3A_945 : i32
      %broadcast_in_dim3A_947 = vector.broadcast %and3A_946 : i32 to vector<16xi32>
      %slice3A_948 = vector.extract_strided_slice %get3A_239 {offsets = [9], sizes = [1], strides = [1]} : vector<16xi32> to vector<1xi32>
      %squeeze3A_949 = vector.extract %slice3A_948[0] : i32 from vector<1xi32>
      %and3A_950 = arith.constant 127 : i32
      %and3A_951 = arith.andi %squeeze3A_949, %and3A_950 : i32
      %broadcast_in_dim3A_952 = vector.broadcast %and3A_951 : i32 to vector<16xi32>
      %gather3A_953 = tpu.vector_load_idx %arg10[%iota3A, %broadcast_in_dim3A_947] : memref<32x128xf32, #tpu.memory_space<vmem>>[vector<16xi32>, vector<16xi32>], vector<16xf32>,
      %add3A_954 = arith.constant 16 : i32
      %add3A_955 = vector.broadcast %add3A_954 : i32 to vector<16xi32>
      %add3A_956 = arith.addi %iota3A, %add3A_955 : vector<16xi32>
      %gather3A_957 = tpu.vector_load_idx %arg10[%add3A_956, %broadcast_in_dim3A_947] : memref<32x128xf32, #tpu.memory_space<vmem>>[vector<16xi32>, vector<16xi32>], vector<16xf32>,
      %gather3A_958 = tpu.vector_load_idx %arg18[%iota3A, %broadcast_in_dim3A_952] : memref<32x128xf32, #tpu.memory_space<vmem>>[vector<16xi32>, vector<16xi32>], vector<16xf32>,
      %add3A_959 = arith.constant 16 : i32
      %add3A_960 = vector.broadcast %add3A_959 : i32 to vector<16xi32>
      %add3A_961 = arith.addi %iota3A, %add3A_960 : vector<16xi32>
      %gather3A_962 = tpu.vector_load_idx %arg18[%add3A_961, %broadcast_in_dim3A_952] : memref<32x128xf32, #tpu.memory_space<vmem>>[vector<16xi32>, vector<16xi32>], vector<16xf32>,
      %mul3A_963 = arith.mulf %gather3A_953, %gather3A_958 : vector<16xf32>
      %mul3A_964 = arith.mulf %gather3A_957, %gather3A_962 : vector<16xf32>
      %add3A_965 = arith.addf %mul3A_963, %mul3A_964 : vector<16xf32>
      %reduce_sum3A_966 = arith.constant true
      %reduce_sum3A_967 = vector.broadcast %reduce_sum3A_966 : i1 to vector<16xi1>
      %reduce_sum3A_968 = tpu.scan <sum>, %add3A_965 masked %reduce_sum3A_967 : vector<16xf32>, vector<16xi1> -> vector<16xf32>
      %reduce_sum3A_969 = vector.extract %reduce_sum3A_968[15] : f32 from vector<16xf32>
      %eq3A_970 = arith.constant 9 : i32
      %eq3A_971 = vector.broadcast %eq3A_970 : i32 to vector<16xi32>
      %eq3A_972 = arith.cmpi eq, %iota3A, %eq3A_971 : vector<16xi32>
      %broadcast_in_dim3A_973 = vector.broadcast %reduce_sum3A_969 : f32 to vector<16xf32>
      %select_n3A_974 = arith.select %eq3A_972, %broadcast_in_dim3A_973, %select_n3A_918 : vector<16xi1>, vector<16xf32>
      %slice3A_975 = vector.extract_strided_slice %get3A_247 {offsets = [1], sizes = [1], strides = [1]} : vector<16xi32> to vector<1xi32>
      %squeeze3A_976 = vector.extract %slice3A_975[0] : i32 from vector<1xi32>
      %slice3A_977 = vector.extract_strided_slice %get3A_249 {offsets = [1], sizes = [1], strides = [1]} : vector<16xi32> to vector<1xi32>
      %squeeze3A_978 = vector.extract %slice3A_977[0] : i32 from vector<1xi32>
      %lt3A_979 = arith.constant 31 : i32
      %lt3A_980 = arith.cmpi slt, %scan3A_232, %lt3A_979 : i32
      %convert_element_type3A_981 = arith.extui %lt3A_980 : i1 to i32
      %cond3A_982 = arith.constant 0 : i32
      %cond3A_983 = arith.cmpi ne, %convert_element_type3A_981, %cond3A_982 : i32
      scf.if %cond3A_983 {
        %shift_right_logical3A_1342 = arith.constant 7 : i32
        %shift_right_logical3A_1343 = arith.shrui %squeeze3A_976, %shift_right_logical3A_1342 : i32
        %mul3A_1344 = arith.constant 128 : i32
        %mul3A_1345 = arith.muli %shift_right_logical3A_1343, %mul3A_1344 : i32
        %multiple_of3A_1346 = tpu.assume_multiple %mul3A_1345, 128 : i32
        %shift_right_logical3A_1347 = arith.constant 7 : i32
        %shift_right_logical3A_1348 = arith.shrui %squeeze3A_978, %shift_right_logical3A_1347 : i32
        %mul3A_1349 = arith.constant 128 : i32
        %mul3A_1350 = arith.muli %shift_right_logical3A_1348, %mul3A_1349 : i32
        %multiple_of3A_1351 = tpu.assume_multiple %mul3A_1350, 128 : i32
        %dma_start3A_1352 = arith.constant 1 : i32
        %dma_start3A_1353 = arith.constant 0 : i32
        %dma_start3A_1354 = tpu.memref_slice %arg4[%dma_start3A_1353, %multiple_of3A_1346] : memref<32x1000000xf32, #tpu.memory_space<hbm>> -> memref<32x128xf32, #tpu.memory_space<hbm>>
        %dma_start3A_1355 = tpu.memref_slice %arg26[%dma_start3A_1352] : memref<8x!tpu.dma_semaphore, #tpu.memory_space<semaphore_mem>> -> memref<1x!tpu.dma_semaphore, #tpu.memory_space<semaphore_mem>>
        %dma_start3A_1356 = tpu.memref_squeeze %dma_start3A_1355 : memref<1x!tpu.dma_semaphore, #tpu.memory_space<semaphore_mem>> -> memref<!tpu.dma_semaphore, #tpu.memory_space<semaphore_mem>>
        %dma_start3A_1357 = arith.constant 0 : i32
        %dma_start3A_1358 = tpu.memref_slice %arg4[%dma_start3A_1357, %multiple_of3A_1346] : memref<32x1000000xf32, #tpu.memory_space<hbm>> -> memref<32x128xf32, #tpu.memory_space<hbm>>
        tpu.enqueue_dma source(%dma_start3A_1358 : memref<32x128xf32, #tpu.memory_space<hbm>>) target(%arg10 : memref<32x128xf32, #tpu.memory_space<vmem>>) target_semaphore(%dma_start3A_1356 : memref<!tpu.dma_semaphore, #tpu.memory_space<semaphore_mem>>)
        %dma_start3A_1359 = arith.constant 1 : i32
        %dma_start3A_1360 = arith.constant 0 : i32
        %dma_start3A_1361 = tpu.memref_slice %arg5[%dma_start3A_1360, %multiple_of3A_1351] : memref<32x1000000xf32, #tpu.memory_space<hbm>> -> memref<32x128xf32, #tpu.memory_space<hbm>>
        %dma_start3A_1362 = tpu.memref_slice %arg27[%dma_start3A_1359] : memref<8x!tpu.dma_semaphore, #tpu.memory_space<semaphore_mem>> -> memref<1x!tpu.dma_semaphore, #tpu.memory_space<semaphore_mem>>
        %dma_start3A_1363 = tpu.memref_squeeze %dma_start3A_1362 : memref<1x!tpu.dma_semaphore, #tpu.memory_space<semaphore_mem>> -> memref<!tpu.dma_semaphore, #tpu.memory_space<semaphore_mem>>
        %dma_start3A_1364 = arith.constant 0 : i32
        %dma_start3A_1365 = tpu.memref_slice %arg5[%dma_start3A_1364, %multiple_of3A_1351] : memref<32x1000000xf32, #tpu.memory_space<hbm>> -> memref<32x128xf32, #tpu.memory_space<hbm>>
        tpu.enqueue_dma source(%dma_start3A_1365 : memref<32x128xf32, #tpu.memory_space<hbm>>) target(%arg18 : memref<32x128xf32, #tpu.memory_space<vmem>>) target_semaphore(%dma_start3A_1363 : memref<!tpu.dma_semaphore, #tpu.memory_space<semaphore_mem>>)
      } else {
      }
      %dma_wait3A_984 = arith.constant 2 : i32
      %dma_wait3A_985 = arith.constant 0 : i32
      %dma_wait3A_986 = arith.constant 0 : i32
      %dma_wait3A_987 = tpu.memref_slice %arg4[%dma_wait3A_985, %dma_wait3A_986] : memref<32x1000000xf32, #tpu.memory_space<hbm>> -> memref<32x128xf32, #tpu.memory_space<hbm>>
      %dma_wait3A_988 = tpu.memref_slice %arg26[%dma_wait3A_984] : memref<8x!tpu.dma_semaphore, #tpu.memory_space<semaphore_mem>> -> memref<1x!tpu.dma_semaphore, #tpu.memory_space<semaphore_mem>>
      %dma_wait3A_989 = tpu.memref_squeeze %dma_wait3A_988 : memref<1x!tpu.dma_semaphore, #tpu.memory_space<semaphore_mem>> -> memref<!tpu.dma_semaphore, #tpu.memory_space<semaphore_mem>>
      %dma_wait3A_990 = arith.constant 0 : i32
      %dma_wait3A_991 = arith.constant 0 : i32
      %dma_wait3A_992 = tpu.memref_slice %arg4[%dma_wait3A_990, %dma_wait3A_991] : memref<32x1000000xf32, #tpu.memory_space<hbm>> -> memref<32x128xf32, #tpu.memory_space<hbm>>
      tpu.wait_dma2 semaphore(%dma_wait3A_989 : memref<!tpu.dma_semaphore, #tpu.memory_space<semaphore_mem>>) src(%dma_wait3A_992 : memref<32x128xf32, #tpu.memory_space<hbm>>) dst(%arg11 : memref<32x128xf32, #tpu.memory_space<vmem>>)
      %dma_wait3A_993 = arith.constant 2 : i32
      %dma_wait3A_994 = arith.constant 0 : i32
      %dma_wait3A_995 = arith.constant 0 : i32
      %dma_wait3A_996 = tpu.memref_slice %arg5[%dma_wait3A_994, %dma_wait3A_995] : memref<32x1000000xf32, #tpu.memory_space<hbm>> -> memref<32x128xf32, #tpu.memory_space<hbm>>
      %dma_wait3A_997 = tpu.memref_slice %arg27[%dma_wait3A_993] : memref<8x!tpu.dma_semaphore, #tpu.memory_space<semaphore_mem>> -> memref<1x!tpu.dma_semaphore, #tpu.memory_space<semaphore_mem>>
      %dma_wait3A_998 = tpu.memref_squeeze %dma_wait3A_997 : memref<1x!tpu.dma_semaphore, #tpu.memory_space<semaphore_mem>> -> memref<!tpu.dma_semaphore, #tpu.memory_space<semaphore_mem>>
      %dma_wait3A_999 = arith.constant 0 : i32
      %dma_wait3A_1000 = arith.constant 0 : i32
      %dma_wait3A_1001 = tpu.memref_slice %arg5[%dma_wait3A_999, %dma_wait3A_1000] : memref<32x1000000xf32, #tpu.memory_space<hbm>> -> memref<32x128xf32, #tpu.memory_space<hbm>>
      tpu.wait_dma2 semaphore(%dma_wait3A_998 : memref<!tpu.dma_semaphore, #tpu.memory_space<semaphore_mem>>) src(%dma_wait3A_1001 : memref<32x128xf32, #tpu.memory_space<hbm>>) dst(%arg19 : memref<32x128xf32, #tpu.memory_space<vmem>>)
      %slice3A_1002 = vector.extract_strided_slice %get3A_237 {offsets = [10], sizes = [1], strides = [1]} : vector<16xi32> to vector<1xi32>
      %squeeze3A_1003 = vector.extract %slice3A_1002[0] : i32 from vector<1xi32>
      %and3A_1004 = arith.constant 127 : i32
      %and3A_1005 = arith.andi %squeeze3A_1003, %and3A_1004 : i32
      %broadcast_in_dim3A_1006 = vector.broadcast %and3A_1005 : i32 to vector<16xi32>
      %slice3A_1007 = vector.extract_strided_slice %get3A_239 {offsets = [10], sizes = [1], strides = [1]} : vector<16xi32> to vector<1xi32>
      %squeeze3A_1008 = vector.extract %slice3A_1007[0] : i32 from vector<1xi32>
      %and3A_1009 = arith.constant 127 : i32
      %and3A_1010 = arith.andi %squeeze3A_1008, %and3A_1009 : i32
      %broadcast_in_dim3A_1011 = vector.broadcast %and3A_1010 : i32 to vector<16xi32>
      %gather3A_1012 = tpu.vector_load_idx %arg11[%iota3A, %broadcast_in_dim3A_1006] : memref<32x128xf32, #tpu.memory_space<vmem>>[vector<16xi32>, vector<16xi32>], vector<16xf32>,
      %add3A_1013 = arith.constant 16 : i32
      %add3A_1014 = vector.broadcast %add3A_1013 : i32 to vector<16xi32>
      %add3A_1015 = arith.addi %iota3A, %add3A_1014 : vector<16xi32>
      %gather3A_1016 = tpu.vector_load_idx %arg11[%add3A_1015, %broadcast_in_dim3A_1006] : memref<32x128xf32, #tpu.memory_space<vmem>>[vector<16xi32>, vector<16xi32>], vector<16xf32>,
      %gather3A_1017 = tpu.vector_load_idx %arg19[%iota3A, %broadcast_in_dim3A_1011] : memref<32x128xf32, #tpu.memory_space<vmem>>[vector<16xi32>, vector<16xi32>], vector<16xf32>,
      %add3A_1018 = arith.constant 16 : i32
      %add3A_1019 = vector.broadcast %add3A_1018 : i32 to vector<16xi32>
      %add3A_1020 = arith.addi %iota3A, %add3A_1019 : vector<16xi32>
      %gather3A_1021 = tpu.vector_load_idx %arg19[%add3A_1020, %broadcast_in_dim3A_1011] : memref<32x128xf32, #tpu.memory_space<vmem>>[vector<16xi32>, vector<16xi32>], vector<16xf32>,
      %mul3A_1022 = arith.mulf %gather3A_1012, %gather3A_1017 : vector<16xf32>
      %mul3A_1023 = arith.mulf %gather3A_1016, %gather3A_1021 : vector<16xf32>
      %add3A_1024 = arith.addf %mul3A_1022, %mul3A_1023 : vector<16xf32>
      %reduce_sum3A_1025 = arith.constant true
      %reduce_sum3A_1026 = vector.broadcast %reduce_sum3A_1025 : i1 to vector<16xi1>
      %reduce_sum3A_1027 = tpu.scan <sum>, %add3A_1024 masked %reduce_sum3A_1026 : vector<16xf32>, vector<16xi1> -> vector<16xf32>
      %reduce_sum3A_1028 = vector.extract %reduce_sum3A_1027[15] : f32 from vector<16xf32>
      %eq3A_1029 = arith.constant 10 : i32
      %eq3A_1030 = vector.broadcast %eq3A_1029 : i32 to vector<16xi32>
      %eq3A_1031 = arith.cmpi eq, %iota3A, %eq3A_1030 : vector<16xi32>
      %broadcast_in_dim3A_1032 = vector.broadcast %reduce_sum3A_1028 : f32 to vector<16xf32>
      %select_n3A_1033 = arith.select %eq3A_1031, %broadcast_in_dim3A_1032, %select_n3A_974 : vector<16xi1>, vector<16xf32>
      %slice3A_1034 = vector.extract_strided_slice %get3A_247 {offsets = [2], sizes = [1], strides = [1]} : vector<16xi32> to vector<1xi32>
      %squeeze3A_1035 = vector.extract %slice3A_1034[0] : i32 from vector<1xi32>
      %slice3A_1036 = vector.extract_strided_slice %get3A_249 {offsets = [2], sizes = [1], strides = [1]} : vector<16xi32> to vector<1xi32>
      %squeeze3A_1037 = vector.extract %slice3A_1036[0] : i32 from vector<1xi32>
      %lt3A_1038 = arith.constant 31 : i32
      %lt3A_1039 = arith.cmpi slt, %scan3A_232, %lt3A_1038 : i32
      %convert_element_type3A_1040 = arith.extui %lt3A_1039 : i1 to i32
      %cond3A_1041 = arith.constant 0 : i32
      %cond3A_1042 = arith.cmpi ne, %convert_element_type3A_1040, %cond3A_1041 : i32
      scf.if %cond3A_1042 {
        %shift_right_logical3A_1342 = arith.constant 7 : i32
        %shift_right_logical3A_1343 = arith.shrui %squeeze3A_1035, %shift_right_logical3A_1342 : i32
        %mul3A_1344 = arith.constant 128 : i32
        %mul3A_1345 = arith.muli %shift_right_logical3A_1343, %mul3A_1344 : i32
        %multiple_of3A_1346 = tpu.assume_multiple %mul3A_1345, 128 : i32
        %shift_right_logical3A_1347 = arith.constant 7 : i32
        %shift_right_logical3A_1348 = arith.shrui %squeeze3A_1037, %shift_right_logical3A_1347 : i32
        %mul3A_1349 = arith.constant 128 : i32
        %mul3A_1350 = arith.muli %shift_right_logical3A_1348, %mul3A_1349 : i32
        %multiple_of3A_1351 = tpu.assume_multiple %mul3A_1350, 128 : i32
        %dma_start3A_1352 = arith.constant 2 : i32
        %dma_start3A_1353 = arith.constant 0 : i32
        %dma_start3A_1354 = tpu.memref_slice %arg4[%dma_start3A_1353, %multiple_of3A_1346] : memref<32x1000000xf32, #tpu.memory_space<hbm>> -> memref<32x128xf32, #tpu.memory_space<hbm>>
        %dma_start3A_1355 = tpu.memref_slice %arg26[%dma_start3A_1352] : memref<8x!tpu.dma_semaphore, #tpu.memory_space<semaphore_mem>> -> memref<1x!tpu.dma_semaphore, #tpu.memory_space<semaphore_mem>>
        %dma_start3A_1356 = tpu.memref_squeeze %dma_start3A_1355 : memref<1x!tpu.dma_semaphore, #tpu.memory_space<semaphore_mem>> -> memref<!tpu.dma_semaphore, #tpu.memory_space<semaphore_mem>>
        %dma_start3A_1357 = arith.constant 0 : i32
        %dma_start3A_1358 = tpu.memref_slice %arg4[%dma_start3A_1357, %multiple_of3A_1346] : memref<32x1000000xf32, #tpu.memory_space<hbm>> -> memref<32x128xf32, #tpu.memory_space<hbm>>
        tpu.enqueue_dma source(%dma_start3A_1358 : memref<32x128xf32, #tpu.memory_space<hbm>>) target(%arg11 : memref<32x128xf32, #tpu.memory_space<vmem>>) target_semaphore(%dma_start3A_1356 : memref<!tpu.dma_semaphore, #tpu.memory_space<semaphore_mem>>)
        %dma_start3A_1359 = arith.constant 2 : i32
        %dma_start3A_1360 = arith.constant 0 : i32
        %dma_start3A_1361 = tpu.memref_slice %arg5[%dma_start3A_1360, %multiple_of3A_1351] : memref<32x1000000xf32, #tpu.memory_space<hbm>> -> memref<32x128xf32, #tpu.memory_space<hbm>>
        %dma_start3A_1362 = tpu.memref_slice %arg27[%dma_start3A_1359] : memref<8x!tpu.dma_semaphore, #tpu.memory_space<semaphore_mem>> -> memref<1x!tpu.dma_semaphore, #tpu.memory_space<semaphore_mem>>
        %dma_start3A_1363 = tpu.memref_squeeze %dma_start3A_1362 : memref<1x!tpu.dma_semaphore, #tpu.memory_space<semaphore_mem>> -> memref<!tpu.dma_semaphore, #tpu.memory_space<semaphore_mem>>
        %dma_start3A_1364 = arith.constant 0 : i32
        %dma_start3A_1365 = tpu.memref_slice %arg5[%dma_start3A_1364, %multiple_of3A_1351] : memref<32x1000000xf32, #tpu.memory_space<hbm>> -> memref<32x128xf32, #tpu.memory_space<hbm>>
        tpu.enqueue_dma source(%dma_start3A_1365 : memref<32x128xf32, #tpu.memory_space<hbm>>) target(%arg19 : memref<32x128xf32, #tpu.memory_space<vmem>>) target_semaphore(%dma_start3A_1363 : memref<!tpu.dma_semaphore, #tpu.memory_space<semaphore_mem>>)
      } else {
      }
      %dma_wait3A_1043 = arith.constant 3 : i32
      %dma_wait3A_1044 = arith.constant 0 : i32
      %dma_wait3A_1045 = arith.constant 0 : i32
      %dma_wait3A_1046 = tpu.memref_slice %arg4[%dma_wait3A_1044, %dma_wait3A_1045] : memref<32x1000000xf32, #tpu.memory_space<hbm>> -> memref<32x128xf32, #tpu.memory_space<hbm>>
      %dma_wait3A_1047 = tpu.memref_slice %arg26[%dma_wait3A_1043] : memref<8x!tpu.dma_semaphore, #tpu.memory_space<semaphore_mem>> -> memref<1x!tpu.dma_semaphore, #tpu.memory_space<semaphore_mem>>
      %dma_wait3A_1048 = tpu.memref_squeeze %dma_wait3A_1047 : memref<1x!tpu.dma_semaphore, #tpu.memory_space<semaphore_mem>> -> memref<!tpu.dma_semaphore, #tpu.memory_space<semaphore_mem>>
      %dma_wait3A_1049 = arith.constant 0 : i32
      %dma_wait3A_1050 = arith.constant 0 : i32
      %dma_wait3A_1051 = tpu.memref_slice %arg4[%dma_wait3A_1049, %dma_wait3A_1050] : memref<32x1000000xf32, #tpu.memory_space<hbm>> -> memref<32x128xf32, #tpu.memory_space<hbm>>
      tpu.wait_dma2 semaphore(%dma_wait3A_1048 : memref<!tpu.dma_semaphore, #tpu.memory_space<semaphore_mem>>) src(%dma_wait3A_1051 : memref<32x128xf32, #tpu.memory_space<hbm>>) dst(%arg12 : memref<32x128xf32, #tpu.memory_space<vmem>>)
      %dma_wait3A_1052 = arith.constant 3 : i32
      %dma_wait3A_1053 = arith.constant 0 : i32
      %dma_wait3A_1054 = arith.constant 0 : i32
      %dma_wait3A_1055 = tpu.memref_slice %arg5[%dma_wait3A_1053, %dma_wait3A_1054] : memref<32x1000000xf32, #tpu.memory_space<hbm>> -> memref<32x128xf32, #tpu.memory_space<hbm>>
      %dma_wait3A_1056 = tpu.memref_slice %arg27[%dma_wait3A_1052] : memref<8x!tpu.dma_semaphore, #tpu.memory_space<semaphore_mem>> -> memref<1x!tpu.dma_semaphore, #tpu.memory_space<semaphore_mem>>
      %dma_wait3A_1057 = tpu.memref_squeeze %dma_wait3A_1056 : memref<1x!tpu.dma_semaphore, #tpu.memory_space<semaphore_mem>> -> memref<!tpu.dma_semaphore, #tpu.memory_space<semaphore_mem>>
      %dma_wait3A_1058 = arith.constant 0 : i32
      %dma_wait3A_1059 = arith.constant 0 : i32
      %dma_wait3A_1060 = tpu.memref_slice %arg5[%dma_wait3A_1058, %dma_wait3A_1059] : memref<32x1000000xf32, #tpu.memory_space<hbm>> -> memref<32x128xf32, #tpu.memory_space<hbm>>
      tpu.wait_dma2 semaphore(%dma_wait3A_1057 : memref<!tpu.dma_semaphore, #tpu.memory_space<semaphore_mem>>) src(%dma_wait3A_1060 : memref<32x128xf32, #tpu.memory_space<hbm>>) dst(%arg20 : memref<32x128xf32, #tpu.memory_space<vmem>>)
      %slice3A_1061 = vector.extract_strided_slice %get3A_237 {offsets = [11], sizes = [1], strides = [1]} : vector<16xi32> to vector<1xi32>
      %squeeze3A_1062 = vector.extract %slice3A_1061[0] : i32 from vector<1xi32>
      %and3A_1063 = arith.constant 127 : i32
      %and3A_1064 = arith.andi %squeeze3A_1062, %and3A_1063 : i32
      %broadcast_in_dim3A_1065 = vector.broadcast %and3A_1064 : i32 to vector<16xi32>
      %slice3A_1066 = vector.extract_strided_slice %get3A_239 {offsets = [11], sizes = [1], strides = [1]} : vector<16xi32> to vector<1xi32>
      %squeeze3A_1067 = vector.extract %slice3A_1066[0] : i32 from vector<1xi32>
      %and3A_1068 = arith.constant 127 : i32
      %and3A_1069 = arith.andi %squeeze3A_1067, %and3A_1068 : i32
      %broadcast_in_dim3A_1070 = vector.broadcast %and3A_1069 : i32 to vector<16xi32>
      %gather3A_1071 = tpu.vector_load_idx %arg12[%iota3A, %broadcast_in_dim3A_1065] : memref<32x128xf32, #tpu.memory_space<vmem>>[vector<16xi32>, vector<16xi32>], vector<16xf32>,
      %add3A_1072 = arith.constant 16 : i32
      %add3A_1073 = vector.broadcast %add3A_1072 : i32 to vector<16xi32>
      %add3A_1074 = arith.addi %iota3A, %add3A_1073 : vector<16xi32>
      %gather3A_1075 = tpu.vector_load_idx %arg12[%add3A_1074, %broadcast_in_dim3A_1065] : memref<32x128xf32, #tpu.memory_space<vmem>>[vector<16xi32>, vector<16xi32>], vector<16xf32>,
      %gather3A_1076 = tpu.vector_load_idx %arg20[%iota3A, %broadcast_in_dim3A_1070] : memref<32x128xf32, #tpu.memory_space<vmem>>[vector<16xi32>, vector<16xi32>], vector<16xf32>,
      %add3A_1077 = arith.constant 16 : i32
      %add3A_1078 = vector.broadcast %add3A_1077 : i32 to vector<16xi32>
      %add3A_1079 = arith.addi %iota3A, %add3A_1078 : vector<16xi32>
      %gather3A_1080 = tpu.vector_load_idx %arg20[%add3A_1079, %broadcast_in_dim3A_1070] : memref<32x128xf32, #tpu.memory_space<vmem>>[vector<16xi32>, vector<16xi32>], vector<16xf32>,
      %mul3A_1081 = arith.mulf %gather3A_1071, %gather3A_1076 : vector<16xf32>
      %mul3A_1082 = arith.mulf %gather3A_1075, %gather3A_1080 : vector<16xf32>
      %add3A_1083 = arith.addf %mul3A_1081, %mul3A_1082 : vector<16xf32>
      %reduce_sum3A_1084 = arith.constant true
      %reduce_sum3A_1085 = vector.broadcast %reduce_sum3A_1084 : i1 to vector<16xi1>
      %reduce_sum3A_1086 = tpu.scan <sum>, %add3A_1083 masked %reduce_sum3A_1085 : vector<16xf32>, vector<16xi1> -> vector<16xf32>
      %reduce_sum3A_1087 = vector.extract %reduce_sum3A_1086[15] : f32 from vector<16xf32>
      %eq3A_1088 = arith.constant 11 : i32
      %eq3A_1089 = vector.broadcast %eq3A_1088 : i32 to vector<16xi32>
      %eq3A_1090 = arith.cmpi eq, %iota3A, %eq3A_1089 : vector<16xi32>
      %broadcast_in_dim3A_1091 = vector.broadcast %reduce_sum3A_1087 : f32 to vector<16xf32>
      %select_n3A_1092 = arith.select %eq3A_1090, %broadcast_in_dim3A_1091, %select_n3A_1033 : vector<16xi1>, vector<16xf32>
      %slice3A_1093 = vector.extract_strided_slice %get3A_247 {offsets = [3], sizes = [1], strides = [1]} : vector<16xi32> to vector<1xi32>
      %squeeze3A_1094 = vector.extract %slice3A_1093[0] : i32 from vector<1xi32>
      %slice3A_1095 = vector.extract_strided_slice %get3A_249 {offsets = [3], sizes = [1], strides = [1]} : vector<16xi32> to vector<1xi32>
      %squeeze3A_1096 = vector.extract %slice3A_1095[0] : i32 from vector<1xi32>
      %lt3A_1097 = arith.constant 31 : i32
      %lt3A_1098 = arith.cmpi slt, %scan3A_232, %lt3A_1097 : i32
      %convert_element_type3A_1099 = arith.extui %lt3A_1098 : i1 to i32
      %cond3A_1100 = arith.constant 0 : i32
      %cond3A_1101 = arith.cmpi ne, %convert_element_type3A_1099, %cond3A_1100 : i32
      scf.if %cond3A_1101 {
        %shift_right_logical3A_1342 = arith.constant 7 : i32
        %shift_right_logical3A_1343 = arith.shrui %squeeze3A_1094, %shift_right_logical3A_1342 : i32
        %mul3A_1344 = arith.constant 128 : i32
        %mul3A_1345 = arith.muli %shift_right_logical3A_1343, %mul3A_1344 : i32
        %multiple_of3A_1346 = tpu.assume_multiple %mul3A_1345, 128 : i32
        %shift_right_logical3A_1347 = arith.constant 7 : i32
        %shift_right_logical3A_1348 = arith.shrui %squeeze3A_1096, %shift_right_logical3A_1347 : i32
        %mul3A_1349 = arith.constant 128 : i32
        %mul3A_1350 = arith.muli %shift_right_logical3A_1348, %mul3A_1349 : i32
        %multiple_of3A_1351 = tpu.assume_multiple %mul3A_1350, 128 : i32
        %dma_start3A_1352 = arith.constant 3 : i32
        %dma_start3A_1353 = arith.constant 0 : i32
        %dma_start3A_1354 = tpu.memref_slice %arg4[%dma_start3A_1353, %multiple_of3A_1346] : memref<32x1000000xf32, #tpu.memory_space<hbm>> -> memref<32x128xf32, #tpu.memory_space<hbm>>
        %dma_start3A_1355 = tpu.memref_slice %arg26[%dma_start3A_1352] : memref<8x!tpu.dma_semaphore, #tpu.memory_space<semaphore_mem>> -> memref<1x!tpu.dma_semaphore, #tpu.memory_space<semaphore_mem>>
        %dma_start3A_1356 = tpu.memref_squeeze %dma_start3A_1355 : memref<1x!tpu.dma_semaphore, #tpu.memory_space<semaphore_mem>> -> memref<!tpu.dma_semaphore, #tpu.memory_space<semaphore_mem>>
        %dma_start3A_1357 = arith.constant 0 : i32
        %dma_start3A_1358 = tpu.memref_slice %arg4[%dma_start3A_1357, %multiple_of3A_1346] : memref<32x1000000xf32, #tpu.memory_space<hbm>> -> memref<32x128xf32, #tpu.memory_space<hbm>>
        tpu.enqueue_dma source(%dma_start3A_1358 : memref<32x128xf32, #tpu.memory_space<hbm>>) target(%arg12 : memref<32x128xf32, #tpu.memory_space<vmem>>) target_semaphore(%dma_start3A_1356 : memref<!tpu.dma_semaphore, #tpu.memory_space<semaphore_mem>>)
        %dma_start3A_1359 = arith.constant 3 : i32
        %dma_start3A_1360 = arith.constant 0 : i32
        %dma_start3A_1361 = tpu.memref_slice %arg5[%dma_start3A_1360, %multiple_of3A_1351] : memref<32x1000000xf32, #tpu.memory_space<hbm>> -> memref<32x128xf32, #tpu.memory_space<hbm>>
        %dma_start3A_1362 = tpu.memref_slice %arg27[%dma_start3A_1359] : memref<8x!tpu.dma_semaphore, #tpu.memory_space<semaphore_mem>> -> memref<1x!tpu.dma_semaphore, #tpu.memory_space<semaphore_mem>>
        %dma_start3A_1363 = tpu.memref_squeeze %dma_start3A_1362 : memref<1x!tpu.dma_semaphore, #tpu.memory_space<semaphore_mem>> -> memref<!tpu.dma_semaphore, #tpu.memory_space<semaphore_mem>>
        %dma_start3A_1364 = arith.constant 0 : i32
        %dma_start3A_1365 = tpu.memref_slice %arg5[%dma_start3A_1364, %multiple_of3A_1351] : memref<32x1000000xf32, #tpu.memory_space<hbm>> -> memref<32x128xf32, #tpu.memory_space<hbm>>
        tpu.enqueue_dma source(%dma_start3A_1365 : memref<32x128xf32, #tpu.memory_space<hbm>>) target(%arg20 : memref<32x128xf32, #tpu.memory_space<vmem>>) target_semaphore(%dma_start3A_1363 : memref<!tpu.dma_semaphore, #tpu.memory_space<semaphore_mem>>)
      } else {
      }
      %dma_wait3A_1102 = arith.constant 4 : i32
      %dma_wait3A_1103 = arith.constant 0 : i32
      %dma_wait3A_1104 = arith.constant 0 : i32
      %dma_wait3A_1105 = tpu.memref_slice %arg4[%dma_wait3A_1103, %dma_wait3A_1104] : memref<32x1000000xf32, #tpu.memory_space<hbm>> -> memref<32x128xf32, #tpu.memory_space<hbm>>
      %dma_wait3A_1106 = tpu.memref_slice %arg26[%dma_wait3A_1102] : memref<8x!tpu.dma_semaphore, #tpu.memory_space<semaphore_mem>> -> memref<1x!tpu.dma_semaphore, #tpu.memory_space<semaphore_mem>>
      %dma_wait3A_1107 = tpu.memref_squeeze %dma_wait3A_1106 : memref<1x!tpu.dma_semaphore, #tpu.memory_space<semaphore_mem>> -> memref<!tpu.dma_semaphore, #tpu.memory_space<semaphore_mem>>
      %dma_wait3A_1108 = arith.constant 0 : i32
      %dma_wait3A_1109 = arith.constant 0 : i32
      %dma_wait3A_1110 = tpu.memref_slice %arg4[%dma_wait3A_1108, %dma_wait3A_1109] : memref<32x1000000xf32, #tpu.memory_space<hbm>> -> memref<32x128xf32, #tpu.memory_space<hbm>>
      tpu.wait_dma2 semaphore(%dma_wait3A_1107 : memref<!tpu.dma_semaphore, #tpu.memory_space<semaphore_mem>>) src(%dma_wait3A_1110 : memref<32x128xf32, #tpu.memory_space<hbm>>) dst(%arg13 : memref<32x128xf32, #tpu.memory_space<vmem>>)
      %dma_wait3A_1111 = arith.constant 4 : i32
      %dma_wait3A_1112 = arith.constant 0 : i32
      %dma_wait3A_1113 = arith.constant 0 : i32
      %dma_wait3A_1114 = tpu.memref_slice %arg5[%dma_wait3A_1112, %dma_wait3A_1113] : memref<32x1000000xf32, #tpu.memory_space<hbm>> -> memref<32x128xf32, #tpu.memory_space<hbm>>
      %dma_wait3A_1115 = tpu.memref_slice %arg27[%dma_wait3A_1111] : memref<8x!tpu.dma_semaphore, #tpu.memory_space<semaphore_mem>> -> memref<1x!tpu.dma_semaphore, #tpu.memory_space<semaphore_mem>>
      %dma_wait3A_1116 = tpu.memref_squeeze %dma_wait3A_1115 : memref<1x!tpu.dma_semaphore, #tpu.memory_space<semaphore_mem>> -> memref<!tpu.dma_semaphore, #tpu.memory_space<semaphore_mem>>
      %dma_wait3A_1117 = arith.constant 0 : i32
      %dma_wait3A_1118 = arith.constant 0 : i32
      %dma_wait3A_1119 = tpu.memref_slice %arg5[%dma_wait3A_1117, %dma_wait3A_1118] : memref<32x1000000xf32, #tpu.memory_space<hbm>> -> memref<32x128xf32, #tpu.memory_space<hbm>>
      tpu.wait_dma2 semaphore(%dma_wait3A_1116 : memref<!tpu.dma_semaphore, #tpu.memory_space<semaphore_mem>>) src(%dma_wait3A_1119 : memref<32x128xf32, #tpu.memory_space<hbm>>) dst(%arg21 : memref<32x128xf32, #tpu.memory_space<vmem>>)
      %slice3A_1120 = vector.extract_strided_slice %get3A_237 {offsets = [12], sizes = [1], strides = [1]} : vector<16xi32> to vector<1xi32>
      %squeeze3A_1121 = vector.extract %slice3A_1120[0] : i32 from vector<1xi32>
      %and3A_1122 = arith.constant 127 : i32
      %and3A_1123 = arith.andi %squeeze3A_1121, %and3A_1122 : i32
      %broadcast_in_dim3A_1124 = vector.broadcast %and3A_1123 : i32 to vector<16xi32>
      %slice3A_1125 = vector.extract_strided_slice %get3A_239 {offsets = [12], sizes = [1], strides = [1]} : vector<16xi32> to vector<1xi32>
      %squeeze3A_1126 = vector.extract %slice3A_1125[0] : i32 from vector<1xi32>
      %and3A_1127 = arith.constant 127 : i32
      %and3A_1128 = arith.andi %squeeze3A_1126, %and3A_1127 : i32
      %broadcast_in_dim3A_1129 = vector.broadcast %and3A_1128 : i32 to vector<16xi32>
      %gather3A_1130 = tpu.vector_load_idx %arg13[%iota3A, %broadcast_in_dim3A_1124] : memref<32x128xf32, #tpu.memory_space<vmem>>[vector<16xi32>, vector<16xi32>], vector<16xf32>,
      %add3A_1131 = arith.constant 16 : i32
      %add3A_1132 = vector.broadcast %add3A_1131 : i32 to vector<16xi32>
      %add3A_1133 = arith.addi %iota3A, %add3A_1132 : vector<16xi32>
      %gather3A_1134 = tpu.vector_load_idx %arg13[%add3A_1133, %broadcast_in_dim3A_1124] : memref<32x128xf32, #tpu.memory_space<vmem>>[vector<16xi32>, vector<16xi32>], vector<16xf32>,
      %gather3A_1135 = tpu.vector_load_idx %arg21[%iota3A, %broadcast_in_dim3A_1129] : memref<32x128xf32, #tpu.memory_space<vmem>>[vector<16xi32>, vector<16xi32>], vector<16xf32>,
      %add3A_1136 = arith.constant 16 : i32
      %add3A_1137 = vector.broadcast %add3A_1136 : i32 to vector<16xi32>
      %add3A_1138 = arith.addi %iota3A, %add3A_1137 : vector<16xi32>
      %gather3A_1139 = tpu.vector_load_idx %arg21[%add3A_1138, %broadcast_in_dim3A_1129] : memref<32x128xf32, #tpu.memory_space<vmem>>[vector<16xi32>, vector<16xi32>], vector<16xf32>,
      %mul3A_1140 = arith.mulf %gather3A_1130, %gather3A_1135 : vector<16xf32>
      %mul3A_1141 = arith.mulf %gather3A_1134, %gather3A_1139 : vector<16xf32>
      %add3A_1142 = arith.addf %mul3A_1140, %mul3A_1141 : vector<16xf32>
      %reduce_sum3A_1143 = arith.constant true
      %reduce_sum3A_1144 = vector.broadcast %reduce_sum3A_1143 : i1 to vector<16xi1>
      %reduce_sum3A_1145 = tpu.scan <sum>, %add3A_1142 masked %reduce_sum3A_1144 : vector<16xf32>, vector<16xi1> -> vector<16xf32>
      %reduce_sum3A_1146 = vector.extract %reduce_sum3A_1145[15] : f32 from vector<16xf32>
      %eq3A_1147 = arith.constant 12 : i32
      %eq3A_1148 = vector.broadcast %eq3A_1147 : i32 to vector<16xi32>
      %eq3A_1149 = arith.cmpi eq, %iota3A, %eq3A_1148 : vector<16xi32>
      %broadcast_in_dim3A_1150 = vector.broadcast %reduce_sum3A_1146 : f32 to vector<16xf32>
      %select_n3A_1151 = arith.select %eq3A_1149, %broadcast_in_dim3A_1150, %select_n3A_1092 : vector<16xi1>, vector<16xf32>
      %slice3A_1152 = vector.extract_strided_slice %get3A_247 {offsets = [4], sizes = [1], strides = [1]} : vector<16xi32> to vector<1xi32>
      %squeeze3A_1153 = vector.extract %slice3A_1152[0] : i32 from vector<1xi32>
      %slice3A_1154 = vector.extract_strided_slice %get3A_249 {offsets = [4], sizes = [1], strides = [1]} : vector<16xi32> to vector<1xi32>
      %squeeze3A_1155 = vector.extract %slice3A_1154[0] : i32 from vector<1xi32>
      %lt3A_1156 = arith.constant 31 : i32
      %lt3A_1157 = arith.cmpi slt, %scan3A_232, %lt3A_1156 : i32
      %convert_element_type3A_1158 = arith.extui %lt3A_1157 : i1 to i32
      %cond3A_1159 = arith.constant 0 : i32
      %cond3A_1160 = arith.cmpi ne, %convert_element_type3A_1158, %cond3A_1159 : i32
      scf.if %cond3A_1160 {
        %shift_right_logical3A_1342 = arith.constant 7 : i32
        %shift_right_logical3A_1343 = arith.shrui %squeeze3A_1153, %shift_right_logical3A_1342 : i32
        %mul3A_1344 = arith.constant 128 : i32
        %mul3A_1345 = arith.muli %shift_right_logical3A_1343, %mul3A_1344 : i32
        %multiple_of3A_1346 = tpu.assume_multiple %mul3A_1345, 128 : i32
        %shift_right_logical3A_1347 = arith.constant 7 : i32
        %shift_right_logical3A_1348 = arith.shrui %squeeze3A_1155, %shift_right_logical3A_1347 : i32
        %mul3A_1349 = arith.constant 128 : i32
        %mul3A_1350 = arith.muli %shift_right_logical3A_1348, %mul3A_1349 : i32
        %multiple_of3A_1351 = tpu.assume_multiple %mul3A_1350, 128 : i32
        %dma_start3A_1352 = arith.constant 4 : i32
        %dma_start3A_1353 = arith.constant 0 : i32
        %dma_start3A_1354 = tpu.memref_slice %arg4[%dma_start3A_1353, %multiple_of3A_1346] : memref<32x1000000xf32, #tpu.memory_space<hbm>> -> memref<32x128xf32, #tpu.memory_space<hbm>>
        %dma_start3A_1355 = tpu.memref_slice %arg26[%dma_start3A_1352] : memref<8x!tpu.dma_semaphore, #tpu.memory_space<semaphore_mem>> -> memref<1x!tpu.dma_semaphore, #tpu.memory_space<semaphore_mem>>
        %dma_start3A_1356 = tpu.memref_squeeze %dma_start3A_1355 : memref<1x!tpu.dma_semaphore, #tpu.memory_space<semaphore_mem>> -> memref<!tpu.dma_semaphore, #tpu.memory_space<semaphore_mem>>
        %dma_start3A_1357 = arith.constant 0 : i32
        %dma_start3A_1358 = tpu.memref_slice %arg4[%dma_start3A_1357, %multiple_of3A_1346] : memref<32x1000000xf32, #tpu.memory_space<hbm>> -> memref<32x128xf32, #tpu.memory_space<hbm>>
        tpu.enqueue_dma source(%dma_start3A_1358 : memref<32x128xf32, #tpu.memory_space<hbm>>) target(%arg13 : memref<32x128xf32, #tpu.memory_space<vmem>>) target_semaphore(%dma_start3A_1356 : memref<!tpu.dma_semaphore, #tpu.memory_space<semaphore_mem>>)
        %dma_start3A_1359 = arith.constant 4 : i32
        %dma_start3A_1360 = arith.constant 0 : i32
        %dma_start3A_1361 = tpu.memref_slice %arg5[%dma_start3A_1360, %multiple_of3A_1351] : memref<32x1000000xf32, #tpu.memory_space<hbm>> -> memref<32x128xf32, #tpu.memory_space<hbm>>
        %dma_start3A_1362 = tpu.memref_slice %arg27[%dma_start3A_1359] : memref<8x!tpu.dma_semaphore, #tpu.memory_space<semaphore_mem>> -> memref<1x!tpu.dma_semaphore, #tpu.memory_space<semaphore_mem>>
        %dma_start3A_1363 = tpu.memref_squeeze %dma_start3A_1362 : memref<1x!tpu.dma_semaphore, #tpu.memory_space<semaphore_mem>> -> memref<!tpu.dma_semaphore, #tpu.memory_space<semaphore_mem>>
        %dma_start3A_1364 = arith.constant 0 : i32
        %dma_start3A_1365 = tpu.memref_slice %arg5[%dma_start3A_1364, %multiple_of3A_1351] : memref<32x1000000xf32, #tpu.memory_space<hbm>> -> memref<32x128xf32, #tpu.memory_space<hbm>>
        tpu.enqueue_dma source(%dma_start3A_1365 : memref<32x128xf32, #tpu.memory_space<hbm>>) target(%arg21 : memref<32x128xf32, #tpu.memory_space<vmem>>) target_semaphore(%dma_start3A_1363 : memref<!tpu.dma_semaphore, #tpu.memory_space<semaphore_mem>>)
      } else {
      }
      %dma_wait3A_1161 = arith.constant 5 : i32
      %dma_wait3A_1162 = arith.constant 0 : i32
      %dma_wait3A_1163 = arith.constant 0 : i32
      %dma_wait3A_1164 = tpu.memref_slice %arg4[%dma_wait3A_1162, %dma_wait3A_1163] : memref<32x1000000xf32, #tpu.memory_space<hbm>> -> memref<32x128xf32, #tpu.memory_space<hbm>>
      %dma_wait3A_1165 = tpu.memref_slice %arg26[%dma_wait3A_1161] : memref<8x!tpu.dma_semaphore, #tpu.memory_space<semaphore_mem>> -> memref<1x!tpu.dma_semaphore, #tpu.memory_space<semaphore_mem>>
      %dma_wait3A_1166 = tpu.memref_squeeze %dma_wait3A_1165 : memref<1x!tpu.dma_semaphore, #tpu.memory_space<semaphore_mem>> -> memref<!tpu.dma_semaphore, #tpu.memory_space<semaphore_mem>>
      %dma_wait3A_1167 = arith.constant 0 : i32
      %dma_wait3A_1168 = arith.constant 0 : i32
      %dma_wait3A_1169 = tpu.memref_slice %arg4[%dma_wait3A_1167, %dma_wait3A_1168] : memref<32x1000000xf32, #tpu.memory_space<hbm>> -> memref<32x128xf32, #tpu.memory_space<hbm>>
      tpu.wait_dma2 semaphore(%dma_wait3A_1166 : memref<!tpu.dma_semaphore, #tpu.memory_space<semaphore_mem>>) src(%dma_wait3A_1169 : memref<32x128xf32, #tpu.memory_space<hbm>>) dst(%arg14 : memref<32x128xf32, #tpu.memory_space<vmem>>)
      %dma_wait3A_1170 = arith.constant 5 : i32
      %dma_wait3A_1171 = arith.constant 0 : i32
      %dma_wait3A_1172 = arith.constant 0 : i32
      %dma_wait3A_1173 = tpu.memref_slice %arg5[%dma_wait3A_1171, %dma_wait3A_1172] : memref<32x1000000xf32, #tpu.memory_space<hbm>> -> memref<32x128xf32, #tpu.memory_space<hbm>>
      %dma_wait3A_1174 = tpu.memref_slice %arg27[%dma_wait3A_1170] : memref<8x!tpu.dma_semaphore, #tpu.memory_space<semaphore_mem>> -> memref<1x!tpu.dma_semaphore, #tpu.memory_space<semaphore_mem>>
      %dma_wait3A_1175 = tpu.memref_squeeze %dma_wait3A_1174 : memref<1x!tpu.dma_semaphore, #tpu.memory_space<semaphore_mem>> -> memref<!tpu.dma_semaphore, #tpu.memory_space<semaphore_mem>>
      %dma_wait3A_1176 = arith.constant 0 : i32
      %dma_wait3A_1177 = arith.constant 0 : i32
      %dma_wait3A_1178 = tpu.memref_slice %arg5[%dma_wait3A_1176, %dma_wait3A_1177] : memref<32x1000000xf32, #tpu.memory_space<hbm>> -> memref<32x128xf32, #tpu.memory_space<hbm>>
      tpu.wait_dma2 semaphore(%dma_wait3A_1175 : memref<!tpu.dma_semaphore, #tpu.memory_space<semaphore_mem>>) src(%dma_wait3A_1178 : memref<32x128xf32, #tpu.memory_space<hbm>>) dst(%arg22 : memref<32x128xf32, #tpu.memory_space<vmem>>)
      %slice3A_1179 = vector.extract_strided_slice %get3A_237 {offsets = [13], sizes = [1], strides = [1]} : vector<16xi32> to vector<1xi32>
      %squeeze3A_1180 = vector.extract %slice3A_1179[0] : i32 from vector<1xi32>
      %and3A_1181 = arith.constant 127 : i32
      %and3A_1182 = arith.andi %squeeze3A_1180, %and3A_1181 : i32
      %broadcast_in_dim3A_1183 = vector.broadcast %and3A_1182 : i32 to vector<16xi32>
      %slice3A_1184 = vector.extract_strided_slice %get3A_239 {offsets = [13], sizes = [1], strides = [1]} : vector<16xi32> to vector<1xi32>
      %squeeze3A_1185 = vector.extract %slice3A_1184[0] : i32 from vector<1xi32>
      %and3A_1186 = arith.constant 127 : i32
      %and3A_1187 = arith.andi %squeeze3A_1185, %and3A_1186 : i32
      %broadcast_in_dim3A_1188 = vector.broadcast %and3A_1187 : i32 to vector<16xi32>
      %gather3A_1189 = tpu.vector_load_idx %arg14[%iota3A, %broadcast_in_dim3A_1183] : memref<32x128xf32, #tpu.memory_space<vmem>>[vector<16xi32>, vector<16xi32>], vector<16xf32>,
      %add3A_1190 = arith.constant 16 : i32
      %add3A_1191 = vector.broadcast %add3A_1190 : i32 to vector<16xi32>
      %add3A_1192 = arith.addi %iota3A, %add3A_1191 : vector<16xi32>
      %gather3A_1193 = tpu.vector_load_idx %arg14[%add3A_1192, %broadcast_in_dim3A_1183] : memref<32x128xf32, #tpu.memory_space<vmem>>[vector<16xi32>, vector<16xi32>], vector<16xf32>,
      %gather3A_1194 = tpu.vector_load_idx %arg22[%iota3A, %broadcast_in_dim3A_1188] : memref<32x128xf32, #tpu.memory_space<vmem>>[vector<16xi32>, vector<16xi32>], vector<16xf32>,
      %add3A_1195 = arith.constant 16 : i32
      %add3A_1196 = vector.broadcast %add3A_1195 : i32 to vector<16xi32>
      %add3A_1197 = arith.addi %iota3A, %add3A_1196 : vector<16xi32>
      %gather3A_1198 = tpu.vector_load_idx %arg22[%add3A_1197, %broadcast_in_dim3A_1188] : memref<32x128xf32, #tpu.memory_space<vmem>>[vector<16xi32>, vector<16xi32>], vector<16xf32>,
      %mul3A_1199 = arith.mulf %gather3A_1189, %gather3A_1194 : vector<16xf32>
      %mul3A_1200 = arith.mulf %gather3A_1193, %gather3A_1198 : vector<16xf32>
      %add3A_1201 = arith.addf %mul3A_1199, %mul3A_1200 : vector<16xf32>
      %reduce_sum3A_1202 = arith.constant true
      %reduce_sum3A_1203 = vector.broadcast %reduce_sum3A_1202 : i1 to vector<16xi1>
      %reduce_sum3A_1204 = tpu.scan <sum>, %add3A_1201 masked %reduce_sum3A_1203 : vector<16xf32>, vector<16xi1> -> vector<16xf32>
      %reduce_sum3A_1205 = vector.extract %reduce_sum3A_1204[15] : f32 from vector<16xf32>
      %eq3A_1206 = arith.constant 13 : i32
      %eq3A_1207 = vector.broadcast %eq3A_1206 : i32 to vector<16xi32>
      %eq3A_1208 = arith.cmpi eq, %iota3A, %eq3A_1207 : vector<16xi32>
      %broadcast_in_dim3A_1209 = vector.broadcast %reduce_sum3A_1205 : f32 to vector<16xf32>
      %select_n3A_1210 = arith.select %eq3A_1208, %broadcast_in_dim3A_1209, %select_n3A_1151 : vector<16xi1>, vector<16xf32>
      %slice3A_1211 = vector.extract_strided_slice %get3A_247 {offsets = [5], sizes = [1], strides = [1]} : vector<16xi32> to vector<1xi32>
      %squeeze3A_1212 = vector.extract %slice3A_1211[0] : i32 from vector<1xi32>
      %slice3A_1213 = vector.extract_strided_slice %get3A_249 {offsets = [5], sizes = [1], strides = [1]} : vector<16xi32> to vector<1xi32>
      %squeeze3A_1214 = vector.extract %slice3A_1213[0] : i32 from vector<1xi32>
      %lt3A_1215 = arith.constant 31 : i32
      %lt3A_1216 = arith.cmpi slt, %scan3A_232, %lt3A_1215 : i32
      %convert_element_type3A_1217 = arith.extui %lt3A_1216 : i1 to i32
      %cond3A_1218 = arith.constant 0 : i32
      %cond3A_1219 = arith.cmpi ne, %convert_element_type3A_1217, %cond3A_1218 : i32
      scf.if %cond3A_1219 {
        %shift_right_logical3A_1342 = arith.constant 7 : i32
        %shift_right_logical3A_1343 = arith.shrui %squeeze3A_1212, %shift_right_logical3A_1342 : i32
        %mul3A_1344 = arith.constant 128 : i32
        %mul3A_1345 = arith.muli %shift_right_logical3A_1343, %mul3A_1344 : i32
        %multiple_of3A_1346 = tpu.assume_multiple %mul3A_1345, 128 : i32
        %shift_right_logical3A_1347 = arith.constant 7 : i32
        %shift_right_logical3A_1348 = arith.shrui %squeeze3A_1214, %shift_right_logical3A_1347 : i32
        %mul3A_1349 = arith.constant 128 : i32
        %mul3A_1350 = arith.muli %shift_right_logical3A_1348, %mul3A_1349 : i32
        %multiple_of3A_1351 = tpu.assume_multiple %mul3A_1350, 128 : i32
        %dma_start3A_1352 = arith.constant 5 : i32
        %dma_start3A_1353 = arith.constant 0 : i32
        %dma_start3A_1354 = tpu.memref_slice %arg4[%dma_start3A_1353, %multiple_of3A_1346] : memref<32x1000000xf32, #tpu.memory_space<hbm>> -> memref<32x128xf32, #tpu.memory_space<hbm>>
        %dma_start3A_1355 = tpu.memref_slice %arg26[%dma_start3A_1352] : memref<8x!tpu.dma_semaphore, #tpu.memory_space<semaphore_mem>> -> memref<1x!tpu.dma_semaphore, #tpu.memory_space<semaphore_mem>>
        %dma_start3A_1356 = tpu.memref_squeeze %dma_start3A_1355 : memref<1x!tpu.dma_semaphore, #tpu.memory_space<semaphore_mem>> -> memref<!tpu.dma_semaphore, #tpu.memory_space<semaphore_mem>>
        %dma_start3A_1357 = arith.constant 0 : i32
        %dma_start3A_1358 = tpu.memref_slice %arg4[%dma_start3A_1357, %multiple_of3A_1346] : memref<32x1000000xf32, #tpu.memory_space<hbm>> -> memref<32x128xf32, #tpu.memory_space<hbm>>
        tpu.enqueue_dma source(%dma_start3A_1358 : memref<32x128xf32, #tpu.memory_space<hbm>>) target(%arg14 : memref<32x128xf32, #tpu.memory_space<vmem>>) target_semaphore(%dma_start3A_1356 : memref<!tpu.dma_semaphore, #tpu.memory_space<semaphore_mem>>)
        %dma_start3A_1359 = arith.constant 5 : i32
        %dma_start3A_1360 = arith.constant 0 : i32
        %dma_start3A_1361 = tpu.memref_slice %arg5[%dma_start3A_1360, %multiple_of3A_1351] : memref<32x1000000xf32, #tpu.memory_space<hbm>> -> memref<32x128xf32, #tpu.memory_space<hbm>>
        %dma_start3A_1362 = tpu.memref_slice %arg27[%dma_start3A_1359] : memref<8x!tpu.dma_semaphore, #tpu.memory_space<semaphore_mem>> -> memref<1x!tpu.dma_semaphore, #tpu.memory_space<semaphore_mem>>
        %dma_start3A_1363 = tpu.memref_squeeze %dma_start3A_1362 : memref<1x!tpu.dma_semaphore, #tpu.memory_space<semaphore_mem>> -> memref<!tpu.dma_semaphore, #tpu.memory_space<semaphore_mem>>
        %dma_start3A_1364 = arith.constant 0 : i32
        %dma_start3A_1365 = tpu.memref_slice %arg5[%dma_start3A_1364, %multiple_of3A_1351] : memref<32x1000000xf32, #tpu.memory_space<hbm>> -> memref<32x128xf32, #tpu.memory_space<hbm>>
        tpu.enqueue_dma source(%dma_start3A_1365 : memref<32x128xf32, #tpu.memory_space<hbm>>) target(%arg22 : memref<32x128xf32, #tpu.memory_space<vmem>>) target_semaphore(%dma_start3A_1363 : memref<!tpu.dma_semaphore, #tpu.memory_space<semaphore_mem>>)
      } else {
      }
      %dma_wait3A_1220 = arith.constant 6 : i32
      %dma_wait3A_1221 = arith.constant 0 : i32
      %dma_wait3A_1222 = arith.constant 0 : i32
      %dma_wait3A_1223 = tpu.memref_slice %arg4[%dma_wait3A_1221, %dma_wait3A_1222] : memref<32x1000000xf32, #tpu.memory_space<hbm>> -> memref<32x128xf32, #tpu.memory_space<hbm>>
      %dma_wait3A_1224 = tpu.memref_slice %arg26[%dma_wait3A_1220] : memref<8x!tpu.dma_semaphore, #tpu.memory_space<semaphore_mem>> -> memref<1x!tpu.dma_semaphore, #tpu.memory_space<semaphore_mem>>
      %dma_wait3A_1225 = tpu.memref_squeeze %dma_wait3A_1224 : memref<1x!tpu.dma_semaphore, #tpu.memory_space<semaphore_mem>> -> memref<!tpu.dma_semaphore, #tpu.memory_space<semaphore_mem>>
      %dma_wait3A_1226 = arith.constant 0 : i32
      %dma_wait3A_1227 = arith.constant 0 : i32
      %dma_wait3A_1228 = tpu.memref_slice %arg4[%dma_wait3A_1226, %dma_wait3A_1227] : memref<32x1000000xf32, #tpu.memory_space<hbm>> -> memref<32x128xf32, #tpu.memory_space<hbm>>
      tpu.wait_dma2 semaphore(%dma_wait3A_1225 : memref<!tpu.dma_semaphore, #tpu.memory_space<semaphore_mem>>) src(%dma_wait3A_1228 : memref<32x128xf32, #tpu.memory_space<hbm>>) dst(%arg15 : memref<32x128xf32, #tpu.memory_space<vmem>>)
      %dma_wait3A_1229 = arith.constant 6 : i32
      %dma_wait3A_1230 = arith.constant 0 : i32
      %dma_wait3A_1231 = arith.constant 0 : i32
      %dma_wait3A_1232 = tpu.memref_slice %arg5[%dma_wait3A_1230, %dma_wait3A_1231] : memref<32x1000000xf32, #tpu.memory_space<hbm>> -> memref<32x128xf32, #tpu.memory_space<hbm>>
      %dma_wait3A_1233 = tpu.memref_slice %arg27[%dma_wait3A_1229] : memref<8x!tpu.dma_semaphore, #tpu.memory_space<semaphore_mem>> -> memref<1x!tpu.dma_semaphore, #tpu.memory_space<semaphore_mem>>
      %dma_wait3A_1234 = tpu.memref_squeeze %dma_wait3A_1233 : memref<1x!tpu.dma_semaphore, #tpu.memory_space<semaphore_mem>> -> memref<!tpu.dma_semaphore, #tpu.memory_space<semaphore_mem>>
      %dma_wait3A_1235 = arith.constant 0 : i32
      %dma_wait3A_1236 = arith.constant 0 : i32
      %dma_wait3A_1237 = tpu.memref_slice %arg5[%dma_wait3A_1235, %dma_wait3A_1236] : memref<32x1000000xf32, #tpu.memory_space<hbm>> -> memref<32x128xf32, #tpu.memory_space<hbm>>
      tpu.wait_dma2 semaphore(%dma_wait3A_1234 : memref<!tpu.dma_semaphore, #tpu.memory_space<semaphore_mem>>) src(%dma_wait3A_1237 : memref<32x128xf32, #tpu.memory_space<hbm>>) dst(%arg23 : memref<32x128xf32, #tpu.memory_space<vmem>>)
      %slice3A_1238 = vector.extract_strided_slice %get3A_237 {offsets = [14], sizes = [1], strides = [1]} : vector<16xi32> to vector<1xi32>
      %squeeze3A_1239 = vector.extract %slice3A_1238[0] : i32 from vector<1xi32>
      %and3A_1240 = arith.constant 127 : i32
      %and3A_1241 = arith.andi %squeeze3A_1239, %and3A_1240 : i32
      %broadcast_in_dim3A_1242 = vector.broadcast %and3A_1241 : i32 to vector<16xi32>
      %slice3A_1243 = vector.extract_strided_slice %get3A_239 {offsets = [14], sizes = [1], strides = [1]} : vector<16xi32> to vector<1xi32>
      %squeeze3A_1244 = vector.extract %slice3A_1243[0] : i32 from vector<1xi32>
      %and3A_1245 = arith.constant 127 : i32
      %and3A_1246 = arith.andi %squeeze3A_1244, %and3A_1245 : i32
      %broadcast_in_dim3A_1247 = vector.broadcast %and3A_1246 : i32 to vector<16xi32>
      %gather3A_1248 = tpu.vector_load_idx %arg15[%iota3A, %broadcast_in_dim3A_1242] : memref<32x128xf32, #tpu.memory_space<vmem>>[vector<16xi32>, vector<16xi32>], vector<16xf32>,
      %add3A_1249 = arith.constant 16 : i32
      %add3A_1250 = vector.broadcast %add3A_1249 : i32 to vector<16xi32>
      %add3A_1251 = arith.addi %iota3A, %add3A_1250 : vector<16xi32>
      %gather3A_1252 = tpu.vector_load_idx %arg15[%add3A_1251, %broadcast_in_dim3A_1242] : memref<32x128xf32, #tpu.memory_space<vmem>>[vector<16xi32>, vector<16xi32>], vector<16xf32>,
      %gather3A_1253 = tpu.vector_load_idx %arg23[%iota3A, %broadcast_in_dim3A_1247] : memref<32x128xf32, #tpu.memory_space<vmem>>[vector<16xi32>, vector<16xi32>], vector<16xf32>,
      %add3A_1254 = arith.constant 16 : i32
      %add3A_1255 = vector.broadcast %add3A_1254 : i32 to vector<16xi32>
      %add3A_1256 = arith.addi %iota3A, %add3A_1255 : vector<16xi32>
      %gather3A_1257 = tpu.vector_load_idx %arg23[%add3A_1256, %broadcast_in_dim3A_1247] : memref<32x128xf32, #tpu.memory_space<vmem>>[vector<16xi32>, vector<16xi32>], vector<16xf32>,
      %mul3A_1258 = arith.mulf %gather3A_1248, %gather3A_1253 : vector<16xf32>
      %mul3A_1259 = arith.mulf %gather3A_1252, %gather3A_1257 : vector<16xf32>
      %add3A_1260 = arith.addf %mul3A_1258, %mul3A_1259 : vector<16xf32>
      %reduce_sum3A_1261 = arith.constant true
      %reduce_sum3A_1262 = vector.broadcast %reduce_sum3A_1261 : i1 to vector<16xi1>
      %reduce_sum3A_1263 = tpu.scan <sum>, %add3A_1260 masked %reduce_sum3A_1262 : vector<16xf32>, vector<16xi1> -> vector<16xf32>
      %reduce_sum3A_1264 = vector.extract %reduce_sum3A_1263[15] : f32 from vector<16xf32>
      %eq3A_1265 = arith.constant 14 : i32
      %eq3A_1266 = vector.broadcast %eq3A_1265 : i32 to vector<16xi32>
      %eq3A_1267 = arith.cmpi eq, %iota3A, %eq3A_1266 : vector<16xi32>
      %broadcast_in_dim3A_1268 = vector.broadcast %reduce_sum3A_1264 : f32 to vector<16xf32>
      %select_n3A_1269 = arith.select %eq3A_1267, %broadcast_in_dim3A_1268, %select_n3A_1210 : vector<16xi1>, vector<16xf32>
      %slice3A_1270 = vector.extract_strided_slice %get3A_247 {offsets = [6], sizes = [1], strides = [1]} : vector<16xi32> to vector<1xi32>
      %squeeze3A_1271 = vector.extract %slice3A_1270[0] : i32 from vector<1xi32>
      %slice3A_1272 = vector.extract_strided_slice %get3A_249 {offsets = [6], sizes = [1], strides = [1]} : vector<16xi32> to vector<1xi32>
      %squeeze3A_1273 = vector.extract %slice3A_1272[0] : i32 from vector<1xi32>
      %lt3A_1274 = arith.constant 31 : i32
      %lt3A_1275 = arith.cmpi slt, %scan3A_232, %lt3A_1274 : i32
      %convert_element_type3A_1276 = arith.extui %lt3A_1275 : i1 to i32
      %cond3A_1277 = arith.constant 0 : i32
      %cond3A_1278 = arith.cmpi ne, %convert_element_type3A_1276, %cond3A_1277 : i32
      scf.if %cond3A_1278 {
        %shift_right_logical3A_1342 = arith.constant 7 : i32
        %shift_right_logical3A_1343 = arith.shrui %squeeze3A_1271, %shift_right_logical3A_1342 : i32
        %mul3A_1344 = arith.constant 128 : i32
        %mul3A_1345 = arith.muli %shift_right_logical3A_1343, %mul3A_1344 : i32
        %multiple_of3A_1346 = tpu.assume_multiple %mul3A_1345, 128 : i32
        %shift_right_logical3A_1347 = arith.constant 7 : i32
        %shift_right_logical3A_1348 = arith.shrui %squeeze3A_1273, %shift_right_logical3A_1347 : i32
        %mul3A_1349 = arith.constant 128 : i32
        %mul3A_1350 = arith.muli %shift_right_logical3A_1348, %mul3A_1349 : i32
        %multiple_of3A_1351 = tpu.assume_multiple %mul3A_1350, 128 : i32
        %dma_start3A_1352 = arith.constant 6 : i32
        %dma_start3A_1353 = arith.constant 0 : i32
        %dma_start3A_1354 = tpu.memref_slice %arg4[%dma_start3A_1353, %multiple_of3A_1346] : memref<32x1000000xf32, #tpu.memory_space<hbm>> -> memref<32x128xf32, #tpu.memory_space<hbm>>
        %dma_start3A_1355 = tpu.memref_slice %arg26[%dma_start3A_1352] : memref<8x!tpu.dma_semaphore, #tpu.memory_space<semaphore_mem>> -> memref<1x!tpu.dma_semaphore, #tpu.memory_space<semaphore_mem>>
        %dma_start3A_1356 = tpu.memref_squeeze %dma_start3A_1355 : memref<1x!tpu.dma_semaphore, #tpu.memory_space<semaphore_mem>> -> memref<!tpu.dma_semaphore, #tpu.memory_space<semaphore_mem>>
        %dma_start3A_1357 = arith.constant 0 : i32
        %dma_start3A_1358 = tpu.memref_slice %arg4[%dma_start3A_1357, %multiple_of3A_1346] : memref<32x1000000xf32, #tpu.memory_space<hbm>> -> memref<32x128xf32, #tpu.memory_space<hbm>>
        tpu.enqueue_dma source(%dma_start3A_1358 : memref<32x128xf32, #tpu.memory_space<hbm>>) target(%arg15 : memref<32x128xf32, #tpu.memory_space<vmem>>) target_semaphore(%dma_start3A_1356 : memref<!tpu.dma_semaphore, #tpu.memory_space<semaphore_mem>>)
        %dma_start3A_1359 = arith.constant 6 : i32
        %dma_start3A_1360 = arith.constant 0 : i32
        %dma_start3A_1361 = tpu.memref_slice %arg5[%dma_start3A_1360, %multiple_of3A_1351] : memref<32x1000000xf32, #tpu.memory_space<hbm>> -> memref<32x128xf32, #tpu.memory_space<hbm>>
        %dma_start3A_1362 = tpu.memref_slice %arg27[%dma_start3A_1359] : memref<8x!tpu.dma_semaphore, #tpu.memory_space<semaphore_mem>> -> memref<1x!tpu.dma_semaphore, #tpu.memory_space<semaphore_mem>>
        %dma_start3A_1363 = tpu.memref_squeeze %dma_start3A_1362 : memref<1x!tpu.dma_semaphore, #tpu.memory_space<semaphore_mem>> -> memref<!tpu.dma_semaphore, #tpu.memory_space<semaphore_mem>>
        %dma_start3A_1364 = arith.constant 0 : i32
        %dma_start3A_1365 = tpu.memref_slice %arg5[%dma_start3A_1364, %multiple_of3A_1351] : memref<32x1000000xf32, #tpu.memory_space<hbm>> -> memref<32x128xf32, #tpu.memory_space<hbm>>
        tpu.enqueue_dma source(%dma_start3A_1365 : memref<32x128xf32, #tpu.memory_space<hbm>>) target(%arg23 : memref<32x128xf32, #tpu.memory_space<vmem>>) target_semaphore(%dma_start3A_1363 : memref<!tpu.dma_semaphore, #tpu.memory_space<semaphore_mem>>)
      } else {
      }
      %dma_wait3A_1279 = arith.constant 7 : i32
      %dma_wait3A_1280 = arith.constant 0 : i32
      %dma_wait3A_1281 = arith.constant 0 : i32
      %dma_wait3A_1282 = tpu.memref_slice %arg4[%dma_wait3A_1280, %dma_wait3A_1281] : memref<32x1000000xf32, #tpu.memory_space<hbm>> -> memref<32x128xf32, #tpu.memory_space<hbm>>
      %dma_wait3A_1283 = tpu.memref_slice %arg26[%dma_wait3A_1279] : memref<8x!tpu.dma_semaphore, #tpu.memory_space<semaphore_mem>> -> memref<1x!tpu.dma_semaphore, #tpu.memory_space<semaphore_mem>>
      %dma_wait3A_1284 = tpu.memref_squeeze %dma_wait3A_1283 : memref<1x!tpu.dma_semaphore, #tpu.memory_space<semaphore_mem>> -> memref<!tpu.dma_semaphore, #tpu.memory_space<semaphore_mem>>
      %dma_wait3A_1285 = arith.constant 0 : i32
      %dma_wait3A_1286 = arith.constant 0 : i32
      %dma_wait3A_1287 = tpu.memref_slice %arg4[%dma_wait3A_1285, %dma_wait3A_1286] : memref<32x1000000xf32, #tpu.memory_space<hbm>> -> memref<32x128xf32, #tpu.memory_space<hbm>>
      tpu.wait_dma2 semaphore(%dma_wait3A_1284 : memref<!tpu.dma_semaphore, #tpu.memory_space<semaphore_mem>>) src(%dma_wait3A_1287 : memref<32x128xf32, #tpu.memory_space<hbm>>) dst(%arg16 : memref<32x128xf32, #tpu.memory_space<vmem>>)
      %dma_wait3A_1288 = arith.constant 7 : i32
      %dma_wait3A_1289 = arith.constant 0 : i32
      %dma_wait3A_1290 = arith.constant 0 : i32
      %dma_wait3A_1291 = tpu.memref_slice %arg5[%dma_wait3A_1289, %dma_wait3A_1290] : memref<32x1000000xf32, #tpu.memory_space<hbm>> -> memref<32x128xf32, #tpu.memory_space<hbm>>
      %dma_wait3A_1292 = tpu.memref_slice %arg27[%dma_wait3A_1288] : memref<8x!tpu.dma_semaphore, #tpu.memory_space<semaphore_mem>> -> memref<1x!tpu.dma_semaphore, #tpu.memory_space<semaphore_mem>>
      %dma_wait3A_1293 = tpu.memref_squeeze %dma_wait3A_1292 : memref<1x!tpu.dma_semaphore, #tpu.memory_space<semaphore_mem>> -> memref<!tpu.dma_semaphore, #tpu.memory_space<semaphore_mem>>
      %dma_wait3A_1294 = arith.constant 0 : i32
      %dma_wait3A_1295 = arith.constant 0 : i32
      %dma_wait3A_1296 = tpu.memref_slice %arg5[%dma_wait3A_1294, %dma_wait3A_1295] : memref<32x1000000xf32, #tpu.memory_space<hbm>> -> memref<32x128xf32, #tpu.memory_space<hbm>>
      tpu.wait_dma2 semaphore(%dma_wait3A_1293 : memref<!tpu.dma_semaphore, #tpu.memory_space<semaphore_mem>>) src(%dma_wait3A_1296 : memref<32x128xf32, #tpu.memory_space<hbm>>) dst(%arg24 : memref<32x128xf32, #tpu.memory_space<vmem>>)
      %slice3A_1297 = vector.extract_strided_slice %get3A_237 {offsets = [15], sizes = [1], strides = [1]} : vector<16xi32> to vector<1xi32>
      %squeeze3A_1298 = vector.extract %slice3A_1297[0] : i32 from vector<1xi32>
      %and3A_1299 = arith.constant 127 : i32
      %and3A_1300 = arith.andi %squeeze3A_1298, %and3A_1299 : i32
      %broadcast_in_dim3A_1301 = vector.broadcast %and3A_1300 : i32 to vector<16xi32>
      %slice3A_1302 = vector.extract_strided_slice %get3A_239 {offsets = [15], sizes = [1], strides = [1]} : vector<16xi32> to vector<1xi32>
      %squeeze3A_1303 = vector.extract %slice3A_1302[0] : i32 from vector<1xi32>
      %and3A_1304 = arith.constant 127 : i32
      %and3A_1305 = arith.andi %squeeze3A_1303, %and3A_1304 : i32
      %broadcast_in_dim3A_1306 = vector.broadcast %and3A_1305 : i32 to vector<16xi32>
      %gather3A_1307 = tpu.vector_load_idx %arg16[%iota3A, %broadcast_in_dim3A_1301] : memref<32x128xf32, #tpu.memory_space<vmem>>[vector<16xi32>, vector<16xi32>], vector<16xf32>,
      %add3A_1308 = arith.constant 16 : i32
      %add3A_1309 = vector.broadcast %add3A_1308 : i32 to vector<16xi32>
      %add3A_1310 = arith.addi %iota3A, %add3A_1309 : vector<16xi32>
      %gather3A_1311 = tpu.vector_load_idx %arg16[%add3A_1310, %broadcast_in_dim3A_1301] : memref<32x128xf32, #tpu.memory_space<vmem>>[vector<16xi32>, vector<16xi32>], vector<16xf32>,
      %gather3A_1312 = tpu.vector_load_idx %arg24[%iota3A, %broadcast_in_dim3A_1306] : memref<32x128xf32, #tpu.memory_space<vmem>>[vector<16xi32>, vector<16xi32>], vector<16xf32>,
      %add3A_1313 = arith.constant 16 : i32
      %add3A_1314 = vector.broadcast %add3A_1313 : i32 to vector<16xi32>
      %add3A_1315 = arith.addi %iota3A, %add3A_1314 : vector<16xi32>
      %gather3A_1316 = tpu.vector_load_idx %arg24[%add3A_1315, %broadcast_in_dim3A_1306] : memref<32x128xf32, #tpu.memory_space<vmem>>[vector<16xi32>, vector<16xi32>], vector<16xf32>,
      %mul3A_1317 = arith.mulf %gather3A_1307, %gather3A_1312 : vector<16xf32>
      %mul3A_1318 = arith.mulf %gather3A_1311, %gather3A_1316 : vector<16xf32>
      %add3A_1319 = arith.addf %mul3A_1317, %mul3A_1318 : vector<16xf32>
      %reduce_sum3A_1320 = arith.constant true
      %reduce_sum3A_1321 = vector.broadcast %reduce_sum3A_1320 : i1 to vector<16xi1>
      %reduce_sum3A_1322 = tpu.scan <sum>, %add3A_1319 masked %reduce_sum3A_1321 : vector<16xf32>, vector<16xi1> -> vector<16xf32>
      %reduce_sum3A_1323 = vector.extract %reduce_sum3A_1322[15] : f32 from vector<16xf32>
      %eq3A_1324 = arith.constant 15 : i32
      %eq3A_1325 = vector.broadcast %eq3A_1324 : i32 to vector<16xi32>
      %eq3A_1326 = arith.cmpi eq, %iota3A, %eq3A_1325 : vector<16xi32>
      %broadcast_in_dim3A_1327 = vector.broadcast %reduce_sum3A_1323 : f32 to vector<16xf32>
      %select_n3A_1328 = arith.select %eq3A_1326, %broadcast_in_dim3A_1327, %select_n3A_1269 : vector<16xi1>, vector<16xf32>
      %slice3A_1329 = vector.extract_strided_slice %get3A_247 {offsets = [7], sizes = [1], strides = [1]} : vector<16xi32> to vector<1xi32>
      %squeeze3A_1330 = vector.extract %slice3A_1329[0] : i32 from vector<1xi32>
      %slice3A_1331 = vector.extract_strided_slice %get3A_249 {offsets = [7], sizes = [1], strides = [1]} : vector<16xi32> to vector<1xi32>
      %squeeze3A_1332 = vector.extract %slice3A_1331[0] : i32 from vector<1xi32>
      %lt3A_1333 = arith.constant 31 : i32
      %lt3A_1334 = arith.cmpi slt, %scan3A_232, %lt3A_1333 : i32
      %convert_element_type3A_1335 = arith.extui %lt3A_1334 : i1 to i32
      %cond3A_1336 = arith.constant 0 : i32
      %cond3A_1337 = arith.cmpi ne, %convert_element_type3A_1335, %cond3A_1336 : i32
      scf.if %cond3A_1337 {
        %shift_right_logical3A_1342 = arith.constant 7 : i32
        %shift_right_logical3A_1343 = arith.shrui %squeeze3A_1330, %shift_right_logical3A_1342 : i32
        %mul3A_1344 = arith.constant 128 : i32
        %mul3A_1345 = arith.muli %shift_right_logical3A_1343, %mul3A_1344 : i32
        %multiple_of3A_1346 = tpu.assume_multiple %mul3A_1345, 128 : i32
        %shift_right_logical3A_1347 = arith.constant 7 : i32
        %shift_right_logical3A_1348 = arith.shrui %squeeze3A_1332, %shift_right_logical3A_1347 : i32
        %mul3A_1349 = arith.constant 128 : i32
        %mul3A_1350 = arith.muli %shift_right_logical3A_1348, %mul3A_1349 : i32
        %multiple_of3A_1351 = tpu.assume_multiple %mul3A_1350, 128 : i32
        %dma_start3A_1352 = arith.constant 7 : i32
        %dma_start3A_1353 = arith.constant 0 : i32
        %dma_start3A_1354 = tpu.memref_slice %arg4[%dma_start3A_1353, %multiple_of3A_1346] : memref<32x1000000xf32, #tpu.memory_space<hbm>> -> memref<32x128xf32, #tpu.memory_space<hbm>>
        %dma_start3A_1355 = tpu.memref_slice %arg26[%dma_start3A_1352] : memref<8x!tpu.dma_semaphore, #tpu.memory_space<semaphore_mem>> -> memref<1x!tpu.dma_semaphore, #tpu.memory_space<semaphore_mem>>
        %dma_start3A_1356 = tpu.memref_squeeze %dma_start3A_1355 : memref<1x!tpu.dma_semaphore, #tpu.memory_space<semaphore_mem>> -> memref<!tpu.dma_semaphore, #tpu.memory_space<semaphore_mem>>
        %dma_start3A_1357 = arith.constant 0 : i32
        %dma_start3A_1358 = tpu.memref_slice %arg4[%dma_start3A_1357, %multiple_of3A_1346] : memref<32x1000000xf32, #tpu.memory_space<hbm>> -> memref<32x128xf32, #tpu.memory_space<hbm>>
        tpu.enqueue_dma source(%dma_start3A_1358 : memref<32x128xf32, #tpu.memory_space<hbm>>) target(%arg16 : memref<32x128xf32, #tpu.memory_space<vmem>>) target_semaphore(%dma_start3A_1356 : memref<!tpu.dma_semaphore, #tpu.memory_space<semaphore_mem>>)
        %dma_start3A_1359 = arith.constant 7 : i32
        %dma_start3A_1360 = arith.constant 0 : i32
        %dma_start3A_1361 = tpu.memref_slice %arg5[%dma_start3A_1360, %multiple_of3A_1351] : memref<32x1000000xf32, #tpu.memory_space<hbm>> -> memref<32x128xf32, #tpu.memory_space<hbm>>
        %dma_start3A_1362 = tpu.memref_slice %arg27[%dma_start3A_1359] : memref<8x!tpu.dma_semaphore, #tpu.memory_space<semaphore_mem>> -> memref<1x!tpu.dma_semaphore, #tpu.memory_space<semaphore_mem>>
        %dma_start3A_1363 = tpu.memref_squeeze %dma_start3A_1362 : memref<1x!tpu.dma_semaphore, #tpu.memory_space<semaphore_mem>> -> memref<!tpu.dma_semaphore, #tpu.memory_space<semaphore_mem>>
        %dma_start3A_1364 = arith.constant 0 : i32
        %dma_start3A_1365 = tpu.memref_slice %arg5[%dma_start3A_1364, %multiple_of3A_1351] : memref<32x1000000xf32, #tpu.memory_space<hbm>> -> memref<32x128xf32, #tpu.memory_space<hbm>>
        tpu.enqueue_dma source(%dma_start3A_1365 : memref<32x128xf32, #tpu.memory_space<hbm>>) target(%arg24 : memref<32x128xf32, #tpu.memory_space<vmem>>) target_semaphore(%dma_start3A_1363 : memref<!tpu.dma_semaphore, #tpu.memory_space<semaphore_mem>>)
      } else {
      }
      %mul3A_1338 = arith.constant 16 : i32
      %mul3A_1339 = arith.muli %scan3A_232, %mul3A_1338 : i32
      %multiple_of3A_1340 = tpu.assume_multiple %mul3A_1339, 16 : i32
      %swap3A = arith.index_cast %multiple_of3A_1340 : i32 to index
      %swap3A_1341 = tpu.vector_load %arg25[%swap3A] {strides = array<i32>} : memref<512xf32, #tpu.memory_space<vmem>>, vector<16xf32>,
      tpu.vector_store %arg25[%swap3A], %select_n3A_1328 {strides = array<i32>} : memref<512xf32, #tpu.memory_space<vmem>>, vector<16xf32>,
    }
    %scan3A_231 = arith.constant 32 : i32
    "tpu.region"() ({
      %run_scoped3A = tpu.sem_alloc : memref<!tpu.dma_semaphore, #tpu.memory_space<semaphore_mem>>
      %dma_start3A_232 = tpu.memref_slice %arg6[%mul3A_2] : memref<16384xf32, #tpu.memory_space<hbm>> -> memref<512xf32, #tpu.memory_space<hbm>>
      %dma_start3A_233 = tpu.memref_slice %arg6[%mul3A_2] : memref<16384xf32, #tpu.memory_space<hbm>> -> memref<512xf32, #tpu.memory_space<hbm>>
      tpu.enqueue_dma source(%arg25 : memref<512xf32, #tpu.memory_space<vmem>>) target(%dma_start3A_233 : memref<512xf32, #tpu.memory_space<hbm>>) target_semaphore(%run_scoped3A : memref<!tpu.dma_semaphore, #tpu.memory_space<semaphore_mem>>)
      %dma_wait3A = tpu.memref_slice %arg6[%mul3A_2] : memref<16384xf32, #tpu.memory_space<hbm>> -> memref<512xf32, #tpu.memory_space<hbm>>
      %dma_wait3A_234 = tpu.memref_slice %arg6[%mul3A_2] : memref<16384xf32, #tpu.memory_space<hbm>> -> memref<512xf32, #tpu.memory_space<hbm>>
      tpu.wait_dma2 semaphore(%run_scoped3A : memref<!tpu.dma_semaphore, #tpu.memory_space<semaphore_mem>>) src(%arg25 : memref<512xf32, #tpu.memory_space<vmem>>) dst(%dma_wait3A_234 : memref<512xf32, #tpu.memory_space<hbm>>)
      tpu.yield
    }) : () -> ()
    return
  }
}

module attributes {stable_mosaic.version = 14 : i64} {
  func.func @_loss_body(%arg0: memref<128x128xf32, #tpu.memory_space<vmem>>, %arg1: memref<128x128xf32, #tpu.memory_space<vmem>>, %arg2: memref<1x1xf32, #tpu.memory_space<smem>>) attributes {dimension_semantics = [], scalar_prefetch = 0 : i64, scratch_operands = 0 : i64, tpu.core_type = #tpu.core_type<tc>} {
    %get3A = arith.constant 0 : index
    %get3A_0 = arith.constant 0 : index
    %get3A_1 = vector.load %arg1[%get3A, %get3A_0] : memref<128x128xf32, #tpu.memory_space<vmem>>, vector<128x128xf32>
    %get3A_2 = arith.constant 0 : index
    %get3A_3 = arith.constant 0 : index
    %get3A_4 = vector.load %arg0[%get3A_2, %get3A_3] : memref<128x128xf32, #tpu.memory_space<vmem>>, vector<128x128xf32>
    %mul3A = arith.mulf %get3A_1, %get3A_4 : vector<128x128xf32>
    %neg3A = arith.constant 0.000000e+00 : f32
    %neg3A_5 = vector.broadcast %neg3A : f32 to vector<128x128xf32>
    %neg3A_6 = arith.subf %neg3A_5, %mul3A : vector<128x128xf32>
    %custom_jvp_call3A = arith.constant 0.000000e+00 : f32
    %max3A = vector.broadcast %custom_jvp_call3A : f32 to vector<128x128xf32>
    %max3A_7 = arith.maximumf %neg3A_6, %max3A : vector<128x128xf32>
    %sub3A = vector.broadcast %custom_jvp_call3A : f32 to vector<128x128xf32>
    %sub3A_8 = arith.subf %neg3A_6, %sub3A : vector<128x128xf32>
    %ne3A = arith.cmpf one, %sub3A_8, %sub3A_8 : vector<128x128xf32>
    %add3A = vector.broadcast %custom_jvp_call3A : f32 to vector<128x128xf32>
    %add3A_9 = arith.addf %neg3A_6, %add3A : vector<128x128xf32>
    %abs3A = math.absf %sub3A_8 : vector<128x128xf32>
    %neg3A_10 = arith.constant 0.000000e+00 : f32
    %neg3A_11 = vector.broadcast %neg3A_10 : f32 to vector<128x128xf32>
    %neg3A_12 = arith.subf %neg3A_11, %abs3A : vector<128x128xf32>
    %exp3A = math.exp %neg3A_12 : vector<128x128xf32>
    %log1p3A = math.log1p %exp3A : vector<128x128xf32>
    %add3A_13 = arith.addf %max3A_7, %log1p3A : vector<128x128xf32>
    %select_n3A = arith.select %ne3A, %add3A_9, %add3A_13 : vector<128x128xi1>, vector<128x128xf32>
    %neg3A_14 = arith.constant 0.000000e+00 : f32
    %neg3A_15 = vector.broadcast %neg3A_14 : f32 to vector<128x128xf32>
    %neg3A_16 = arith.subf %neg3A_15, %select_n3A : vector<128x128xf32>
    %reduce_sum3A = vector.shape_cast %neg3A_16 : vector<128x128xf32> to vector<1x128x128xf32>
    %reduce_sum3A_17 = arith.constant dense<0.000000e+00> : vector<1xf32>
    %reduce_sum3A_18 = vector.multi_reduction <add>, %reduce_sum3A, %reduce_sum3A_17 [1, 2] : vector<1x128x128xf32> to vector<1xf32>
    %reduce_sum3A_19 = vector.shape_cast %reduce_sum3A_18 : vector<1xf32> to vector<1x1x1xf32>
    %reduce_sum3A_20 = vector.extract %reduce_sum3A_19[0, 0, 0] : f32 from vector<1x1x1xf32>
    %neg3A_21 = arith.constant 0.000000e+00 : f32
    %neg3A_22 = arith.subf %neg3A_21, %reduce_sum3A_20 : f32
    %mul3A_23 = arith.constant 6.10351563E-5 : f32
    %mul3A_24 = arith.mulf %neg3A_22, %mul3A_23 : f32
    %swap3A = arith.constant 0 : index
    %swap3A_25 = arith.constant 0 : index
    %swap3A_26 = memref.load %arg2[%swap3A, %swap3A_25] : memref<1x1xf32, #tpu.memory_space<smem>>
    memref.store %mul3A_24, %arg2[%swap3A, %swap3A_25] : memref<1x1xf32, #tpu.memory_space<smem>>
    return
  }
}

</mosaic_0001>

<sc_bundles>
// kernel: kernel.4.cloned.1.call-start
scs
__scs_entry_jumppad:
0x0: {  	(pc) =	sbr.rel $0x88, $3  }
0x1: {  	(tag) =	ssettag $0x0;
	lr =	simm.s32 $0x1  }
0x2: {  	[smem:$0x3F9C] =	sst lr;
	_ =	strace $0xD0000000  }
0x3: {  	_ = 	snop  }
0x4: {  	_ = 	snop  }
0x5: {  	_ = 	snop  }
0x6: {  	_ = 	snop  }
0x7: {  	_ = 	snop  }
__scs_overlays_trampoline_lowered:
0x8: {  	[smem:$0x3FAB] =	sst s0  }
0x9: {  	[smem:$0x3FAC] =	sst s1  }
0xa: {  	[smem:$0x3FAD] =	sst s2  }
0xb: {  	[smem:$0x3FAE] =	sst s3  }
0xc: {  	[smem:$0x3FAF] =	sst s4  }
0xd: {  	[smem:$0x3FB0] =	sst s5  }
0xe: {  	[smem:$0x3FB1] =	sst s6  }
0xf: {  	[smem:$0x3FB2] =	sst s7  }
0x10: {  	[smem:$0x3FB3] =	sst s8  }
0x11: {  	[smem:$0x3FB4] =	sst s9;
	s0 =	simm.s32 @!p0 $0x0  }
0x12: {  	s1 =	sld [smem:$0x3F9A];
	s0 =	simm.s32 @p0 $0x1  }
0x13: {  	[smem:$0x3FB5] =	sst s0;
	s0 =	simm.s32 @!p1 $0x0  }
0x14: {  	s2 =	sld [smem:$0x3F99];
	s0 =	simm.s32 @p1 $0x1  }
0x15: {  	[smem:$0x3FB6] =	sst s0;
	s0 =	simm.s32 @!p2 $0x0  }
0x16: {  	s3 =	sld [smem:$0x3FDB];
	s0 =	simm.s32 @p2 $0x1  }
0x17: {  	s4 =	simm.s32 $0x1BF5;
	[smem:$0x3FB8] =	sst s0  }
0x18: {  	s0 =	sld [smem:$0x3F9B];
	_ =	swait.ge [sflag:s4], $0x0  }
0x19: {  	s7 =	sld [smem:$0x3F9C]  }
0x1a: {  	s8 =	sadd.s32 $0xFFFFE003, lr  }
0x1b: {  	s9 =	sadd.s32 $0xFFFFFEF7, lr;
	s5 =	simm.s32 $0xFFFFFFFF;
	p2 =	slt.u32 s8, $0xFFFFF086  }
0x1c: {  	p1 =	slt.u32 s9, $0xF7A;
	s5 =	simm.s32 @!p2 $0x0  }
0x1d: {  	s5 =	simm.s32 @p1 $0x1;
	p0 =	seq.s32 s7, s2  }
0x1e: {  	s7 =	smul.u32 @!p0 $0xF7A, s2;
	p2 =	seq.s32 @!p0 s5, $0x0  }
0x1f: {  	s9 =	smul.u32 $0xF7A, s1;
	s8 =	simm.s32 @!p0 $0x1BF5;
	p2 =	por !p2, p0  }
0x20: {  	[sflag:s8] =	ssyncset.s32 @!p0 $0xFFFFF086;
	s6 =	sadd.s32 @!p0 s3, s7;
	s7 =	simm.s32 @!p0 $0x108  }
0x21: {  	s3 =	sadd.s32 s3, s9;
	s6 =	sadd.s32 @!p0 $0x88, s6;
	s7 =	simm.s32 @p2 $0x1082  }
0x22: {  	[simem:s7], [sflag:s8] =	dma.local @!p0 [hbm:s6], $0xF7A  }
0x23: {  	s9 =	sor.u32 $0xD0000000, s2;
	s6 =	simm.s32 $0x108;
	_ =	swait.ge @!p0 [sflag:s8], $0x0  }
0x24: {  	s3 =	sadd.s32 $0x88, s3;
	s6 =	simm.s32 @!p1 $0x1082;
	[sflag:s4] =	ssyncset.s32 $0xFFFFF086  }
0x25: {  	[simem:s6], [sflag:s4] =	dma.local [hbm:s3], $0xF7A  }
0x26: {  	[smem:$0x3F9C] =	sst s1;
	(tag) =	ssettag s2;
	_ =	strace s9  }
0x27: {  	s1 =	sld [smem:$0x3FAC]  }
0x28: {  	s2 =	sld [smem:$0x3FAD]  }
0x29: {  	s4 =	sld [smem:$0x3FAF]  }
0x2a: {  	p0 =	seq.s32 s5, $0x0;
	s5 =	sld [smem:$0x3FB0]  }
0x2b: {  	s6 =	sld [smem:$0x3FB1]  }
0x2c: {  	s7 =	sld [smem:$0x3FB2]  }
0x2d: {  	s3 =	simm.s32 $0x108;
	s8 =	sld [smem:$0x3FB3]  }
0x2e: {  	s3 =	simm.s32 @!p0 $0x1082;
	s9 =	sld [smem:$0x3FB4]  }
0x2f: {  	lr =	sadd.s32 s0, s3;
	s0 =	sld [smem:$0x3FAB]  }
0x30: {  	s3 =	sld [smem:$0x3FAE]  }
0x31: {  	[smem:$0x3FB7] =	sst s10  }
0x32: {  	s10 =	sld [smem:$0x3FB5];
	_ =	sdelay $0x3  }
0x33: {  	p0 =	seq.s32 s10, $0x1;
	s10 =	sld [smem:$0x3FB7];
	_ =	sdelay $0x3  }
0x34: {  	[smem:$0x3FB7] =	sst s10  }
0x35: {  	s10 =	sld [smem:$0x3FB6];
	_ =	sdelay $0x3  }
0x36: {  	p1 =	seq.s32 s10, $0x1;
	s10 =	sld [smem:$0x3FB7];
	_ =	sdelay $0x3  }
0x37: {  	[smem:$0x3FB7] =	sst s10  }
0x38: {  	s10 =	sld [smem:$0x3FB8]  }
0x39: {  	_ = 	snop;
	(pc) =	sbr.ind lr, $3  }
0x3a: {  	_ = 	snop  }
0x3b: {  	_ = 	snop  }
0x3c: {  	p2 =	seq.s32 s10, $0x1;
	s10 =	sld [smem:$0x3FB7]  }
0x3d: {  	_ =	shalt  }
0x3e: {  	_ =	shalt  }
0x3f: {  	_ =	shalt  }
0x40: {  	_ =	shalt  }
0x41: {  	_ =	shalt  }
0x42: {  	_ =	shalt  }
0x43: {  	_ =	shalt  }
0x44: {  	_ =	shalt  }
0x45: {  	_ =	shalt  }
0x46: {  	_ =	shalt  }
0x47: {  	_ =	shalt  }
0x48: {  	_ =	shalt  }
0x49: {  	_ =	shalt  }
0x4a: {  	_ =	shalt  }
0x4b: {  	_ =	shalt  }
0x4c: {  	_ =	shalt  }
0x4d: {  	_ =	shalt  }
0x4e: {  	_ =	shalt  }
0x4f: {  	_ =	shalt  }
0x50: {  	_ =	shalt  }
0x51: {  	_ =	shalt  }
0x52: {  	_ =	shalt  }
0x53: {  	_ =	shalt  }
0x54: {  	_ =	shalt  }
0x55: {  	_ =	shalt  }
0x56: {  	_ =	shalt  }
0x57: {  	_ =	shalt  }
0x58: {  	_ =	shalt  }
0x59: {  	_ =	shalt  }
0x5a: {  	_ =	shalt  }
0x5b: {  	_ =	shalt  }
0x5c: {  	_ =	shalt  }
0x5d: {  	_ =	shalt  }
0x5e: {  	_ =	shalt  }
0x5f: {  	_ =	shalt  }
0x60: {  	_ =	shalt  }
0x61: {  	_ =	shalt  }
0x62: {  	_ =	shalt  }
0x63: {  	_ =	shalt  }
0x64: {  	_ =	shalt  }
0x65: {  	_ =	shalt  }
0x66: {  	_ =	shalt  }
0x67: {  	_ =	shalt  }
0x68: {  	_ =	shalt  }
0x69: {  	_ =	shalt  }
0x6a: {  	_ =	shalt  }
0x6b: {  	_ =	shalt  }
0x6c: {  	_ =	shalt  }
0x6d: {  	_ =	shalt  }
0x6e: {  	_ =	shalt  }
0x6f: {  	_ =	shalt  }
0x70: {  	_ =	shalt  }
0x71: {  	_ =	shalt  }
0x72: {  	_ =	shalt  }
0x73: {  	_ =	shalt  }
0x74: {  	_ =	shalt  }
0x75: {  	_ =	shalt  }
0x76: {  	_ =	shalt  }
0x77: {  	_ =	shalt  }
0x78: {  	_ =	shalt  }
0x79: {  	_ =	shalt  }
0x7a: {  	_ =	shalt  }
0x7b: {  	_ =	shalt  }
0x7c: {  	_ =	shalt  }
0x7d: {  	_ =	shalt  }
0x7e: {  	_ =	shalt  }
0x7f: {  	_ =	shalt  }
0x80: {  	_ =	shalt  }
0x81: {  	_ =	shalt  }
0x82: {  	_ =	shalt  }
0x83: {  	_ =	shalt  }
0x84: {  	_ =	shalt  }
0x85: {  	_ =	shalt  }
0x86: {  	_ =	shalt  }
0x87: {  	_ =	shalt  }
.Lfunc_end0:
.L_simem_size_0:
called_computation_lowered:
.L_overlay_start_0:
0x88: {  	s2 =	sld [smem:$0x3FD9]  }
0x89: {  	s3 =	sld [smem:$0x3FFE];
	_ =	sdelay $0x1  }
0x8a: {  	s1 =	srdreg.scid  }
0x8b: {  	s0 =	sand.u32 $0x1, s1  }
0x8c: {  	s17 =	sshll.u32 s0, $0xA;
	s2 =	sadd.s32 s3, s2  }
0x8d: {  	s2 =	sadd.s32 s2, s17  }
0x8e: {  	[smem:$0x3FC3] =	sst s2  }
0x8f: {  	_ = 	snop  }
0x90: {  	s2 =	sld [smem:$0x3FC9]  }
0x91: {  	s18 =	sld [smem:$0x3FC8]  }
0x92: {  	s4 =	sld [smem:$0x3FC6]  }
0x93: {  	s5 =	sld [smem:$0x3FC5];
	(tm) =	ssettm $0x1  }
0x94: {  	s6 =	sld [smem:$0x3FFB];
	_ =	sdelay $0x3  }
0x95: {  	_ =	strace s6  }
0x96: {  	s6 =	sld [smem:$0x3FFC];
	_ =	sdelay $0x3  }
0x97: {  	_ =	strace s6  }
0x98: {  	s6 =	sld [smem:$0x3FFD];
	_ =	sdelay $0x3  }
0x99: {  	_ =	strace s6  }
0x9a: {  	_ =	strace $0x8FFFFFFF  }
0x9b: {  	s19 =	sld [smem:$0x3FDB];
	_ =	sdelay $0x1  }
0x9c: {  	s7 =	simm.s32 $_scs_section_size  }
0x9d: {  	s8 =	simm.s32 $_size__tile_overlayer_lowered;
	s9 =	simm.s32 $_tile_overlayer_lowered  }
0x9e: {  	s22 =	simm.s32 $0x1BFF;
	s21 =	sshll.u32 s9, $0x1;
	s6 =	sadd.s32 s7, s19  }
0x9f: {  	s10 =	simm.s32 $0x0;
	s20 =	sshll.u32 s8, $0x1;
	s8 =	sadd.s32 s21, s6  }
0xa0: {  	[timem:s10], [sflag:s22] =	dma.local [hbm:s8], s20  }
0xa1: {  	_ =	swait.ge [sflag:s22], s20  }
0xa2: {  	s7 =	ssub.s32 $0x0, s20;
	[sflag:s22] =	ssyncset.done $0x0  }
0xa3: {  	[sflag:s22] =	ssyncadd.s32 s7;
	_ =	sdelay $0x1  }
0xa4: {  	s23 =	simm.s32 $0x1B8B  }
0xa5: {  	_ =	swait.ge [sflag:s23], $0x1  }
0xa6: {  	[sflag:s23] =	ssyncset.done $0x0  }
0xa7: {  	s25 =	simm.s32 $0x1B8E;
	s24 =	sld [smem:$0x3FFE];
	[sflag:s23] =	ssyncadd.s32 $0xFFFFFFFF  }
0xa8: {  	s26 =	simm.s32 $execute0_lowered;
	[smem:$0x3FD2] =	sst s25  }
0xa9: {  	s8 =	sshll.u32 s26, $0x1;
	_ =	strace $0x80000046;
	[dreg:$0x1] =	wrdreg $0xFFFFFFFF  }
0xaa: {  	s28 =	simm.s32 $_size_execute0_lowered;
	s6 =	sadd.s32 s6, s8;
	[dreg:$0x0] =	wrdreg $0x0  }
0xab: {  	s8 =	sshll.u32 s28, $0x1;
	[dreg:$0x2] =	wrdreg s6  }
0xac: {  	[dreg:$0x3] =	wrdreg s8  }
0xad: {  	[dreg:$0x4] =	wrdreg $0xC0  }
0xae: {  	_ =	task [dreg:s10], $0x5FFFF  }
0xaf: {  	[dreg:$0x1] =	wrdreg $0xFFFFFFFF  }
0xb0: {  	[dreg:$0x0] =	wrdreg $0x60  }
0xb1: {  	[dreg:$0x2] =	wrdreg s2  }
0xb2: {  	[dreg:$0x3] =	wrdreg s18  }
0xb3: {  	[dreg:$0x4] =	wrdreg s4  }
0xb4: {  	[dreg:$0x5] =	wrdreg s5  }
0xb5: {  	[dreg:$0x6] =	wrdreg s24  }
0xb6: {  	[dreg:$0x7] =	wrdreg $0x9  }
0xb7: {  	_ =	task.clear_ibuf [dreg:s10], $0x8FFFF;
	_ =	strace $0x90000046  }
0xb8: {  	s29 =	simm.s32 $0x9;
	_ =	strace $0x80000048  }
0xb9: {  	_ =	swait.ge [sflag:s29], $0x1  }
0xba: {  	[sflag:s29] =	ssyncadd.s32 $0xFFFFFFFF  }
0xbb: {  	_ =	strace $0x90000048  }
0xbc: {  	_ =	sfence  }
0xbd: {  	s30 =	sld [smem:$0x0];
	_ =	sdelay $0x2  }
0xbe: {  	s31 =	sshll.u32 s1, $0xD;
	s1 =	sshrl.u32 s1, $0x2  }
0xbf: {  	s3 =	sand.u32 $0x4000, s31;
	s1 =	sadd.s32 s1, s30  }
0xc0: {  	s0 =	sor.u32 s3, s0;
	s1 =	sshll.u32 s1, $0x11  }
0xc1: {  	s0 =	sor.u32 s1, s0  }
0xc2: {  	s0 =	sadd.s32 $0x8F2B, s0  }
0xc3: {  	[sflag:s0] =	ssyncadd.remote.s32 $0x1  }
0xc4: {  	_ =	sfence.sel $0xFFFF  }
0xc5: {  	[dreg:$0x0] =	wrdreg $0xFFFFFFFF;
	(pc) =	sbr.abs _section_cstart, $3  }
0xc6: {  	[dreg:$0x1] =	wrdreg $0xFFFFFFFF  }
0xc7: {  	_ =	task.clear_ibuf [dreg:s10], $0x2FFFF;
	_ =	strace $0x9FFFFFFF  }
0xc8: {  	(tm) =	ssettm $0x7FFFFFFF  }
0xc9: {  	_ =	shalt  }
tec
execute0_lowered:
.L_overlay_start_1:
0x0: {  	(tag) =	ssettag $0x1  }
0x1: {  	s0 =	rddreg [dreg:$0x0]  }
0x2: {  	s3 =	rddreg [dreg:$0x1]  }
0x3: {  	s9 =	rddreg [dreg:$0x2]  }
0x4: {  	s2 =	rddreg [dreg:$0x3]  }
0x5: {  	s4 =	rddreg [dreg:$0x4];
	s8 =	simm.s32 $0x0;
	s5 =	srdreg.scid  }
0x6: {  	s6 =	stileid.u32;
	s10 =	simm.s32 $0x7A1400;
	s11 =	simm.s32 $0x400  }
0x7: {  	s18 =	simm.s32 $0x2400;
	s14 =	simm.s32 $0xA400;
	s20 =	simm.s32 $0x3400  }
0x8: {  	s16 =	simm.s32 $0xB400;
	s15 =	simm.s32 $0x4400;
	s22 =	simm.s32 $0xC400  }
0x9: {  	s13 =	simm.s32 $0xD400;
	s1 =	simm.s32 $0xF400;
	s28 =	simm.s32 $0xD  }
0xa: {  	s29 =	simm.s32 $0xE;
	s30 =	simm.s32 $0x7;
	s31 =	simm.s32 $0xF  }
0xb: {  	s19 =	simm.s32 $0x8;
	[smem:$0x7FF] =	sst s8;
	s5 =	sand.u32 $0x1, s5  }
0xc: {  	s6 =	sshll.u32 s6, $0x7;
	s7 =	sshll.u32 s5, $0x6;
	s5 =	ssub.s32 $0x2, s5  }
0xd: {  	_ =	strace $0x80000047;
	s6 =	sor.u32 s7, s6;
	s23 =	sshrl.u32 s5, $0x1  }
0xe: {  	v0 =	vlaneseq.u32;
	vm0 =	vmmov $0x1;
	vm1 =	vmmov $0x3;
	s4 =	sadd.s32 s6, s4;
	s5 =	ssub.s32 s5, s23;
	s0 =	sadd.s32 s0, s6  }
.Ltmp0:
0xf: {  	vm2 =	vmmov $0x7;
	vm3 =	vmmov $0xf;
	vm4 =	vmmov $0x1f;
	s24 =	sadd.s32 s3, s6;
	s3 =	simm.s32 $0x11;
	(pc) =	sbr.rel .LBB2_1-.Ltmp0, $4  }
0x10: {  	vm5 =	vmmov $0x3f;
	vm6 =	vmmov $0x7f;
	vm7 =	vmmov $0xff;
	s23 =	simm.s32 $0x5400;
	s6 =	simm.s32 $0x0;
	[dreg:$0x6] =	wrdreg s0  }
0x11: {  	vm8 =	vcmask $0x2724;
	vm9 =	vcmask $0x2B28;
	v0 =	vmul.u32 $0x80, v0;
	[dreg:$0x7] =	wrdreg s24;
	s25 =	sadd.s32 $0x800, s4;
	s26 =	smax.u32 s5, $0x1  }
0x12: {  	vm10 =	vcmask $0x2F2C;
	vm11 =	vcmask $0x3330;
	vm12 =	vcmask $0x3734;
	s4 =	simm.s32 $0x6400;
	s5 =	simm.s32 $0xE400;
	[dreg:$0x8] =	wrdreg s25  }
0x13: {  	vm13 =	vcmask $0x3B38;
	vm14 =	vmmov $0x7fff;
	v1 =	vor.u32 $0x800, v0;
	[dreg:$0x9] =	wrdreg s26;
	s25 =	simm.s32 $0x5;
	s26 =	simm.s32 $0x6  }
.LBB2_3:
0x14: {  	s0 =	rddreg [dreg:$0xc]  }
0x15: {  	[tilespmem:s0+$0x0] =	vst v4  }
.LBB2_5:
0x16: {  	s8 =	simm.s32 $0x0;
	s0 =	rddreg [dreg:$0x8];
	s3 =	simm.s32 $0x10400  }
0x17: {  	[hbm4b:s0+s8] =	stream.linear.scatter [tilespmem:s3], [sflag:$0x11], $0x200, $0x38;
	[tilespmem:$0x10600] =	vst v63  }
0x18: {  	s3 =	simm.s32 $0x11  }
0x19: {  	_ =	swait.ge [sflag:s3], $0x200  }
0x1a: {  	s6 =	rddreg [dreg:$0xa]  }
0x1b: {  	s24 =	rddreg [dreg:$0x9];
	s6 =	sadd.s32 $0x1, s6  }
0x1c: {  	p0 =	sne.s32 s6, s24  }
.Ltmp1:
0x1d: {  	_ = 	snop;
	(pc) =	sbr.rel @!p0 .LBB2_6-.Ltmp1, $3  }
0x1e: {  	_ =	sdelay $0x1  }
0x1f: {  	[sflag:s3] =	ssyncset.done $0x0  }
0x20: {  	[sflag:s3] =	ssyncadd.s32 $0xFFFFFE00  }
.LBB2_1:
0x21: {  	[dreg:$0xa] =	wrdreg s6  }
0x22: {  	s0 =	rddreg [dreg:$0x6]  }
0x23: {  	[tilespmem:s8], [sflag:$0x11] =	stream.linear.gather [hbm4b:s0+s8], $0x200, $0x38;
	[tilespmem:$0x10600] =	vst v63  }
0x24: {  	_ =	swait.ge [sflag:s3], $0x200  }
0x25: {  	[sflag:s3] =	ssyncset.done $0x0  }
0x26: {  	s6 =	simm.s32 $0x200;
	s12 =	rddreg [dreg:$0x7];
	[sflag:s3] =	ssyncadd.s32 $0xFFFFFE00  }
0x27: {  	[tilespmem:s6], [sflag:$0x11] =	stream.linear.gather [hbm4b:s12+s8], $0x200, $0x38;
	[tilespmem:$0x10600] =	vst v63  }
0x28: {  	_ =	swait.ge [sflag:s3], $0x200  }
0x29: {  	[sflag:s3] =	ssyncset.done $0x0  }
0x2a: {  	[sflag:s3] =	ssyncadd.s32 $0xFFFFFE00  }
0x2b: {  	v2 =	vld [tilespmem:$0x0]  }
0x2c: {  	v3 =	vld [tilespmem:$0x200];
	_ =	sdelay $0x3  }
0x2d: {  	(v2sf) =	vpush v2, $0x0  }
0x2e: {  	(v2sf) =	vpush v3, $0x0;
	_ =	sdelay $0x5  }
0x2f: {  	(v2sf) =	vpush v2, $0x1;
	_ =	sdelay $0x1  }
0x30: {  	(v2sf) =	vpush v3, $0x1;
	_ =	sdelay $0x5  }
0x31: {  	s17 =	spop (v2sf);
	(v2sf) =	vpush v2, $0x2  }
0x32: {  	s21 =	spop (v2sf);
	(v2sf) =	vpush v3, $0x2;
	_ =	sdelay $0x4  }
0x33: {  	s0 =	sand.u32 $0xFFFFF80, s17  }
0x34: {  	s0 =	sadd.s32 s9, s0;
	s7 =	spop (v2sf);
	(v2sf) =	vpush v2, $0x3  }
0x35: {  	[tilespmem:s11], [sflag:$0x1] =	stream.strided.gather [hbm4b:s0+s11], $0x1000, s10, s11, $0x38;
	[tilespmem:$0x10600] =	vst v63  }
0x36: {  	s0 =	sand.u32 $0xFFFFF80, s21;
	s12 =	spop (v2sf);
	(v2sf) =	vpush v3, $0x3  }
0x37: {  	s24 =	simm.s32 $0x8400;
	s0 =	sadd.s32 s2, s0  }
0x38: {  	[tilespmem:s24], [sflag:$0x9] =	stream.strided.gather [hbm4b:s0+s11], $0x1000, s10, s11, $0x38;
	[tilespmem:$0x10600] =	vst v63  }
0x39: {  	s0 =	sand.u32 $0xFFFFF80, s7  }
0x3a: {  	s8 =	simm.s32 $0x1400;
	s0 =	sadd.s32 s9, s0  }
0x3b: {  	[tilespmem:s8], [sflag:$0x2] =	stream.strided.gather [hbm4b:s0+s11], $0x1000, s10, s11, $0x38;
	[tilespmem:$0x10600] =	vst v63  }
0x3c: {  	s0 =	sand.u32 $0xFFFFF80, s12;
	s21 =	spop (v2sf);
	(v2sf) =	vpush v2, $0x4  }
0x3d: {  	s17 =	simm.s32 $0x9400;
	s0 =	sadd.s32 s2, s0;
	s24 =	spop (v2sf);
	(v2sf) =	vpush v3, $0x4  }
0x3e: {  	[tilespmem:s17], [sflag:$0xA] =	stream.strided.gather [hbm4b:s0+s11], $0x1000, s10, s11, $0x38;
	[tilespmem:$0x10600] =	vst v63  }
0x3f: {  	s0 =	sand.u32 $0xFFFFF80, s21;
	(v2sf) =	vpush v2, $0x5  }
0x40: {  	s0 =	sadd.s32 s9, s0  }
0x41: {  	[tilespmem:s18], [sflag:$0x3] =	stream.strided.gather [hbm4b:s0+s11], $0x1000, s10, s11, $0x38;
	[tilespmem:$0x10600] =	vst v63  }
0x42: {  	s0 =	sand.u32 $0xFFFFF80, s24  }
0x43: {  	s3 =	spop (v2sf);
	s0 =	sadd.s32 s2, s0  }
0x44: {  	(v2sf) =	vpush v3, $0x5;
	[tilespmem:s14], [sflag:$0xB] =	stream.strided.gather [hbm4b:s0+s11], $0x1000, s10, s11, $0x38;
	[tilespmem:$0x10600] =	vst v63  }
0x45: {  	s7 =	spop (v2sf);
	(v2sf) =	vpush v2, $0x6;
	s0 =	sand.u32 $0xFFFFF80, s3  }
0x46: {  	s0 =	sadd.s32 s9, s0  }
0x47: {  	[tilespmem:s20], [sflag:$0x4] =	stream.strided.gather [hbm4b:s0+s11], $0x1000, s10, s11, $0x38;
	[tilespmem:$0x10600] =	vst v63  }
0x48: {  	s0 =	sand.u32 $0xFFFFF80, s7  }
0x49: {  	s0 =	sadd.s32 s2, s0  }
0x4a: {  	[tilespmem:s16], [sflag:$0xC] =	stream.strided.gather [hbm4b:s0+s11], $0x1000, s10, s11, $0x38;
	[tilespmem:$0x10600] =	vst v63  }
0x4b: {  	s8 =	spop (v2sf);
	(v2sf) =	vpush v3, $0x6  }
0x4c: {  	s12 =	spop (v2sf);
	(v2sf) =	vpush v2, $0x7  }
0x4d: {  	s0 =	sand.u32 $0xFFFFF80, s8  }
0x4e: {  	s0 =	sadd.s32 s9, s0;
	s14 =	spop (v2sf)  }
0x4f: {  	(v2sf) =	vpush v3, $0x7;
	[tilespmem:s15], [sflag:$0x5] =	stream.strided.gather [hbm4b:s0+s11], $0x1000, s10, s11, $0x38;
	[tilespmem:$0x10600] =	vst v63  }
0x50: {  	s0 =	sand.u32 $0xFFFFF80, s12  }
0x51: {  	s0 =	sadd.s32 s2, s0  }
0x52: {  	[tilespmem:s22], [sflag:$0xD] =	stream.strided.gather [hbm4b:s0+s11], $0x1000, s10, s11, $0x38;
	[tilespmem:$0x10600] =	vst v63  }
0x53: {  	s15 =	spop (v2sf);
	s0 =	sand.u32 $0xFFFFF80, s14  }
0x54: {  	s16 =	sand.u32 $0xFFFFF80, s15;
	s17 =	spop (v2sf);
	s0 =	sadd.s32 s9, s0  }
0x55: {  	[tilespmem:s23], [sflag:$0x6] =	stream.strided.gather [hbm4b:s0+s11], $0x1000, s10, s11, $0x38;
	[tilespmem:$0x10600] =	vst v63  }
0x56: {  	s18 =	sand.u32 $0xFFFFF80, s17;
	s0 =	sadd.s32 s2, s16  }
0x57: {  	[tilespmem:s13], [sflag:$0xE] =	stream.strided.gather [hbm4b:s0+s11], $0x1000, s10, s11, $0x38;
	[tilespmem:$0x10600] =	vst v63  }
0x58: {  	s0 =	sadd.s32 s9, s18  }
0x59: {  	[tilespmem:s4], [sflag:$0x7] =	stream.strided.gather [hbm4b:s0+s11], $0x1000, s10, s11, $0x38;
	[tilespmem:$0x10600] =	vst v63  }
0x5a: {  	s20 =	spop (v2sf)  }
0x5b: {  	s21 =	sand.u32 $0xFFFFF80, s20;
	s22 =	spop (v2sf)  }
0x5c: {  	s0 =	sadd.s32 s2, s21;
	s23 =	sand.u32 $0xFFFFF80, s22  }
0x5d: {  	[tilespmem:s5], [sflag:$0xF] =	stream.strided.gather [hbm4b:s0+s11], $0x1000, s10, s11, $0x38;
	[tilespmem:$0x10600] =	vst v63  }
0x5e: {  	s8 =	simm.s32 $0x7400;
	s24 =	spop (v2sf);
	s0 =	sadd.s32 s9, s23  }
0x5f: {  	[tilespmem:s8], [sflag:$0x8] =	stream.strided.gather [hbm4b:s0+s11], $0x1000, s10, s11, $0x38;
	[tilespmem:$0x10600] =	vst v63  }
0x60: {  	s0 =	sand.u32 $0xFFFFF80, s24  }
0x61: {  	s0 =	sadd.s32 s2, s0  }
0x62: {  	[tilespmem:s1], [sflag:$0x10] =	stream.strided.gather [hbm4b:s0+s11], $0x1000, s10, s11, $0x38;
	[tilespmem:$0x10600] =	vst v63  }
0x63: {  	s3 =	simm.s32 $0x0;
	s17 =	simm.s32 $0xFFFFFFE0;
	s0 =	simm.s32 $0x10400  }
.LBB2_2:
0x64: {  	s12 =	sadd.s32 $0x21, s17  }
0x65: {  	[dreg:$0xc] =	wrdreg s0;
	v12 =	vld [tilespmem:s3+$0x0];
	s0 =	smin.u32 s12, $0x1F  }
0x66: {  	[dreg:$0xd] =	wrdreg s3;
	v11 =	vld [tilespmem:s6+$0x0];
	s0 =	sshll.u32 s0, $0x4  }
0x67: {  	[dreg:$0xb] =	wrdreg s6;
	s15 =	simm.s32 $0x1;
	v2 =	vld [tilespmem:s0+$0x0]  }
0x68: {  	v3 =	vld [tilespmem:s0+$0x200];
	_ =	swait.ge [sflag:s15], $0x1000  }
0x69: {  	[sflag:s15] =	ssyncset.done $0x0  }
0x6a: {  	s16 =	simm.s32 $0x9;
	[sflag:s15] =	ssyncadd.s32 $0xFFFFF000  }
0x6b: {  	_ =	swait.ge [sflag:s16], $0x1000  }
0x6c: {  	(v2sf) =	vpush v12, $0x0;
	_ =	sdelay $0x1  }
0x6d: {  	(v2sf) =	vpush v11, $0x0;
	_ =	sdelay $0xc  }
0x6e: {  	s13 =	spop (v2sf)  }
0x6f: {  	s0 =	sand.u32 $0x7F, s13  }
0x70: {  	s14 =	spop (v2sf);
	v4 =	vor.u32 s0, v0  }
0x71: {  	s3 =	sand.u32 $0x7F, s14;
	v5 =	vor.u32 s0, v1  }
0x72: {  	v6 =	vor.u32 s3, v0  }
0x73: {  	[sflag:s16] =	ssyncset.done $0x0;
	v7 =	vor.u32 s3, v1  }
0x74: {  	[sflag:s16] =	ssyncadd.s32 $0xFFFFF000  }
0x75: {  	v4 =	vld.idx.msk [tilespmem:v4+s11+$0x0], $0xffff  }
0x76: {  	s4 =	simm.s32 $0x8400;
	v5 =	vld.idx.msk [tilespmem:v5+s11+$0x0], $0xffff  }
0x77: {  	(v2sf) =	vpush v12, $0x8;
	v6 =	vld.idx.msk [tilespmem:v6+s4+$0x0], $0xffff  }
0x78: {  	(v2sf) =	vpush v11, $0x8;
	v7 =	vld.idx.msk [tilespmem:v7+s4+$0x0], $0xffff;
	_ =	sdelay $0x4  }
0x79: {  	v4 =	vmul.f32 v6, v4;
	v5 =	vmul.f32 v7, v5;
	_ =	sdelay $0x1  }
0x7a: {  	v4 =	vadd.f32 v5, v4;
	_ =	sdelay $0x1  }
0x7b: {  	(xrf2) =	vadd.scan.msk.f32 $0xffff, v4;
	_ =	sdelay $0x4  }
0x7c: {  	s24 =	spop (v2sf)  }
0x7d: {  	s18 =	sand.u32 $0xFFFFF80, s24;
	s21 =	spop (v2sf)  }
0x7e: {  	s0 =	sadd.s32 s9, s18;
	s20 =	sand.u32 $0xFFFFF80, s21  }
0x7f: {  	[tilespmem:s11], [sflag:$0x1] =	stream.strided.gather [hbm4b:s0+s11], $0x1000, s10, s11, $0x38;
	[tilespmem:$0x10600] =	vst v63  }
0x80: {  	s14 =	simm.s32 $0x2;
	s0 =	sadd.s32 s2, s20  }
0x81: {  	[tilespmem:s4], [sflag:$0x9] =	stream.strided.gather [hbm4b:s0+s11], $0x1000, s10, s11, $0x38;
	v4, _, _ =	vpop (xrf2);
	[tilespmem:$0x10600] =	vst v63  }
0x82: {  	_ =	swait.ge [sflag:s14], $0x1000  }
0x83: {  	[sflag:s14] =	ssyncset.done $0x0  }
0x84: {  	s13 =	simm.s32 $0xA;
	[sflag:s14] =	ssyncadd.s32 $0xFFFFF000  }
0x85: {  	_ =	swait.ge [sflag:s13], $0x1000  }
0x86: {  	(v2sf) =	vpush v12, $0x1;
	_ =	sdelay $0x1  }
0x87: {  	(v2sf) =	vpush v11, $0x1;
	_ =	sdelay $0xc  }
0x88: {  	s22 =	spop (v2sf)  }
0x89: {  	s0 =	sand.u32 $0x7F, s22  }
0x8a: {  	s23 =	spop (v2sf);
	v5 =	vor.u32 s0, v0  }
0x8b: {  	s3 =	sand.u32 $0x7F, s23;
	v6 =	vor.u32 s0, v1  }
0x8c: {  	v7 =	vor.u32 s3, v0  }
0x8d: {  	[sflag:s13] =	ssyncset.done $0x0;
	v8 =	vor.u32 s3, v1  }
0x8e: {  	s5 =	simm.s32 $0x1400;
	[sflag:s13] =	ssyncadd.s32 $0xFFFFF000  }
0x8f: {  	v5 =	vld.idx.msk [tilespmem:v5+s5+$0x0], $0xffff  }
0x90: {  	s7 =	simm.s32 $0x9400;
	v6 =	vld.idx.msk [tilespmem:v6+s5+$0x0], $0xffff  }
0x91: {  	(v2sf) =	vpush v12, $0x9;
	v7 =	vld.idx.msk [tilespmem:v7+s7+$0x0], $0xffff  }
0x92: {  	(v2sf) =	vpush v11, $0x9;
	v8 =	vld.idx.msk [tilespmem:v8+s7+$0x0], $0xffff;
	_ =	sdelay $0x4  }
0x93: {  	v5 =	vmul.f32 v7, v5;
	v6 =	vmul.f32 v8, v6;
	_ =	sdelay $0x1  }
0x94: {  	v5 =	vadd.f32 v6, v5;
	_ =	sdelay $0x1  }
0x95: {  	(xrf2) =	vadd.scan.msk.f32 $0xffff, v5;
	_ =	sdelay $0x4  }
0x96: {  	s6 =	simm.s32 $0x1400;
	s12 =	spop (v2sf)  }
0x97: {  	s5 =	simm.s32 $0x9400;
	s0 =	sand.u32 $0xFFFFF80, s12;
	s18 =	spop (v2sf)  }
0x98: {  	[dreg:$0xf] =	wrdreg s12;
	s0 =	sadd.s32 s9, s0;
	s20 =	sand.u32 $0xFFFFF80, s18  }
0x99: {  	[tilespmem:s6], [sflag:$0x2] =	stream.strided.gather [hbm4b:s0+s11], $0x1000, s10, s11, $0x38;
	[tilespmem:$0x10600] =	vst v63  }
0x9a: {  	[dreg:$0xe] =	wrdreg s18;
	s18 =	simm.s32 $0x3;
	s0 =	sadd.s32 s2, s20  }
0x9b: {  	[tilespmem:s5], [sflag:$0xA] =	stream.strided.gather [hbm4b:s0+s11], $0x1000, s10, s11, $0x38;
	v5, _, _ =	vpop (xrf2);
	[tilespmem:$0x10600] =	vst v63  }
0x9c: {  	_ =	swait.ge [sflag:s18], $0x1000  }
0x9d: {  	[sflag:s18] =	ssyncset.done $0x0  }
0x9e: {  	s20 =	simm.s32 $0xB;
	[sflag:s18] =	ssyncadd.s32 $0xFFFFF000  }
0x9f: {  	_ =	swait.ge [sflag:s20], $0x1000  }
0xa0: {  	(v2sf) =	vpush v12, $0x2;
	_ =	sdelay $0x1  }
0xa1: {  	(v2sf) =	vpush v11, $0x2;
	_ =	sdelay $0xc  }
0xa2: {  	s22 =	spop (v2sf)  }
0xa3: {  	s0 =	sand.u32 $0x7F, s22  }
0xa4: {  	s23 =	spop (v2sf);
	v6 =	vor.u32 s0, v0  }
0xa5: {  	s3 =	sand.u32 $0x7F, s23;
	v7 =	vor.u32 s0, v1  }
0xa6: {  	v18 =	vor.u32 s3, v0  }
0xa7: {  	[sflag:s20] =	ssyncset.done $0x0;
	v9 =	vor.u32 s3, v1  }
0xa8: {  	s5 =	simm.s32 $0x2400;
	[sflag:s20] =	ssyncadd.s32 $0xFFFFF000  }
0xa9: {  	v6 =	vld.idx.msk [tilespmem:v6+s5+$0x0], $0xffff  }
0xaa: {  	s7 =	simm.s32 $0xA400;
	(v2sf) =	vpush v12, $0xA;
	v7 =	vld.idx.msk [tilespmem:v7+s5+$0x0], $0xffff  }
0xab: {  	v8 =	vld.idx.msk [tilespmem:v18+s7+$0x0], $0xffff  }
0xac: {  	(v2sf) =	vpush v11, $0xA;
	v9 =	vld.idx.msk [tilespmem:v9+s7+$0x0], $0xffff;
	_ =	sdelay $0x4  }
0xad: {  	v6 =	vmul.f32 v8, v6;
	v7 =	vmul.f32 v9, v7;
	_ =	sdelay $0x1  }
0xae: {  	v6 =	vadd.f32 v7, v6;
	_ =	sdelay $0x1  }
0xaf: {  	(xrf2) =	vadd.scan.msk.f32 $0xffff, v6;
	_ =	sdelay $0x3  }
0xb0: {  	s22 =	spop (v2sf)  }
0xb1: {  	s0 =	sand.u32 $0xFFFFF80, s22  }
0xb2: {  	s6 =	simm.s32 $0x2400;
	s23 =	spop (v2sf);
	s0 =	sadd.s32 s9, s0  }
0xb3: {  	[tilespmem:s6], [sflag:$0x3] =	stream.strided.gather [hbm4b:s0+s11], $0x1000, s10, s11, $0x38;
	[tilespmem:$0x10600] =	vst v63  }
0xb4: {  	s12 =	simm.s32 $0xA400;
	[dreg:$0x11] =	wrdreg s22;
	s6 =	sand.u32 $0xFFFFF80, s23  }
0xb5: {  	s22 =	simm.s32 $0x4;
	[dreg:$0x10] =	wrdreg s23;
	s0 =	sadd.s32 s2, s6  }
0xb6: {  	[tilespmem:s12], [sflag:$0xB] =	stream.strided.gather [hbm4b:s0+s11], $0x1000, s10, s11, $0x38;
	v6, _, _ =	vpop (xrf2);
	[tilespmem:$0x10600] =	vst v63  }
0xb7: {  	_ =	swait.ge [sflag:s22], $0x1000  }
0xb8: {  	[sflag:s22] =	ssyncset.done $0x0  }
0xb9: {  	s23 =	simm.s32 $0xC;
	[sflag:s22] =	ssyncadd.s32 $0xFFFFF000  }
0xba: {  	_ =	swait.ge [sflag:s23], $0x1000  }
0xbb: {  	(v2sf) =	vpush v12, $0x3;
	_ =	sdelay $0x1  }
0xbc: {  	(v2sf) =	vpush v11, $0x3;
	_ =	sdelay $0xc  }
0xbd: {  	s7 =	spop (v2sf)  }
0xbe: {  	s0 =	sand.u32 $0x7F, s7  }
0xbf: {  	s12 =	spop (v2sf);
	v7 =	vor.u32 s0, v0  }
0xc0: {  	s3 =	sand.u32 $0x7F, s12;
	v19 =	vor.u32 s0, v1  }
0xc1: {  	v20 =	vor.u32 s3, v0  }
0xc2: {  	[sflag:s23] =	ssyncset.done $0x0;
	v10 =	vor.u32 s3, v1  }
0xc3: {  	s5 =	simm.s32 $0x3400;
	[sflag:s23] =	ssyncadd.s32 $0xFFFFF000  }
0xc4: {  	v7 =	vld.idx.msk [tilespmem:v7+s5+$0x0], $0xffff  }
0xc5: {  	s6 =	simm.s32 $0xB400;
	(v2sf) =	vpush v12, $0xB;
	v8 =	vld.idx.msk [tilespmem:v19+s5+$0x0], $0xffff  }
0xc6: {  	v9 =	vld.idx.msk [tilespmem:v20+s6+$0x0], $0xffff  }
0xc7: {  	(v2sf) =	vpush v11, $0xB;
	v10 =	vld.idx.msk [tilespmem:v10+s6+$0x0], $0xffff;
	_ =	sdelay $0x4  }
0xc8: {  	v7 =	vmul.f32 v9, v7;
	v8 =	vmul.f32 v10, v8;
	_ =	sdelay $0x1  }
0xc9: {  	v7 =	vadd.f32 v8, v7;
	_ =	sdelay $0x1  }
0xca: {  	(xrf2) =	vadd.scan.msk.f32 $0xffff, v7;
	_ =	sdelay $0x3  }
0xcb: {  	s7 =	spop (v2sf)  }
0xcc: {  	s0 =	sand.u32 $0xFFFFF80, s7  }
0xcd: {  	s3 =	simm.s32 $0x3400;
	s12 =	spop (v2sf);
	s0 =	sadd.s32 s9, s0  }
0xce: {  	[tilespmem:s3], [sflag:$0x4] =	stream.strided.gather [hbm4b:s0+s11], $0x1000, s10, s11, $0x38;
	[tilespmem:$0x10600] =	vst v63  }
0xcf: {  	[dreg:$0x13] =	wrdreg s7;
	s3 =	sand.u32 $0xFFFFF80, s12  }
0xd0: {  	s5 =	simm.s32 $0xB400;
	[dreg:$0x12] =	wrdreg s12;
	s0 =	sadd.s32 s2, s3  }
0xd1: {  	[tilespmem:s5], [sflag:$0xC] =	stream.strided.gather [hbm4b:s0+s11], $0x1000, s10, s11, $0x38;
	v7, _, _ =	vpop (xrf2);
	[tilespmem:$0x10600] =	vst v63  }
0xd2: {  	_ =	swait.ge [sflag:s25], $0x1000  }
0xd3: {  	[sflag:s25] =	ssyncset.done $0x0  }
0xd4: {  	[sflag:s25] =	ssyncadd.s32 $0xFFFFF000  }
0xd5: {  	_ =	swait.ge [sflag:s28], $0x1000  }
0xd6: {  	(v2sf) =	vpush v12, $0x4;
	_ =	sdelay $0x1  }
0xd7: {  	(v2sf) =	vpush v11, $0x4;
	_ =	sdelay $0xc  }
0xd8: {  	s5 =	spop (v2sf)  }
0xd9: {  	s0 =	sand.u32 $0x7F, s5  }
0xda: {  	s6 =	spop (v2sf);
	v21 =	vor.u32 s0, v0  }
0xdb: {  	s3 =	sand.u32 $0x7F, s6;
	v22 =	vor.u32 s0, v1  }
0xdc: {  	v23 =	vor.u32 s3, v0  }
0xdd: {  	[sflag:s28] =	ssyncset.done $0x0;
	v13 =	vor.u32 s3, v1  }
0xde: {  	s7 =	simm.s32 $0x4400;
	[sflag:s28] =	ssyncadd.s32 $0xFFFFF000  }
0xdf: {  	v8 =	vld.idx.msk [tilespmem:v21+s7+$0x0], $0xffff  }
0xe0: {  	(v2sf) =	vpush v12, $0xC;
	s5 =	simm.s32 $0xC400;
	v9 =	vld.idx.msk [tilespmem:v22+s7+$0x0], $0xffff  }
0xe1: {  	v10 =	vld.idx.msk [tilespmem:v23+s5+$0x0], $0xffff  }
0xe2: {  	(v2sf) =	vpush v11, $0xC;
	v13 =	vld.idx.msk [tilespmem:v13+s5+$0x0], $0xffff;
	_ =	sdelay $0x4  }
0xe3: {  	v8 =	vmul.f32 v10, v8;
	v9 =	vmul.f32 v13, v9;
	_ =	sdelay $0x1  }
0xe4: {  	v8 =	vadd.f32 v9, v8;
	_ =	sdelay $0x1  }
0xe5: {  	(xrf2) =	vadd.scan.msk.f32 $0xffff, v8;
	_ =	sdelay $0x3  }
0xe6: {  	s6 =	spop (v2sf)  }
0xe7: {  	s0 =	sand.u32 $0xFFFFF80, s6  }
0xe8: {  	s12 =	simm.s32 $0x4400;
	s7 =	spop (v2sf);
	s0 =	sadd.s32 s9, s0  }
0xe9: {  	[tilespmem:s12], [sflag:$0x5] =	stream.strided.gather [hbm4b:s0+s11], $0x1000, s10, s11, $0x38;
	[tilespmem:$0x10600] =	vst v63  }
0xea: {  	[dreg:$0x15] =	wrdreg s6;
	s12 =	sand.u32 $0xFFFFF80, s7  }
0xeb: {  	s5 =	simm.s32 $0xC400;
	[dreg:$0x14] =	wrdreg s7;
	s0 =	sadd.s32 s2, s12  }
0xec: {  	[tilespmem:s5], [sflag:$0xD] =	stream.strided.gather [hbm4b:s0+s11], $0x1000, s10, s11, $0x38;
	v8, _, _ =	vpop (xrf2);
	[tilespmem:$0x10600] =	vst v63  }
0xed: {  	_ =	swait.ge [sflag:s26], $0x1000  }
0xee: {  	[sflag:s26] =	ssyncset.done $0x0  }
0xef: {  	[sflag:s26] =	ssyncadd.s32 $0xFFFFF000  }
0xf0: {  	_ =	swait.ge [sflag:s29], $0x1000  }
0xf1: {  	(v2sf) =	vpush v12, $0x5;
	_ =	sdelay $0x1  }
0xf2: {  	(v2sf) =	vpush v11, $0x5;
	_ =	sdelay $0xc  }
0xf3: {  	s3 =	spop (v2sf)  }
0xf4: {  	s0 =	sand.u32 $0x7F, s3  }
0xf5: {  	s5 =	spop (v2sf);
	v24 =	vor.u32 s0, v0  }
0xf6: {  	s3 =	sand.u32 $0x7F, s5;
	v25 =	vor.u32 s0, v1  }
0xf7: {  	v26 =	vor.u32 s3, v0  }
0xf8: {  	[sflag:s29] =	ssyncset.done $0x0;
	v14 =	vor.u32 s3, v1  }
0xf9: {  	s6 =	simm.s32 $0x5400;
	[sflag:s29] =	ssyncadd.s32 $0xFFFFF000  }
0xfa: {  	v9 =	vld.idx.msk [tilespmem:v24+s6+$0x0], $0xffff  }
0xfb: {  	s7 =	simm.s32 $0xD400;
	(v2sf) =	vpush v12, $0xD;
	v10 =	vld.idx.msk [tilespmem:v25+s6+$0x0], $0xffff  }
0xfc: {  	v13 =	vld.idx.msk [tilespmem:v26+s7+$0x0], $0xffff  }
0xfd: {  	(v2sf) =	vpush v11, $0xD;
	v14 =	vld.idx.msk [tilespmem:v14+s7+$0x0], $0xffff;
	_ =	sdelay $0x4  }
0xfe: {  	v9 =	vmul.f32 v13, v9;
	v10 =	vmul.f32 v14, v10;
	_ =	sdelay $0x1  }
0xff: {  	v9 =	vadd.f32 v10, v9;
	_ =	sdelay $0x1  }
0x100: {  	(xrf2) =	vadd.scan.msk.f32 $0xffff, v9;
	_ =	sdelay $0x3  }
0x101: {  	s0 =	spop (v2sf)  }
0x102: {  	s12 =	sand.u32 $0xFFFFF80, s0  }
0x103: {  	s5 =	simm.s32 $0x5400;
	s7 =	spop (v2sf);
	s3 =	sadd.s32 s9, s12  }
0x104: {  	[tilespmem:s5], [sflag:$0x6] =	stream.strided.gather [hbm4b:s3+s11], $0x1000, s10, s11, $0x38;
	[tilespmem:$0x10600] =	vst v63  }
0x105: {  	s5 =	sand.u32 $0xFFFFF80, s7  }
0x106: {  	s6 =	simm.s32 $0xD400;
	[dreg:$0x16] =	wrdreg s7;
	s3 =	sadd.s32 s2, s5  }
0x107: {  	[tilespmem:s6], [sflag:$0xE] =	stream.strided.gather [hbm4b:s3+s11], $0x1000, s10, s11, $0x38;
	v9, _, _ =	vpop (xrf2);
	[tilespmem:$0x10600] =	vst v63  }
0x108: {  	_ =	swait.ge [sflag:s30], $0x1000  }
0x109: {  	[sflag:s30] =	ssyncset.done $0x0  }
0x10a: {  	[sflag:s30] =	ssyncadd.s32 $0xFFFFF000  }
0x10b: {  	_ =	swait.ge [sflag:s31], $0x1000  }
0x10c: {  	(v2sf) =	vpush v12, $0x6;
	_ =	sdelay $0x1  }
0x10d: {  	(v2sf) =	vpush v11, $0x6;
	_ =	sdelay $0xc  }
0x10e: {  	s7 =	spop (v2sf)  }
0x10f: {  	s3 =	sand.u32 $0x7F, s7  }
0x110: {  	s12 =	spop (v2sf);
	v27 =	vor.u32 s3, v0  }
0x111: {  	s5 =	sand.u32 $0x7F, s12;
	v28 =	vor.u32 s3, v1  }
0x112: {  	v29 =	vor.u32 s5, v0  }
0x113: {  	[sflag:s31] =	ssyncset.done $0x0;
	v15 =	vor.u32 s5, v1  }
0x114: {  	[sflag:s31] =	ssyncadd.s32 $0xFFFFF000;
	s5 =	simm.s32 $0x6400  }
0x115: {  	v10 =	vld.idx.msk [tilespmem:v27+s5+$0x0], $0xffff  }
0x116: {  	s6 =	simm.s32 $0xE400;
	(v2sf) =	vpush v12, $0xE;
	v13 =	vld.idx.msk [tilespmem:v28+s5+$0x0], $0xffff  }
0x117: {  	v14 =	vld.idx.msk [tilespmem:v29+s6+$0x0], $0xffff  }
0x118: {  	(v2sf) =	vpush v11, $0xE;
	v15 =	vld.idx.msk [tilespmem:v15+s6+$0x0], $0xffff;
	_ =	sdelay $0x4  }
0x119: {  	v10 =	vmul.f32 v14, v10;
	v13 =	vmul.f32 v15, v13;
	_ =	sdelay $0x1  }
0x11a: {  	v10 =	vadd.f32 v13, v10;
	_ =	sdelay $0x1  }
0x11b: {  	(xrf2) =	vadd.scan.msk.f32 $0xffff, v10;
	_ =	sdelay $0x3  }
0x11c: {  	s5 =	spop (v2sf)  }
0x11d: {  	s6 =	sand.u32 $0xFFFFF80, s5  }
0x11e: {  	s7 =	simm.s32 $0x6400;
	s3 =	spop (v2sf);
	s6 =	sadd.s32 s9, s6  }
0x11f: {  	[tilespmem:s7], [sflag:$0x7] =	stream.strided.gather [hbm4b:s6+s11], $0x1000, s10, s11, $0x38;
	[tilespmem:$0x10600] =	vst v63  }
0x120: {  	s7 =	sand.u32 $0xFFFFF80, s3  }
0x121: {  	s12 =	simm.s32 $0xE400;
	s6 =	sadd.s32 s2, s7  }
0x122: {  	[tilespmem:s12], [sflag:$0xF] =	stream.strided.gather [hbm4b:s6+s11], $0x1000, s10, s11, $0x38;
	v10, _, _ =	vpop (xrf2);
	[tilespmem:$0x10600] =	vst v63  }
0x123: {  	_ =	swait.ge [sflag:s19], $0x1000  }
0x124: {  	[sflag:s19] =	ssyncset.done $0x0  }
0x125: {  	s12 =	simm.s32 $0x10;
	[sflag:s19] =	ssyncadd.s32 $0xFFFFF000  }
0x126: {  	_ =	swait.ge [sflag:s12], $0x1000  }
0x127: {  	(v2sf) =	vpush v12, $0x7;
	_ =	sdelay $0x1  }
0x128: {  	(v2sf) =	vpush v11, $0x7;
	_ =	sdelay $0xc  }
0x129: {  	s7 =	spop (v2sf)  }
0x12a: {  	s6 =	sand.u32 $0x7F, s7  }
0x12b: {  	s7 =	spop (v2sf);
	v30 =	vor.u32 s6, v0  }
0x12c: {  	s7 =	sand.u32 $0x7F, s7;
	v31 =	vor.u32 s6, v1  }
0x12d: {  	v32 =	vor.u32 s7, v0  }
0x12e: {  	[sflag:s12] =	ssyncset.done $0x0;
	v16 =	vor.u32 s7, v1  }
0x12f: {  	[sflag:s12] =	ssyncadd.s32 $0xFFFFF000  }
0x130: {  	v13 =	vld.idx.msk [tilespmem:v30+s8+$0x0], $0xffff  }
0x131: {  	(v2sf) =	vpush v12, $0xF;
	v14 =	vld.idx.msk [tilespmem:v31+s8+$0x0], $0xffff  }
0x132: {  	v33 =	vld.idx.msk [tilespmem:v32+s1+$0x0], $0xffff  }
0x133: {  	(v2sf) =	vpush v11, $0xF;
	v34 =	vld.idx.msk [tilespmem:v16+s1+$0x0], $0xffff;
	_ =	sdelay $0x4  }
0x134: {  	v35 =	vmul.f32 v33, v13;
	v36 =	vmul.f32 v34, v14;
	_ =	sdelay $0x1  }
0x135: {  	v11 =	vadd.f32 v36, v35;
	_ =	sdelay $0x1  }
0x136: {  	(xrf2) =	vadd.scan.msk.f32 $0xffff, v11;
	_ =	sdelay $0x3  }
0x137: {  	s6 =	spop (v2sf)  }
0x138: {  	s8 =	sand.u32 $0xFFFFF80, s6  }
0x139: {  	s1 =	simm.s32 $0x7400;
	s7 =	spop (v2sf);
	s8 =	sadd.s32 s9, s8  }
0x13a: {  	[tilespmem:s1], [sflag:$0x8] =	stream.strided.gather [hbm4b:s8+s11], $0x1000, s10, s11, $0x38;
	[tilespmem:$0x10600] =	vst v63  }
0x13b: {  	s8 =	sand.u32 $0xFFFFF80, s7  }
0x13c: {  	s1 =	simm.s32 $0xF400;
	s8 =	sadd.s32 s2, s8  }
0x13d: {  	[tilespmem:s1], [sflag:$0x10] =	stream.strided.gather [hbm4b:s8+s11], $0x1000, s10, s11, $0x38;
	v11, _, _ =	vpop (xrf2);
	[tilespmem:$0x10600] =	vst v63  }
0x13e: {  	s24 =	sand.u32 $0x7F, s24;
	_ =	swait.ge [sflag:s15], $0x1000  }
0x13f: {  	v37 =	vor.u32 s24, v0;
	[sflag:s15] =	ssyncset.done $0x0  }
0x140: {  	s21 =	sand.u32 $0x7F, s21;
	v38 =	vor.u32 s24, v1;
	[sflag:s15] =	ssyncadd.s32 $0xFFFFF000  }
0x141: {  	v39 =	vor.u32 s21, v0;
	_ =	swait.ge [sflag:s16], $0x1000  }
0x142: {  	v40 =	vor.u32 s21, v1;
	[sflag:s16] =	ssyncset.done $0x0  }
0x143: {  	p0 =	seq.s32 s17, $0xFFFFFFFF;
	[sflag:s16] =	ssyncadd.s32 $0xFFFFF000  }
0x144: {  	(v2sf) =	vpush @!p0 v2, $0x0;
	v12 =	vld.idx.msk [tilespmem:v37+s11+$0x0], $0xffff  }
0x145: {  	v13 =	vld.idx.msk [tilespmem:v38+s11+$0x0], $0xffff  }
0x146: {  	v14 =	vld.idx.msk [tilespmem:v39+s4+$0x0], $0xffff  }
0x147: {  	v15 =	vld.idx.msk [tilespmem:v40+s4+$0x0], $0xffff  }
0x148: {  	(v2sf) =	vpush @!p0 v3, $0x0;
	_ =	sdelay $0x3  }
0x149: {  	v12 =	vmul.f32 v14, v12;
	v13 =	vmul.f32 v15, v13;
	_ =	sdelay $0x1  }
0x14a: {  	v12 =	vadd.f32 v13, v12;
	_ =	sdelay $0x1  }
0x14b: {  	(xrf2) =	vadd.scan.msk.f32 $0xffff, v12;
	_ =	sdelay $0x2  }
0x14c: {  	s8 =	spop @!p0 (v2sf)  }
0x14d: {  	s8 =	sand.u32 @!p0 $0xFFFFF80, s8  }
0x14e: {  	s24 =	simm.s32 @!p0 $0x400;
	s21 =	simm.s32 @!p0 $0x7A1400;
	s8 =	sadd.s32 @!p0 s9, s8  }
0x14f: {  	[tilespmem:s24], [sflag:$0x1] =	stream.strided.gather @!p0 [hbm4b:s8+s24], $0x1000, s21, s24, $0x38;
	[tilespmem:$0x10600] =	vst v63  }
0x150: {  	s8 =	spop @!p0 (v2sf)  }
0x151: {  	s8 =	sand.u32 @!p0 $0xFFFFF80, s8  }
0x152: {  	s4 =	simm.s32 @!p0 $0x8400;
	s8 =	sadd.s32 @!p0 s2, s8  }
0x153: {  	[tilespmem:s4], [sflag:$0x9] =	stream.strided.gather @!p0 [hbm4b:s8+s24], $0x1000, s21, s24, $0x38;
	v12, _, _ =	vpop (xrf2);
	[tilespmem:$0x10600] =	vst v63  }
0x154: {  	_ =	swait.ge [sflag:s14], $0x1000  }
0x155: {  	s8 =	rddreg [dreg:$0xf]  }
0x156: {  	s4 =	sand.u32 $0x7F, s8  }
0x157: {  	[sflag:s14] =	ssyncset.done $0x0;
	s15 =	rddreg [dreg:$0xe];
	v41 =	vor.u32 s4, v0  }
0x158: {  	[sflag:s14] =	ssyncadd.s32 $0xFFFFF000;
	s8 =	sand.u32 $0x7F, s15;
	v42 =	vor.u32 s4, v1  }
0x159: {  	_ =	swait.ge [sflag:s13], $0x1000;
	v43 =	vor.u32 s8, v0  }
0x15a: {  	v44 =	vor.u32 s8, v1;
	[sflag:s13] =	ssyncset.done $0x0  }
0x15b: {  	s16 =	simm.s32 $0x1400;
	[sflag:s13] =	ssyncadd.s32 $0xFFFFF000  }
0x15c: {  	(v2sf) =	vpush @!p0 v2, $0x1;
	v13 =	vld.idx.msk [tilespmem:v41+s16+$0x0], $0xffff  }
0x15d: {  	s8 =	simm.s32 $0x9400;
	v14 =	vld.idx.msk [tilespmem:v42+s16+$0x0], $0xffff  }
0x15e: {  	v15 =	vld.idx.msk [tilespmem:v43+s8+$0x0], $0xffff  }
0x15f: {  	v16 =	vld.idx.msk [tilespmem:v44+s8+$0x0], $0xffff  }
0x160: {  	(v2sf) =	vpush @!p0 v3, $0x1;
	_ =	sdelay $0x3  }
0x161: {  	v13 =	vmul.f32 v15, v13;
	v14 =	vmul.f32 v16, v14;
	_ =	sdelay $0x1  }
0x162: {  	v13 =	vadd.f32 v14, v13;
	_ =	sdelay $0x1  }
0x163: {  	(xrf2) =	vadd.scan.msk.f32 $0xffff, v13;
	_ =	sdelay $0x2  }
0x164: {  	s4 =	spop @!p0 (v2sf)  }
0x165: {  	s4 =	sand.u32 @!p0 $0xFFFFF80, s4  }
0x166: {  	s8 =	simm.s32 @!p0 $0x1400;
	s4 =	sadd.s32 @!p0 s9, s4  }
0x167: {  	[tilespmem:s8], [sflag:$0x2] =	stream.strided.gather @!p0 [hbm4b:s4+s24], $0x1000, s21, s24, $0x38;
	[tilespmem:$0x10600] =	vst v63  }
0x168: {  	s4 =	spop @!p0 (v2sf)  }
0x169: {  	s4 =	sand.u32 @!p0 $0xFFFFF80, s4  }
0x16a: {  	s8 =	simm.s32 @!p0 $0x9400;
	s4 =	sadd.s32 @!p0 s2, s4  }
0x16b: {  	[tilespmem:s8], [sflag:$0xA] =	stream.strided.gather @!p0 [hbm4b:s4+s24], $0x1000, s21, s24, $0x38;
	v13, _, _ =	vpop (xrf2);
	[tilespmem:$0x10600] =	vst v63  }
0x16c: {  	_ =	swait.ge [sflag:s18], $0x1000  }
0x16d: {  	s13 =	rddreg [dreg:$0x11]  }
0x16e: {  	s4 =	sand.u32 $0x7F, s13  }
0x16f: {  	[sflag:s18] =	ssyncset.done $0x0;
	s14 =	rddreg [dreg:$0x10];
	v45 =	vor.u32 s4, v0  }
0x170: {  	[sflag:s18] =	ssyncadd.s32 $0xFFFFF000;
	s8 =	sand.u32 $0x7F, s14;
	v46 =	vor.u32 s4, v1  }
0x171: {  	_ =	swait.ge [sflag:s20], $0x1000;
	v47 =	vor.u32 s8, v0  }
0x172: {  	v17 =	vor.u32 s8, v1;
	[sflag:s20] =	ssyncset.done $0x0  }
0x173: {  	s15 =	simm.s32 $0x2400;
	[sflag:s20] =	ssyncadd.s32 $0xFFFFF000  }
0x174: {  	(v2sf) =	vpush @!p0 v2, $0x2;
	v14 =	vld.idx.msk [tilespmem:v45+s15+$0x0], $0xffff  }
0x175: {  	s16 =	simm.s32 $0xA400;
	v15 =	vld.idx.msk [tilespmem:v46+s15+$0x0], $0xffff  }
0x176: {  	v16 =	vld.idx.msk [tilespmem:v47+s16+$0x0], $0xffff  }
0x177: {  	v17 =	vld.idx.msk [tilespmem:v17+s16+$0x0], $0xffff  }
0x178: {  	(v2sf) =	vpush @!p0 v3, $0x2;
	_ =	sdelay $0x3  }
0x179: {  	v14 =	vmul.f32 v16, v14;
	v15 =	vmul.f32 v17, v15;
	_ =	sdelay $0x1  }
0x17a: {  	v14 =	vadd.f32 v15, v14;
	_ =	sdelay $0x1  }
0x17b: {  	(xrf2) =	vadd.scan.msk.f32 $0xffff, v14;
	_ =	sdelay $0x2  }
0x17c: {  	s4 =	spop @!p0 (v2sf)  }
0x17d: {  	s4 =	sand.u32 @!p0 $0xFFFFF80, s4  }
0x17e: {  	s8 =	simm.s32 @!p0 $0x2400;
	s4 =	sadd.s32 @!p0 s9, s4  }
0x17f: {  	[tilespmem:s8], [sflag:$0x3] =	stream.strided.gather @!p0 [hbm4b:s4+s24], $0x1000, s21, s24, $0x38;
	[tilespmem:$0x10600] =	vst v63  }
0x180: {  	s4 =	spop @!p0 (v2sf)  }
0x181: {  	s4 =	sand.u32 @!p0 $0xFFFFF80, s4  }
0x182: {  	s8 =	simm.s32 @!p0 $0xA400;
	s4 =	sadd.s32 @!p0 s2, s4  }
0x183: {  	[tilespmem:s8], [sflag:$0xB] =	stream.strided.gather @!p0 [hbm4b:s4+s24], $0x1000, s21, s24, $0x38;
	v14, _, _ =	vpop (xrf2);
	[tilespmem:$0x10600] =	vst v63  }
0x184: {  	_ =	swait.ge [sflag:s22], $0x1000  }
0x185: {  	s20 =	rddreg [dreg:$0x13]  }
0x186: {  	[sflag:s22] =	ssyncset.done $0x0;
	s4 =	sand.u32 $0x7F, s20  }
0x187: {  	[sflag:s22] =	ssyncadd.s32 $0xFFFFF000;
	s22 =	rddreg [dreg:$0x12];
	v48 =	vor.u32 s4, v0  }
0x188: {  	s8 =	sand.u32 $0x7F, s22;
	v49 =	vor.u32 s4, v1  }
0x189: {  	_ =	swait.ge [sflag:s23], $0x1000;
	v50 =	vor.u32 s8, v0  }
0x18a: {  	[sflag:s23] =	ssyncset.done $0x0;
	v18 =	vor.u32 s8, v1  }
0x18b: {  	s13 =	simm.s32 $0x3400;
	[sflag:s23] =	ssyncadd.s32 $0xFFFFF000  }
0x18c: {  	(v2sf) =	vpush @!p0 v2, $0x3;
	v15 =	vld.idx.msk [tilespmem:v48+s13+$0x0], $0xffff  }
0x18d: {  	s15 =	simm.s32 $0xB400;
	v16 =	vld.idx.msk [tilespmem:v49+s13+$0x0], $0xffff  }
0x18e: {  	v17 =	vld.idx.msk [tilespmem:v50+s15+$0x0], $0xffff  }
0x18f: {  	v18 =	vld.idx.msk [tilespmem:v18+s15+$0x0], $0xffff  }
0x190: {  	(v2sf) =	vpush @!p0 v3, $0x3;
	_ =	sdelay $0x3  }
0x191: {  	v15 =	vmul.f32 v17, v15;
	v16 =	vmul.f32 v18, v16;
	_ =	sdelay $0x1  }
0x192: {  	v15 =	vadd.f32 v16, v15;
	_ =	sdelay $0x1  }
0x193: {  	(xrf2) =	vadd.scan.msk.f32 $0xffff, v15;
	_ =	sdelay $0x2  }
0x194: {  	s4 =	spop @!p0 (v2sf)  }
0x195: {  	s4 =	sand.u32 @!p0 $0xFFFFF80, s4  }
0x196: {  	s8 =	simm.s32 @!p0 $0x3400;
	s4 =	sadd.s32 @!p0 s9, s4  }
0x197: {  	[tilespmem:s8], [sflag:$0x4] =	stream.strided.gather @!p0 [hbm4b:s4+s24], $0x1000, s21, s24, $0x38;
	[tilespmem:$0x10600] =	vst v63  }
0x198: {  	s4 =	spop @!p0 (v2sf)  }
0x199: {  	s4 =	sand.u32 @!p0 $0xFFFFF80, s4  }
0x19a: {  	s8 =	simm.s32 @!p0 $0xB400;
	s4 =	sadd.s32 @!p0 s2, s4  }
0x19b: {  	[tilespmem:s8], [sflag:$0xC] =	stream.strided.gather @!p0 [hbm4b:s4+s24], $0x1000, s21, s24, $0x38;
	v15, _, _ =	vpop (xrf2);
	[tilespmem:$0x10600] =	vst v63  }
0x19c: {  	_ =	swait.ge [sflag:s25], $0x1000  }
0x19d: {  	s22 =	rddreg [dreg:$0x15]  }
0x19e: {  	s4 =	sand.u32 $0x7F, s22  }
0x19f: {  	[sflag:s25] =	ssyncset.done $0x0;
	s23 =	rddreg [dreg:$0x14];
	v51 =	vor.u32 s4, v0  }
0x1a0: {  	[sflag:s25] =	ssyncadd.s32 $0xFFFFF000;
	s8 =	sand.u32 $0x7F, s23;
	v52 =	vor.u32 s4, v1  }
0x1a1: {  	_ =	swait.ge [sflag:s28], $0x1000;
	v53 =	vor.u32 s8, v0  }
0x1a2: {  	v19 =	vor.u32 s8, v1;
	[sflag:s28] =	ssyncset.done $0x0  }
0x1a3: {  	s8 =	simm.s32 $0x4400;
	[sflag:s28] =	ssyncadd.s32 $0xFFFFF000  }
0x1a4: {  	(v2sf) =	vpush @!p0 v2, $0x4;
	v16 =	vld.idx.msk [tilespmem:v51+s8+$0x0], $0xffff  }
0x1a5: {  	s13 =	simm.s32 $0xC400;
	v17 =	vld.idx.msk [tilespmem:v52+s8+$0x0], $0xffff  }
0x1a6: {  	v18 =	vld.idx.msk [tilespmem:v53+s13+$0x0], $0xffff  }
0x1a7: {  	v19 =	vld.idx.msk [tilespmem:v19+s13+$0x0], $0xffff  }
0x1a8: {  	(v2sf) =	vpush @!p0 v3, $0x4;
	_ =	sdelay $0x3  }
0x1a9: {  	v16 =	vmul.f32 v18, v16;
	v17 =	vmul.f32 v19, v17;
	_ =	sdelay $0x1  }
0x1aa: {  	v16 =	vadd.f32 v17, v16;
	_ =	sdelay $0x1  }
0x1ab: {  	(xrf2) =	vadd.scan.msk.f32 $0xffff, v16;
	_ =	sdelay $0x2  }
0x1ac: {  	s4 =	spop @!p0 (v2sf)  }
0x1ad: {  	s4 =	sand.u32 @!p0 $0xFFFFF80, s4  }
0x1ae: {  	s8 =	simm.s32 @!p0 $0x4400;
	s4 =	sadd.s32 @!p0 s9, s4  }
0x1af: {  	[tilespmem:s8], [sflag:$0x5] =	stream.strided.gather @!p0 [hbm4b:s4+s24], $0x1000, s21, s24, $0x38;
	[tilespmem:$0x10600] =	vst v63  }
0x1b0: {  	s4 =	spop @!p0 (v2sf)  }
0x1b1: {  	s4 =	sand.u32 @!p0 $0xFFFFF80, s4  }
0x1b2: {  	s8 =	simm.s32 @!p0 $0xC400;
	s4 =	sadd.s32 @!p0 s2, s4  }
0x1b3: {  	[tilespmem:s8], [sflag:$0xD] =	stream.strided.gather @!p0 [hbm4b:s4+s24], $0x1000, s21, s24, $0x38;
	v16, _, _ =	vpop (xrf2);
	[tilespmem:$0x10600] =	vst v63  }
0x1b4: {  	s0 =	sand.u32 $0x7F, s0;
	_ =	swait.ge [sflag:s26], $0x1000  }
0x1b5: {  	v54 =	vor.u32 s0, v0;
	[sflag:s26] =	ssyncset.done $0x0;
	s23 =	rddreg [dreg:$0x16]  }
0x1b6: {  	v55 =	vor.u32 s0, v1;
	[sflag:s26] =	ssyncadd.s32 $0xFFFFF000;
	s4 =	sand.u32 $0x7F, s23  }
0x1b7: {  	_ =	swait.ge [sflag:s29], $0x1000;
	v56 =	vor.u32 s4, v0  }
0x1b8: {  	v20 =	vor.u32 s4, v1;
	[sflag:s29] =	ssyncset.done $0x0  }
0x1b9: {  	s13 =	simm.s32 $0x5400;
	[sflag:s29] =	ssyncadd.s32 $0xFFFFF000  }
0x1ba: {  	(v2sf) =	vpush @!p0 v2, $0x5;
	v17 =	vld.idx.msk [tilespmem:v54+s13+$0x0], $0xffff  }
0x1bb: {  	s4 =	simm.s32 $0xD400;
	v18 =	vld.idx.msk [tilespmem:v55+s13+$0x0], $0xffff  }
0x1bc: {  	v19 =	vld.idx.msk [tilespmem:v56+s4+$0x0], $0xffff  }
0x1bd: {  	v20 =	vld.idx.msk [tilespmem:v20+s4+$0x0], $0xffff  }
0x1be: {  	(v2sf) =	vpush @!p0 v3, $0x5;
	_ =	sdelay $0x3  }
0x1bf: {  	v17 =	vmul.f32 v19, v17;
	v18 =	vmul.f32 v20, v18;
	_ =	sdelay $0x1  }
0x1c0: {  	v17 =	vadd.f32 v18, v17;
	_ =	sdelay $0x1  }
0x1c1: {  	(xrf2) =	vadd.scan.msk.f32 $0xffff, v17;
	_ =	sdelay $0x2  }
0x1c2: {  	s0 =	spop @!p0 (v2sf)  }
0x1c3: {  	s0 =	sand.u32 @!p0 $0xFFFFF80, s0  }
0x1c4: {  	s4 =	simm.s32 @!p0 $0x5400;
	s0 =	sadd.s32 @!p0 s9, s0  }
0x1c5: {  	[tilespmem:s4], [sflag:$0x6] =	stream.strided.gather @!p0 [hbm4b:s0+s24], $0x1000, s21, s24, $0x38;
	[tilespmem:$0x10600] =	vst v63  }
0x1c6: {  	s0 =	spop @!p0 (v2sf)  }
0x1c7: {  	s0 =	sand.u32 @!p0 $0xFFFFF80, s0  }
0x1c8: {  	s4 =	simm.s32 @!p0 $0xD400;
	s0 =	sadd.s32 @!p0 s2, s0  }
0x1c9: {  	[tilespmem:s4], [sflag:$0xE] =	stream.strided.gather @!p0 [hbm4b:s0+s24], $0x1000, s21, s24, $0x38;
	v17, _, _ =	vpop (xrf2);
	[tilespmem:$0x10600] =	vst v63  }
0x1ca: {  	s4 =	sand.u32 $0x7F, s5;
	_ =	swait.ge [sflag:s30], $0x1000  }
0x1cb: {  	v57 =	vor.u32 s4, v0;
	[sflag:s30] =	ssyncset.done $0x0  }
0x1cc: {  	s3 =	sand.u32 $0x7F, s3;
	v58 =	vor.u32 s4, v1;
	[sflag:s30] =	ssyncadd.s32 $0xFFFFF000  }
0x1cd: {  	v59 =	vor.u32 s3, v0;
	_ =	swait.ge [sflag:s31], $0x1000  }
0x1ce: {  	v21 =	vor.u32 s3, v1;
	[sflag:s31] =	ssyncset.done $0x0  }
0x1cf: {  	s5 =	simm.s32 $0x6400;
	[sflag:s31] =	ssyncadd.s32 $0xFFFFF000  }
0x1d0: {  	(v2sf) =	vpush @!p0 v2, $0x6;
	v18 =	vld.idx.msk [tilespmem:v57+s5+$0x0], $0xffff  }
0x1d1: {  	s3 =	simm.s32 $0xE400;
	v19 =	vld.idx.msk [tilespmem:v58+s5+$0x0], $0xffff  }
0x1d2: {  	v20 =	vld.idx.msk [tilespmem:v59+s3+$0x0], $0xffff  }
0x1d3: {  	v21 =	vld.idx.msk [tilespmem:v21+s3+$0x0], $0xffff  }
0x1d4: {  	(v2sf) =	vpush @!p0 v3, $0x6;
	_ =	sdelay $0x3  }
0x1d5: {  	v18 =	vmul.f32 v20, v18;
	v19 =	vmul.f32 v21, v19;
	_ =	sdelay $0x1  }
0x1d6: {  	v18 =	vadd.f32 v19, v18;
	_ =	sdelay $0x1  }
0x1d7: {  	(xrf2) =	vadd.scan.msk.f32 $0xffff, v18;
	_ =	sdelay $0x2  }
0x1d8: {  	s0 =	spop @!p0 (v2sf)  }
0x1d9: {  	s0 =	sand.u32 @!p0 $0xFFFFF80, s0  }
0x1da: {  	s3 =	simm.s32 @!p0 $0x6400;
	s0 =	sadd.s32 @!p0 s9, s0  }
0x1db: {  	[tilespmem:s3], [sflag:$0x7] =	stream.strided.gather @!p0 [hbm4b:s0+s24], $0x1000, s21, s24, $0x38;
	[tilespmem:$0x10600] =	vst v63  }
0x1dc: {  	s0 =	spop @!p0 (v2sf)  }
0x1dd: {  	s0 =	sand.u32 @!p0 $0xFFFFF80, s0  }
0x1de: {  	s3 =	simm.s32 @!p0 $0xE400;
	s0 =	sadd.s32 @!p0 s2, s0  }
0x1df: {  	[tilespmem:s3], [sflag:$0xF] =	stream.strided.gather @!p0 [hbm4b:s0+s24], $0x1000, s21, s24, $0x38;
	v18, _, _ =	vpop (xrf2);
	[tilespmem:$0x10600] =	vst v63  }
0x1e0: {  	s21 =	sand.u32 $0x7F, s6;
	_ =	swait.ge [sflag:s19], $0x1000  }
0x1e1: {  	s24 =	sand.u32 $0x7F, s7;
	v60 =	vor.u32 s21, v0;
	[sflag:s19] =	ssyncset.done $0x0  }
0x1e2: {  	v61 =	vor.u32 s24, v0;
	[sflag:s19] =	ssyncadd.s32 $0xFFFFF000  }
0x1e3: {  	v62 =	vor.u32 s21, v1;
	_ =	swait.ge [sflag:s12], $0x1000  }
0x1e4: {  	v22 =	vor.u32 s24, v1;
	[sflag:s12] =	ssyncset.done $0x0  }
0x1e5: {  	s8 =	simm.s32 $0x7400;
	[sflag:s12] =	ssyncadd.s32 $0xFFFFF000  }
0x1e6: {  	v19 =	vld.idx.msk [tilespmem:v60+s8+$0x0], $0xffff  }
0x1e7: {  	v20 =	vld.idx.msk [tilespmem:v61+s1+$0x0], $0xffff  }
0x1e8: {  	v21 =	vld.idx.msk [tilespmem:v62+s8+$0x0], $0xffff  }
0x1e9: {  	v22 =	vld.idx.msk [tilespmem:v22+s1+$0x0], $0xffff;
	_ =	sdelay $0x2  }
0x1ea: {  	v4 =	vbroadcast v4, $0xF  }
0x1eb: {  	v5 =	vbroadcast v5, $0xF;
	v6 =	vbroadcast v6, $0xF  }
0x1ec: {  	v19 =	vmul.f32 v20, v19;
	v63 =	vmul.f32 v22, v21  }
0x1ed: {  	v4 =	vsel vm0, v4, v5;
	v5 =	vbroadcast v7, $0xF  }
0x1ee: {  	v4 =	vsel vm1, v4, v6;
	v7 =	vbroadcast v8, $0xF;
	v6 =	vadd.f32 v63, v19  }
0x1ef: {  	v4 =	vsel vm2, v4, v5;
	v5 =	vbroadcast v9, $0xF  }
0x1f0: {  	v4 =	vsel vm3, v4, v7;
	(xrf2) =	vadd.scan.msk.f32 $0xffff, v6;
	v6 =	vbroadcast v10, $0xF  }
0x1f1: {  	v4 =	vsel vm4, v4, v5;
	v5 =	vbroadcast v11, $0xF  }
0x1f2: {  	v4 =	vsel vm5, v4, v6;
	v6 =	vbroadcast v12, $0xF  }
0x1f3: {  	v4 =	vsel vm6, v4, v5;
	v5 =	vbroadcast v13, $0xF  }
0x1f4: {  	v4 =	vsel vm7, v4, v6;
	v6 =	vbroadcast v14, $0xF  }
0x1f5: {  	v4 =	vsel vm8, v5, v4;
	v5 =	vbroadcast v15, $0xF  }
0x1f6: {  	v4 =	vsel vm9, v6, v4  }
0x1f7: {  	p0 =	sne.s32 s17, $0xFFFFFFFF;
	v6 =	vbroadcast v16, $0xF;
	v4 =	vsel vm10, v5, v4;
	v5 =	vbroadcast v17, $0xF  }
.Ltmp2:
0x1f8: {  	_ = 	snop;
	(pc) =	sbr.rel @!p0 .LBB2_3-.Ltmp2, $4  }
0x1f9: {  	s18 =	simm.s32 $0x2400;
	v4 =	vsel vm11, v6, v4;
	v6 =	vbroadcast v18, $0xF  }
0x1fa: {  	s14 =	simm.s32 $0xA400;
	s16 =	simm.s32 $0xB400;
	s20 =	simm.s32 $0x3400;
	v4 =	vsel vm12, v5, v4  }
0x1fb: {  	s15 =	simm.s32 $0x4400;
	s22 =	simm.s32 $0xC400;
	s23 =	simm.s32 $0x5400;
	v4 =	vsel vm13, v6, v4;
	v5, _, _ =	vpop (xrf2)  }
0x1fc: {  	s13 =	simm.s32 $0xD400;
	s4 =	simm.s32 $0x6400;
	s5 =	simm.s32 $0xE400;
	v4 =	vsel vm14, v4, v5  }
0x1fd: {  	(v2sf) =	vpush v2, $0x7;
	_ =	sdelay $0x3  }
0x1fe: {  	(v2sf) =	vpush v3, $0x7;
	_ =	sdelay $0xa  }
0x1ff: {  	s0 =	spop (v2sf)  }
0x200: {  	s17 =	sadd.s32 $0x1, s17;
	s0 =	sand.u32 $0xFFFFF80, s0  }
0x201: {  	s24 =	rddreg [dreg:$0xc];
	p0 =	seq.s32 s17, $0x0;
	s0 =	sadd.s32 s9, s0  }
0x202: {  	[tilespmem:s8], [sflag:$0x8] =	stream.strided.gather [hbm4b:s0+s11], $0x1000, s10, s11, $0x38;
	[tilespmem:$0x10600] =	vst v63  }
.Ltmp3:
0x203: {  	s21 =	spop (v2sf);
	(pc) =	sbr.rel @!p0 .LBB2_2-.Ltmp3, $4  }
.Ltmp4:
0x204: {  	s3 =	rddreg [dreg:$0xd];
	s0 =	sand.u32 $0xFFFFF80, s21;
	(pc) =	sbr.rel @p0 .LBB2_5-.Ltmp4, $4  }
0x205: {  	s6 =	rddreg [dreg:$0xb];
	s0 =	sadd.s32 s2, s0  }
0x206: {  	[tilespmem:s1], [sflag:$0x10] =	stream.strided.gather [hbm4b:s0+s11], $0x1000, s10, s11, $0x38;
	[tilespmem:$0x10600] =	vst v63  }
0x207: {  	s3 =	sadd.s32 $0x10, s3;
	s6 =	sadd.s32 $0x10, s6;
	s0 =	sadd.s32 $0x10, s24;
	[tilespmem:s24+$0x0] =	vst v4  }
0x208: {  	_ = 	snop  }
.LBB2_6:
0x209: {  	_ =	sfence.sel $0x180000  }
0x20a: {  	[bflag:$0x0] =	sbarrier.arrive $0xFFFF  }
0x20b: {  	_ =	strace $0x90000047  }
0x20c: {  	s0 =	stileid.u32;
	[bflag:$0x2] =	sbarrier.arrive $0xFFFF  }
0x20d: {  	p0 =	sne.s32 s0, $0x0;
	s0 =	rddreg [dreg:$0x5]  }
0x20e: {  	s0 =	sadd.s32 @!p0 $0x100000, s0  }
0x20f: {  	[sflag:s0] =	ssyncadd.tile.s32 @!p0 $0x1;
	_ =	shalt  }
.Lfunc_end2:
_tile_overlayer_lowered:
.L_overlay_start_2:
0x210: {  	(tag) =	ssettag $0x2  }
0x211: {  	s0 =	rddreg [dreg:$0x0];
	s2 =	stileid.u32  }
0x212: {  	s1 =	rddreg [dreg:$0x1];
	p0 =	sne.s32 s2, $0x0  }
0x213: {  	s3 =	rddreg [dreg:$0x2];
	[bflag:$0x3] =	sbarrier.arrive $0xFFFF;
	s2 =	simm.s32 @!p0 $0x1C11  }
0x214: {  	[timem:s3], [sflag:s2] =	dma.local @!p0 [hbm:s0], s1  }
0x215: {  	s0 =	simm.s32 @!p0 $0x11  }
0x216: {  	_ =	swait.ge @!p0 [sflag:s0], s1  }
0x217: {  	s1 =	ssub.s32 @!p0 $0x0, s1;
	[sflag:s0] =	ssyncset.done @!p0 $0x0  }
0x218: {  	[sflag:s0] =	ssyncadd.s32 @!p0 s1  }
0x219: {  	[bflag:$0x3] =	sbarrier.arrive $0xFFFF  }
0x21a: {  	_ =	shalt  }

</sc_bundles>
